<compile_context>
chip_gen: v7x
topology: tpu7x:2x2x1
jax: 0.10.2.dev20260603
libtpu: 0.0.44.dev20260713+nightly
codegen_flags: <defaults>
</compile_context>

<pallas_src>
import functools

import jax
import jax.numpy as jnp
from jax import lax
from jax.experimental import pallas as pl
from jax.experimental.pallas import tpu as pltpu
from jax.experimental.pallas import tpu_sc as plsc

NC = 2
NS = 16
NWA = 28
LANES = 16
PDIM = 7
LW = 16
GB = 4
UNROLL = 2


@functools.cache
def _make_sc_kernel(B, L, D):
    DJ = D // LANES
    mesh = plsc.VectorSubcoreMesh(core_axis_name="c", subcore_axis_name="s")

    @functools.partial(
        pl.kernel,
        mesh=mesh,
        out_type=jax.ShapeDtypeStruct((B, L, D), jnp.float32),
        scratch_types=[
            pltpu.VMEM((B, LW), jnp.int32),
            pltpu.VMEM((2, LW, LANES), jnp.float32),
            pltpu.VMEM((LW, D), jnp.float32),
            pltpu.VMEM((PDIM, D), jnp.float32),
            pltpu.VMEM((D,), jnp.float32),
            pltpu.VMEM((2, LW, D), jnp.float32),
            pltpu.VMEM((2, LW, D), jnp.float32),
            pltpu.SemaphoreType.DMA,
            pltpu.SemaphoreType.DMA,
            pltpu.SemaphoreType.DMA,
            pltpu.SemaphoreType.DMA,
            pltpu.SemaphoreType.DMA,
            pltpu.SemaphoreType.DMA,
        ],
    )
    def k(ids_hbm, pros_hbm, table_hbm, pos_hbm, projw_hbm, projb_hbm,
          out_hbm, ids_v, pb_v, posb_v, w_v, b_v, rows_v, outb_v,
          sem_g0, sem_g1, sem_s0, sem_s1, sem_p0, sem_p1):
        wid = lax.axis_index("s") * NC + lax.axis_index("c")

        @pl.when(wid < NWA)
        def _body():
            l0 = wid * LW
            sem_g = (sem_g0, sem_g1)
            sem_s = (sem_s0, sem_s1)
            sem_p = (sem_p0, sem_p1)

            pltpu.sync_copy(ids_hbm.at[wid], ids_v)
            pltpu.sync_copy(pos_hbm.at[wid], posb_v)
            pltpu.sync_copy(projw_hbm, w_v)
            pltpu.sync_copy(projb_hbm, b_v)

            def fold_i(i, c):
                def fold_j(j, c2):
                    sl = pl.ds(j * LANES, LANES)
                    posb_v[i, sl] = posb_v[i, sl] + b_v[sl]
                    return c2
                return lax.fori_loop(0, DJ, fold_j, c)
            lax.fori_loop(0, LW, fold_i, None)

            def start_fetch(p, b):
                pltpu.async_copy(
                    table_hbm.at[ids_v.at[b]], rows_v.at[p], sem_g[p])
                pltpu.async_copy(
                    pros_hbm.at[wid, b], pb_v.at[p], sem_p[p])

            def wait_fetch(p, b):
                pltpu.make_async_copy(
                    table_hbm.at[ids_v.at[b]], rows_v.at[p], sem_g[p]).wait()
                pltpu.make_async_copy(
                    pros_hbm.at[wid, b], pb_v.at[p], sem_p[p]).wait()

            def start_scatter(p, b):
                pltpu.async_copy(
                    outb_v.at[p], out_hbm.at[b, pl.ds(l0, LW)], sem_s[p])

            def wait_scatter(p, b):
                pltpu.make_async_copy(
                    outb_v.at[p], out_hbm.at[b, pl.ds(l0, LW)],
                    sem_s[p]).wait()

            def compute(p):
                def body_ib(ib, c):
                    i0 = ib * GB
                    pvec = []
                    for g in range(GB):
                        pv = pb_v[p, i0 + g, :]
                        pvec.append([pv[kk] for kk in range(PDIM)])

                    @plsc.parallel_loop(0, DJ, step=UNROLL)
                    def body_j(j):
                        for u in range(UNROLL):
                            sl = pl.ds((j + u) * LANES, LANES)
                            w = [w_v[kk, sl] for kk in range(PDIM)]
                            for g in range(GB):
                                i = i0 + g
                                pk = pvec[g]
                                acc = rows_v[p, i, sl] + posb_v[i, sl]
                                m01 = pk[0] * w[0] + pk[1] * w[1]
                                m23 = pk[2] * w[2] + pk[3] * w[3]
                                m45 = pk[4] * w[4] + pk[5] * w[5]
                                acc = acc + (m01 + m23)
                                acc = acc + (m45 + pk[6] * w[6])
                                outb_v[p, i, sl] = acc
                    return c
                lax.fori_loop(0, LW // GB, body_ib, None)

            start_fetch(0, 0)
            start_fetch(1, 1)

            def body_t(t, c):
                for p in range(2):
                    b = 2 * t + p
                    wait_fetch(p, b)

                    @pl.when(t > 0)
                    def _():
                        wait_scatter(p, b - 2)

                    compute(p)
                    start_scatter(p, b)

                    @pl.when(b + 2 < B)
                    def _():
                        start_fetch(p, b + 2)
                return c
            lax.fori_loop(0, B // 2, body_t, None)

            for p in range(2):
                wait_scatter(p, B - 2 + p)

    return k


def kernel(token_ids, prosody_features, token_table, pos_table, proj_w,
           proj_b):
    B, L = token_ids.shape
    D = token_table.shape[1]
    ids_prep = (token_ids.astype(jnp.int32)
                .reshape(B, NWA, LW).transpose(1, 0, 2))
    pros_prep = jnp.pad(prosody_features, ((0, 0), (0, 0), (0, LANES - PDIM)))
    pros_prep = (pros_prep.reshape(B, NWA, LW, LANES)
                 .transpose(1, 0, 2, 3))
    pos_prep = pos_table.reshape(NWA, LW, D)
    k = _make_sc_kernel(B, L, D)
    return k(ids_prep, pros_prep, token_table, pos_prep, proj_w, proj_b)

# --- scband reference (transcript-rebuilt; emitter-appended) ---
"""Pipeline reference for scband-whisper-prosody-embedding-24927990186471 (READ-ONLY COPY).

The authoritative reference and input builder live on the scoring server;
editing this copy changes nothing except your own understanding.
"""

import jax, jax.numpy as jnp
import numpy as np

VOCAB = 51865
EMBED_DIM = 1024
MAX_POS = 448
PROSODY_DIM = 7
B = 64
L = 448


def setup_inputs(seed: int = 0) -> dict:
    key = jax.random.key(seed)
    k1, k2, k3, k4, k5, k6 = jax.random.split(key, 6)
    token_ids = jax.random.randint(k1, (B, L), 0, VOCAB, dtype=jnp.int64) if jax.config.jax_enable_x64 else jax.random.randint(k1, (B, L), 0, VOCAB, dtype=jnp.int32)
    prosody_features = jax.random.normal(k2, (B, L, PROSODY_DIM), dtype=jnp.float32)
    token_table = jax.random.normal(k3, (VOCAB, EMBED_DIM), dtype=jnp.float32) * 0.02
    pos_table = jax.random.normal(k4, (MAX_POS, EMBED_DIM), dtype=jnp.float32) * 0.02
    proj_w = jax.random.normal(k5, (PROSODY_DIM, EMBED_DIM), dtype=jnp.float32) * (1.0 / np.sqrt(PROSODY_DIM))
    proj_b = jax.random.normal(k6, (EMBED_DIM,), dtype=jnp.float32) * 0.01
    return {
        "token_ids": token_ids,
        "prosody_features": prosody_features,
        "token_table": token_table,
        "pos_table": pos_table,
        "proj_w": proj_w,
        "proj_b": proj_b,
    }


def reference(token_ids, prosody_features, token_table, pos_table, proj_w, proj_b):
    # tok_emb = self.token_embedding(token_ids)  -> gather rows
    tok_emb = jnp.take(token_table, token_ids, axis=0)  # [B, L, D]
    # pos_ids = arange(L)[None, :]; pos_emb = positional_embedding(pos_ids)
    pos_ids = jnp.arange(token_ids.shape[1])[None, :]  # [1, L]
    pos_emb = jnp.take(pos_table, pos_ids, axis=0)  # [1, L, D]
    # pros_emb = Linear(prosody_features)
    pros_emb = jnp.einsum("blp,pd->bld", prosody_features, proj_w) + proj_b
    return tok_emb + pos_emb + pros_emb

if __name__ == "__main__":
    import jax
    _d = setup_inputs()
    print(jax.jit(kernel)(*tuple(_d.values())))

</pallas_src>

<mosaic_0001>
#map = affine_map<(d0, d1) -> (0, 0, 0)>
#map1 = affine_map<(d0, d1) -> (0, 0, 0, 0)>
#map2 = affine_map<(d0, d1) -> (0, 0)>
#map3 = affine_map<(d0, d1) -> (0)>
module attributes {stable_mosaic.version = 14 : i64} {
  func.func @k(%arg0: i32, %arg1: i32, %arg2: memref<28x64x16xi32, #tpu.memory_space<hbm>>, %arg3: memref<28x64x16x16xf32, #tpu.memory_space<hbm>>, %arg4: memref<51865x1024xf32, #tpu.memory_space<hbm>>, %arg5: memref<28x16x1024xf32, #tpu.memory_space<hbm>>, %arg6: memref<7x1024xf32, #tpu.memory_space<hbm>>, %arg7: memref<1024xf32, #tpu.memory_space<hbm>>, %arg8: memref<64x448x1024xf32, #tpu.memory_space<hbm>>, %arg9: memref<64x16xi32, #tpu.memory_space<vmem>>, %arg10: memref<2x16x16xf32, #tpu.memory_space<vmem>>, %arg11: memref<16x1024xf32, #tpu.memory_space<vmem>>, %arg12: memref<7x1024xf32, #tpu.memory_space<vmem>>, %arg13: memref<1024xf32, #tpu.memory_space<vmem>>, %arg14: memref<2x16x1024xf32, #tpu.memory_space<vmem>>, %arg15: memref<2x16x1024xf32, #tpu.memory_space<vmem>>, %arg16: memref<!tpu.dma_semaphore, #tpu.memory_space<semaphore_mem>>, %arg17: memref<!tpu.dma_semaphore, #tpu.memory_space<semaphore_mem>>, %arg18: memref<!tpu.dma_semaphore, #tpu.memory_space<semaphore_mem>>, %arg19: memref<!tpu.dma_semaphore, #tpu.memory_space<semaphore_mem>>, %arg20: memref<!tpu.dma_semaphore, #tpu.memory_space<semaphore_mem>>, %arg21: memref<!tpu.dma_semaphore, #tpu.memory_space<semaphore_mem>>) attributes {dimension_semantics = [#tpu.dimension_semantics<core_parallel>, #tpu.dimension_semantics<subcore_parallel>], iteration_bounds = array<i64: 2, 16>, scalar_prefetch = 0 : i64, scratch_operands = 13 : i64, tpu.core_type = #tpu.core_type<sc_vector_subcore>, window_params = [{transform_indices = #map}, {transform_indices = #map1}, {transform_indices = #map2}, {transform_indices = #map}, {transform_indices = #map2}, {transform_indices = #map3}, {transform_indices = #map}]} {
    %mul3A = arith.constant 2 : i32
    %mul3A_0 = arith.muli %arg1, %mul3A : i32
    %add3A = arith.addi %mul3A_0, %arg0 : i32
    %lt3A = arith.constant 28 : i32
    %lt3A_1 = arith.cmpi slt, %add3A, %lt3A : i32
    %convert_element_type3A = arith.extui %lt3A_1 : i1 to i32
    %cond3A = arith.constant 0 : i32
    %cond3A_2 = arith.cmpi ne, %convert_element_type3A, %cond3A : i32
    scf.if %cond3A_2 {
      %mul3A_3 = arith.constant 16 : i32
      %mul3A_4 = arith.muli %add3A, %mul3A_3 : i32
      "tpu.region"() ({
        %run_scoped3A = tpu.sem_alloc : memref<!tpu.dma_semaphore, #tpu.memory_space<semaphore_mem>>
        %dma_start3A_104 = arith.constant 0 : i32
        %dma_start3A_105 = arith.constant 0 : i32
        %dma_start3A_106 = tpu.memref_slice %arg2[%add3A, %dma_start3A_104, %dma_start3A_105] : memref<28x64x16xi32, #tpu.memory_space<hbm>> -> memref<1x64x16xi32, #tpu.memory_space<hbm>>
        %dma_start3A_107 = tpu.memref_squeeze %dma_start3A_106 : memref<1x64x16xi32, #tpu.memory_space<hbm>> -> memref<64x16xi32, #tpu.memory_space<hbm>>
        %dma_start3A_108 = arith.constant 0 : i32
        %dma_start3A_109 = arith.constant 0 : i32
        %dma_start3A_110 = tpu.memref_slice %arg2[%add3A, %dma_start3A_108, %dma_start3A_109] : memref<28x64x16xi32, #tpu.memory_space<hbm>> -> memref<1x64x16xi32, #tpu.memory_space<hbm>>
        %dma_start3A_111 = tpu.memref_squeeze %dma_start3A_110 : memref<1x64x16xi32, #tpu.memory_space<hbm>> -> memref<64x16xi32, #tpu.memory_space<hbm>>
        tpu.enqueue_dma source(%dma_start3A_111 : memref<64x16xi32, #tpu.memory_space<hbm>>) target(%arg9 : memref<64x16xi32, #tpu.memory_space<vmem>>) target_semaphore(%run_scoped3A : memref<!tpu.dma_semaphore, #tpu.memory_space<semaphore_mem>>)
        %dma_wait3A_112 = arith.constant 0 : i32
        %dma_wait3A_113 = arith.constant 0 : i32
        %dma_wait3A_114 = tpu.memref_slice %arg2[%add3A, %dma_wait3A_112, %dma_wait3A_113] : memref<28x64x16xi32, #tpu.memory_space<hbm>> -> memref<1x64x16xi32, #tpu.memory_space<hbm>>
        %dma_wait3A_115 = tpu.memref_squeeze %dma_wait3A_114 : memref<1x64x16xi32, #tpu.memory_space<hbm>> -> memref<64x16xi32, #tpu.memory_space<hbm>>
        %dma_wait3A_116 = arith.constant 0 : i32
        %dma_wait3A_117 = arith.constant 0 : i32
        %dma_wait3A_118 = tpu.memref_slice %arg2[%add3A, %dma_wait3A_116, %dma_wait3A_117] : memref<28x64x16xi32, #tpu.memory_space<hbm>> -> memref<1x64x16xi32, #tpu.memory_space<hbm>>
        %dma_wait3A_119 = tpu.memref_squeeze %dma_wait3A_118 : memref<1x64x16xi32, #tpu.memory_space<hbm>> -> memref<64x16xi32, #tpu.memory_space<hbm>>
        tpu.wait_dma2 semaphore(%run_scoped3A : memref<!tpu.dma_semaphore, #tpu.memory_space<semaphore_mem>>) src(%dma_wait3A_119 : memref<64x16xi32, #tpu.memory_space<hbm>>) dst(%arg9 : memref<64x16xi32, #tpu.memory_space<vmem>>)
        tpu.yield
      }) : () -> ()
      "tpu.region"() ({
        %run_scoped3A = tpu.sem_alloc : memref<!tpu.dma_semaphore, #tpu.memory_space<semaphore_mem>>
        %dma_start3A_104 = arith.constant 0 : i32
        %dma_start3A_105 = arith.constant 0 : i32
        %dma_start3A_106 = tpu.memref_slice %arg5[%add3A, %dma_start3A_104, %dma_start3A_105] : memref<28x16x1024xf32, #tpu.memory_space<hbm>> -> memref<1x16x1024xf32, #tpu.memory_space<hbm>>
        %dma_start3A_107 = tpu.memref_squeeze %dma_start3A_106 : memref<1x16x1024xf32, #tpu.memory_space<hbm>> -> memref<16x1024xf32, #tpu.memory_space<hbm>>
        %dma_start3A_108 = arith.constant 0 : i32
        %dma_start3A_109 = arith.constant 0 : i32
        %dma_start3A_110 = tpu.memref_slice %arg5[%add3A, %dma_start3A_108, %dma_start3A_109] : memref<28x16x1024xf32, #tpu.memory_space<hbm>> -> memref<1x16x1024xf32, #tpu.memory_space<hbm>>
        %dma_start3A_111 = tpu.memref_squeeze %dma_start3A_110 : memref<1x16x1024xf32, #tpu.memory_space<hbm>> -> memref<16x1024xf32, #tpu.memory_space<hbm>>
        tpu.enqueue_dma source(%dma_start3A_111 : memref<16x1024xf32, #tpu.memory_space<hbm>>) target(%arg11 : memref<16x1024xf32, #tpu.memory_space<vmem>>) target_semaphore(%run_scoped3A : memref<!tpu.dma_semaphore, #tpu.memory_space<semaphore_mem>>)
        %dma_wait3A_112 = arith.constant 0 : i32
        %dma_wait3A_113 = arith.constant 0 : i32
        %dma_wait3A_114 = tpu.memref_slice %arg5[%add3A, %dma_wait3A_112, %dma_wait3A_113] : memref<28x16x1024xf32, #tpu.memory_space<hbm>> -> memref<1x16x1024xf32, #tpu.memory_space<hbm>>
        %dma_wait3A_115 = tpu.memref_squeeze %dma_wait3A_114 : memref<1x16x1024xf32, #tpu.memory_space<hbm>> -> memref<16x1024xf32, #tpu.memory_space<hbm>>
        %dma_wait3A_116 = arith.constant 0 : i32
        %dma_wait3A_117 = arith.constant 0 : i32
        %dma_wait3A_118 = tpu.memref_slice %arg5[%add3A, %dma_wait3A_116, %dma_wait3A_117] : memref<28x16x1024xf32, #tpu.memory_space<hbm>> -> memref<1x16x1024xf32, #tpu.memory_space<hbm>>
        %dma_wait3A_119 = tpu.memref_squeeze %dma_wait3A_118 : memref<1x16x1024xf32, #tpu.memory_space<hbm>> -> memref<16x1024xf32, #tpu.memory_space<hbm>>
        tpu.wait_dma2 semaphore(%run_scoped3A : memref<!tpu.dma_semaphore, #tpu.memory_space<semaphore_mem>>) src(%dma_wait3A_119 : memref<16x1024xf32, #tpu.memory_space<hbm>>) dst(%arg11 : memref<16x1024xf32, #tpu.memory_space<vmem>>)
        tpu.yield
      }) : () -> ()
      "tpu.region"() ({
        %run_scoped3A = tpu.sem_alloc : memref<!tpu.dma_semaphore, #tpu.memory_space<semaphore_mem>>
        tpu.enqueue_dma source(%arg6 : memref<7x1024xf32, #tpu.memory_space<hbm>>) target(%arg12 : memref<7x1024xf32, #tpu.memory_space<vmem>>) target_semaphore(%run_scoped3A : memref<!tpu.dma_semaphore, #tpu.memory_space<semaphore_mem>>)
        tpu.wait_dma2 semaphore(%run_scoped3A : memref<!tpu.dma_semaphore, #tpu.memory_space<semaphore_mem>>) src(%arg6 : memref<7x1024xf32, #tpu.memory_space<hbm>>) dst(%arg12 : memref<7x1024xf32, #tpu.memory_space<vmem>>)
        tpu.yield
      }) : () -> ()
      "tpu.region"() ({
        %run_scoped3A = tpu.sem_alloc : memref<!tpu.dma_semaphore, #tpu.memory_space<semaphore_mem>>
        tpu.enqueue_dma source(%arg7 : memref<1024xf32, #tpu.memory_space<hbm>>) target(%arg13 : memref<1024xf32, #tpu.memory_space<vmem>>) target_semaphore(%run_scoped3A : memref<!tpu.dma_semaphore, #tpu.memory_space<semaphore_mem>>)
        tpu.wait_dma2 semaphore(%run_scoped3A : memref<!tpu.dma_semaphore, #tpu.memory_space<semaphore_mem>>) src(%arg7 : memref<1024xf32, #tpu.memory_space<hbm>>) dst(%arg13 : memref<1024xf32, #tpu.memory_space<vmem>>)
        tpu.yield
      }) : () -> ()
      %scan3A = arith.constant 0 : i32
      %scan3A_5 = arith.constant 16 : i32
      %scan3A_6 = arith.addi %scan3A, %scan3A_5 : i32
      %scan3A_7 = arith.constant 1 : i32
      scf.for %scan3A_104 = %scan3A to %scan3A_6 step %scan3A_7  : i32 {
        %scan3A_105 = arith.constant 0 : i32
        %scan3A_106 = arith.constant 64 : i32
        %scan3A_107 = arith.addi %scan3A_105, %scan3A_106 : i32
        %scan3A_108 = arith.constant 1 : i32
        scf.for %scan3A_110 = %scan3A_105 to %scan3A_107 step %scan3A_108  : i32 {
          %mul3A_111 = arith.constant 16 : i32
          %mul3A_112 = arith.muli %scan3A_110, %mul3A_111 : i32
          %get3A = arith.index_cast %scan3A_104 : i32 to index
          %get3A_113 = arith.index_cast %mul3A_112 : i32 to index
          %get3A_114 = tpu.vector_load %arg11[%get3A, %get3A_113] {strides = array<i32>} : memref<16x1024xf32, #tpu.memory_space<vmem>>, vector<1x16xf32>,
          %get3A_115 = vector.shape_cast %get3A_114 : vector<1x16xf32> to vector<16xf32>
          %get3A_116 = arith.index_cast %mul3A_112 : i32 to index
          %get3A_117 = tpu.vector_load %arg13[%get3A_116] {strides = array<i32>} : memref<1024xf32, #tpu.memory_space<vmem>>, vector<16xf32>,
          %get3A_118 = vector.shape_cast %get3A_117 : vector<16xf32> to vector<16xf32>
          %add3A_119 = arith.addf %get3A_115, %get3A_118 : vector<16xf32>
          %swap3A = arith.index_cast %scan3A_104 : i32 to index
          %swap3A_120 = arith.index_cast %mul3A_112 : i32 to index
          %swap3A_121 = tpu.vector_load %arg11[%swap3A, %swap3A_120] {strides = array<i32>} : memref<16x1024xf32, #tpu.memory_space<vmem>>, vector<1x16xf32>,
          %swap3A_122 = vector.shape_cast %swap3A_121 : vector<1x16xf32> to vector<16xf32>
          %swap3A_123 = vector.shape_cast %add3A_119 : vector<16xf32> to vector<1x16xf32>
          tpu.vector_store %arg11[%swap3A, %swap3A_120], %swap3A_123 {strides = array<i32>} : memref<16x1024xf32, #tpu.memory_space<vmem>>, vector<1x16xf32>,
        }
        %scan3A_109 = arith.constant 64 : i32
      }
      %scan3A_8 = arith.constant 16 : i32
      %dma_start3A = arith.constant 0 : i32
      %dma_start3A_9 = arith.constant 0 : i32
      %dma_start3A_10 = arith.constant 0 : i32
      %dma_start3A_11 = arith.constant 0 : i32
      %dma_start3A_12 = tpu.memref_slice %arg14[%dma_start3A_9, %dma_start3A_10, %dma_start3A_11] : memref<2x16x1024xf32, #tpu.memory_space<vmem>> -> memref<1x16x1024xf32, #tpu.memory_space<vmem>>
      %dma_start3A_13 = tpu.memref_squeeze %dma_start3A_12 : memref<1x16x1024xf32, #tpu.memory_space<vmem>> -> memref<16x1024xf32, #tpu.memory_space<vmem>>
      %dma_start3A_14 = arith.constant 0 : i32
      %dma_start3A_15 = tpu.memref_slice %arg9[%dma_start3A, %dma_start3A_14] : memref<64x16xi32, #tpu.memory_space<vmem>> -> memref<1x16xi32, #tpu.memory_space<vmem>>
      %dma_start3A_16 = tpu.memref_squeeze %dma_start3A_15 : memref<1x16xi32, #tpu.memory_space<vmem>> -> memref<16xi32, #tpu.memory_space<vmem>>
      %dma_start3A_17 = arith.constant 0 : i32
      %dma_start3A_18 = arith.constant 0 : i32
      %dma_start3A_19 = tpu.memref_slice %arg4[%dma_start3A_17, %dma_start3A_18] : memref<51865x1024xf32, #tpu.memory_space<hbm>> -> memref<51865x1024xf32, #tpu.memory_space<hbm>>
      tpu.enqueue_indirect_dma source(%dma_start3A_19 : memref<51865x1024xf32, #tpu.memory_space<hbm>>) target(%dma_start3A_13 : memref<16x1024xf32, #tpu.memory_space<vmem>>) offsets(%dma_start3A_16 : memref<16xi32, #tpu.memory_space<vmem>>) semaphore(%arg16 : memref<!tpu.dma_semaphore, #tpu.memory_space<semaphore_mem>>)
      %dma_start3A_20 = arith.constant 0 : i32
      %dma_start3A_21 = arith.constant 0 : i32
      %dma_start3A_22 = arith.constant 0 : i32
      %dma_start3A_23 = arith.constant 0 : i32
      %dma_start3A_24 = tpu.memref_slice %arg10[%dma_start3A_21, %dma_start3A_22, %dma_start3A_23] : memref<2x16x16xf32, #tpu.memory_space<vmem>> -> memref<1x16x16xf32, #tpu.memory_space<vmem>>
      %dma_start3A_25 = tpu.memref_squeeze %dma_start3A_24 : memref<1x16x16xf32, #tpu.memory_space<vmem>> -> memref<16x16xf32, #tpu.memory_space<vmem>>
      %dma_start3A_26 = arith.constant 0 : i32
      %dma_start3A_27 = arith.constant 0 : i32
      %dma_start3A_28 = tpu.memref_slice %arg3[%add3A, %dma_start3A_20, %dma_start3A_26, %dma_start3A_27] : memref<28x64x16x16xf32, #tpu.memory_space<hbm>> -> memref<1x1x16x16xf32, #tpu.memory_space<hbm>>
      %dma_start3A_29 = tpu.memref_squeeze %dma_start3A_28 : memref<1x1x16x16xf32, #tpu.memory_space<hbm>> -> memref<16x16xf32, #tpu.memory_space<hbm>>
      %dma_start3A_30 = arith.constant 0 : i32
      %dma_start3A_31 = arith.constant 0 : i32
      %dma_start3A_32 = tpu.memref_slice %arg10[%dma_start3A_21, %dma_start3A_30, %dma_start3A_31] : memref<2x16x16xf32, #tpu.memory_space<vmem>> -> memref<1x16x16xf32, #tpu.memory_space<vmem>>
      %dma_start3A_33 = tpu.memref_squeeze %dma_start3A_32 : memref<1x16x16xf32, #tpu.memory_space<vmem>> -> memref<16x16xf32, #tpu.memory_space<vmem>>
      %dma_start3A_34 = arith.constant 0 : i32
      %dma_start3A_35 = arith.constant 0 : i32
      %dma_start3A_36 = tpu.memref_slice %arg3[%add3A, %dma_start3A_20, %dma_start3A_34, %dma_start3A_35] : memref<28x64x16x16xf32, #tpu.memory_space<hbm>> -> memref<1x1x16x16xf32, #tpu.memory_space<hbm>>
      %dma_start3A_37 = tpu.memref_squeeze %dma_start3A_36 : memref<1x1x16x16xf32, #tpu.memory_space<hbm>> -> memref<16x16xf32, #tpu.memory_space<hbm>>
      tpu.enqueue_dma source(%dma_start3A_37 : memref<16x16xf32, #tpu.memory_space<hbm>>) target(%dma_start3A_33 : memref<16x16xf32, #tpu.memory_space<vmem>>) target_semaphore(%arg20 : memref<!tpu.dma_semaphore, #tpu.memory_space<semaphore_mem>>)
      %dma_start3A_38 = arith.constant 1 : i32
      %dma_start3A_39 = arith.constant 1 : i32
      %dma_start3A_40 = arith.constant 0 : i32
      %dma_start3A_41 = arith.constant 0 : i32
      %dma_start3A_42 = tpu.memref_slice %arg14[%dma_start3A_39, %dma_start3A_40, %dma_start3A_41] : memref<2x16x1024xf32, #tpu.memory_space<vmem>> -> memref<1x16x1024xf32, #tpu.memory_space<vmem>>
      %dma_start3A_43 = tpu.memref_squeeze %dma_start3A_42 : memref<1x16x1024xf32, #tpu.memory_space<vmem>> -> memref<16x1024xf32, #tpu.memory_space<vmem>>
      %dma_start3A_44 = arith.constant 0 : i32
      %dma_start3A_45 = tpu.memref_slice %arg9[%dma_start3A_38, %dma_start3A_44] : memref<64x16xi32, #tpu.memory_space<vmem>> -> memref<1x16xi32, #tpu.memory_space<vmem>>
      %dma_start3A_46 = tpu.memref_squeeze %dma_start3A_45 : memref<1x16xi32, #tpu.memory_space<vmem>> -> memref<16xi32, #tpu.memory_space<vmem>>
      %dma_start3A_47 = arith.constant 0 : i32
      %dma_start3A_48 = arith.constant 0 : i32
      %dma_start3A_49 = tpu.memref_slice %arg4[%dma_start3A_47, %dma_start3A_48] : memref<51865x1024xf32, #tpu.memory_space<hbm>> -> memref<51865x1024xf32, #tpu.memory_space<hbm>>
      tpu.enqueue_indirect_dma source(%dma_start3A_49 : memref<51865x1024xf32, #tpu.memory_space<hbm>>) target(%dma_start3A_43 : memref<16x1024xf32, #tpu.memory_space<vmem>>) offsets(%dma_start3A_46 : memref<16xi32, #tpu.memory_space<vmem>>) semaphore(%arg17 : memref<!tpu.dma_semaphore, #tpu.memory_space<semaphore_mem>>)
      %dma_start3A_50 = arith.constant 1 : i32
      %dma_start3A_51 = arith.constant 1 : i32
      %dma_start3A_52 = arith.constant 0 : i32
      %dma_start3A_53 = arith.constant 0 : i32
      %dma_start3A_54 = tpu.memref_slice %arg10[%dma_start3A_51, %dma_start3A_52, %dma_start3A_53] : memref<2x16x16xf32, #tpu.memory_space<vmem>> -> memref<1x16x16xf32, #tpu.memory_space<vmem>>
      %dma_start3A_55 = tpu.memref_squeeze %dma_start3A_54 : memref<1x16x16xf32, #tpu.memory_space<vmem>> -> memref<16x16xf32, #tpu.memory_space<vmem>>
      %dma_start3A_56 = arith.constant 0 : i32
      %dma_start3A_57 = arith.constant 0 : i32
      %dma_start3A_58 = tpu.memref_slice %arg3[%add3A, %dma_start3A_50, %dma_start3A_56, %dma_start3A_57] : memref<28x64x16x16xf32, #tpu.memory_space<hbm>> -> memref<1x1x16x16xf32, #tpu.memory_space<hbm>>
      %dma_start3A_59 = tpu.memref_squeeze %dma_start3A_58 : memref<1x1x16x16xf32, #tpu.memory_space<hbm>> -> memref<16x16xf32, #tpu.memory_space<hbm>>
      %dma_start3A_60 = arith.constant 0 : i32
      %dma_start3A_61 = arith.constant 0 : i32
      %dma_start3A_62 = tpu.memref_slice %arg10[%dma_start3A_51, %dma_start3A_60, %dma_start3A_61] : memref<2x16x16xf32, #tpu.memory_space<vmem>> -> memref<1x16x16xf32, #tpu.memory_space<vmem>>
      %dma_start3A_63 = tpu.memref_squeeze %dma_start3A_62 : memref<1x16x16xf32, #tpu.memory_space<vmem>> -> memref<16x16xf32, #tpu.memory_space<vmem>>
      %dma_start3A_64 = arith.constant 0 : i32
      %dma_start3A_65 = arith.constant 0 : i32
      %dma_start3A_66 = tpu.memref_slice %arg3[%add3A, %dma_start3A_50, %dma_start3A_64, %dma_start3A_65] : memref<28x64x16x16xf32, #tpu.memory_space<hbm>> -> memref<1x1x16x16xf32, #tpu.memory_space<hbm>>
      %dma_start3A_67 = tpu.memref_squeeze %dma_start3A_66 : memref<1x1x16x16xf32, #tpu.memory_space<hbm>> -> memref<16x16xf32, #tpu.memory_space<hbm>>
      tpu.enqueue_dma source(%dma_start3A_67 : memref<16x16xf32, #tpu.memory_space<hbm>>) target(%dma_start3A_63 : memref<16x16xf32, #tpu.memory_space<vmem>>) target_semaphore(%arg21 : memref<!tpu.dma_semaphore, #tpu.memory_space<semaphore_mem>>)
      %scan3A_68 = arith.constant 0 : i32
      %scan3A_69 = arith.constant 32 : i32
      %scan3A_70 = arith.addi %scan3A_68, %scan3A_69 : i32
      %scan3A_71 = arith.constant 1 : i32
      scf.for %scan3A_104 = %scan3A_68 to %scan3A_70 step %scan3A_71  : i32 {
        %mul3A_105 = arith.constant 2 : i32
        %mul3A_106 = arith.muli %mul3A_105, %scan3A_104 : i32
        %add3A_107 = arith.constant 0 : i32
        %add3A_108 = arith.addi %mul3A_106, %add3A_107 : i32
        %dma_wait3A_109 = arith.constant 0 : i32
        %dma_wait3A_110 = arith.constant 0 : i32
        %dma_wait3A_111 = arith.constant 0 : i32
        %dma_wait3A_112 = tpu.memref_slice %arg14[%dma_wait3A_109, %dma_wait3A_110, %dma_wait3A_111] : memref<2x16x1024xf32, #tpu.memory_space<vmem>> -> memref<1x16x1024xf32, #tpu.memory_space<vmem>>
        %dma_wait3A_113 = tpu.memref_squeeze %dma_wait3A_112 : memref<1x16x1024xf32, #tpu.memory_space<vmem>> -> memref<16x1024xf32, #tpu.memory_space<vmem>>
        %dma_wait3A_114 = arith.constant 0 : i32
        %dma_wait3A_115 = tpu.memref_slice %arg9[%add3A_108, %dma_wait3A_114] : memref<64x16xi32, #tpu.memory_space<vmem>> -> memref<1x16xi32, #tpu.memory_space<vmem>>
        %dma_wait3A_116 = tpu.memref_squeeze %dma_wait3A_115 : memref<1x16xi32, #tpu.memory_space<vmem>> -> memref<16xi32, #tpu.memory_space<vmem>>
        %dma_wait3A_117 = arith.constant 0 : i32
        %dma_wait3A_118 = arith.constant 0 : i32
        %dma_wait3A_119 = tpu.memref_slice %arg4[%dma_wait3A_117, %dma_wait3A_118] : memref<51865x1024xf32, #tpu.memory_space<hbm>> -> memref<51865x1024xf32, #tpu.memory_space<hbm>>
        tpu.wait_indirect_dma semaphore(%arg16 : memref<!tpu.dma_semaphore, #tpu.memory_space<semaphore_mem>>) src(%dma_wait3A_119 : memref<51865x1024xf32, #tpu.memory_space<hbm>>) dst(%dma_wait3A_113 : memref<16x1024xf32, #tpu.memory_space<vmem>>)
        %dma_wait3A_120 = arith.constant 0 : i32
        %dma_wait3A_121 = arith.constant 0 : i32
        %dma_wait3A_122 = arith.constant 0 : i32
        %dma_wait3A_123 = tpu.memref_slice %arg10[%dma_wait3A_120, %dma_wait3A_121, %dma_wait3A_122] : memref<2x16x16xf32, #tpu.memory_space<vmem>> -> memref<1x16x16xf32, #tpu.memory_space<vmem>>
        %dma_wait3A_124 = tpu.memref_squeeze %dma_wait3A_123 : memref<1x16x16xf32, #tpu.memory_space<vmem>> -> memref<16x16xf32, #tpu.memory_space<vmem>>
        %dma_wait3A_125 = arith.constant 0 : i32
        %dma_wait3A_126 = arith.constant 0 : i32
        %dma_wait3A_127 = tpu.memref_slice %arg3[%add3A, %add3A_108, %dma_wait3A_125, %dma_wait3A_126] : memref<28x64x16x16xf32, #tpu.memory_space<hbm>> -> memref<1x1x16x16xf32, #tpu.memory_space<hbm>>
        %dma_wait3A_128 = tpu.memref_squeeze %dma_wait3A_127 : memref<1x1x16x16xf32, #tpu.memory_space<hbm>> -> memref<16x16xf32, #tpu.memory_space<hbm>>
        %dma_wait3A_129 = arith.constant 0 : i32
        %dma_wait3A_130 = arith.constant 0 : i32
        %dma_wait3A_131 = tpu.memref_slice %arg10[%dma_wait3A_120, %dma_wait3A_129, %dma_wait3A_130] : memref<2x16x16xf32, #tpu.memory_space<vmem>> -> memref<1x16x16xf32, #tpu.memory_space<vmem>>
        %dma_wait3A_132 = tpu.memref_squeeze %dma_wait3A_131 : memref<1x16x16xf32, #tpu.memory_space<vmem>> -> memref<16x16xf32, #tpu.memory_space<vmem>>
        %dma_wait3A_133 = arith.constant 0 : i32
        %dma_wait3A_134 = arith.constant 0 : i32
        %dma_wait3A_135 = tpu.memref_slice %arg3[%add3A, %add3A_108, %dma_wait3A_133, %dma_wait3A_134] : memref<28x64x16x16xf32, #tpu.memory_space<hbm>> -> memref<1x1x16x16xf32, #tpu.memory_space<hbm>>
        %dma_wait3A_136 = tpu.memref_squeeze %dma_wait3A_135 : memref<1x1x16x16xf32, #tpu.memory_space<hbm>> -> memref<16x16xf32, #tpu.memory_space<hbm>>
        tpu.wait_dma2 semaphore(%arg20 : memref<!tpu.dma_semaphore, #tpu.memory_space<semaphore_mem>>) src(%dma_wait3A_136 : memref<16x16xf32, #tpu.memory_space<hbm>>) dst(%dma_wait3A_132 : memref<16x16xf32, #tpu.memory_space<vmem>>)
        %gt3A = arith.constant 0 : i32
        %gt3A_137 = arith.cmpi sgt, %scan3A_104, %gt3A : i32
        %convert_element_type3A_138 = arith.extui %gt3A_137 : i1 to i32
        %cond3A_139 = arith.constant 0 : i32
        %cond3A_140 = arith.cmpi ne, %convert_element_type3A_138, %cond3A_139 : i32
        scf.if %cond3A_140 {
          %sub3A = arith.constant 2 : i32
          %sub3A_232 = arith.subi %add3A_108, %sub3A : i32
          %dma_wait3A_233 = arith.constant 0 : i32
          %dma_wait3A_234 = arith.constant 0 : i32
          %dma_wait3A_235 = arith.constant 0 : i32
          %dma_wait3A_236 = tpu.memref_slice %arg15[%dma_wait3A_233, %dma_wait3A_234, %dma_wait3A_235] : memref<2x16x1024xf32, #tpu.memory_space<vmem>> -> memref<1x16x1024xf32, #tpu.memory_space<vmem>>
          %dma_wait3A_237 = tpu.memref_squeeze %dma_wait3A_236 : memref<1x16x1024xf32, #tpu.memory_space<vmem>> -> memref<16x1024xf32, #tpu.memory_space<vmem>>
          %dma_wait3A_238 = arith.constant 0 : i32
          %dma_wait3A_239 = tpu.memref_slice %arg8[%sub3A_232, %mul3A_4, %dma_wait3A_238] : memref<64x448x1024xf32, #tpu.memory_space<hbm>> -> memref<1x16x1024xf32, #tpu.memory_space<hbm>>
          %dma_wait3A_240 = tpu.memref_squeeze %dma_wait3A_239 : memref<1x16x1024xf32, #tpu.memory_space<hbm>> -> memref<16x1024xf32, #tpu.memory_space<hbm>>
          %dma_wait3A_241 = arith.constant 0 : i32
          %dma_wait3A_242 = tpu.memref_slice %arg8[%sub3A_232, %mul3A_4, %dma_wait3A_241] : memref<64x448x1024xf32, #tpu.memory_space<hbm>> -> memref<1x16x1024xf32, #tpu.memory_space<hbm>>
          %dma_wait3A_243 = tpu.memref_squeeze %dma_wait3A_242 : memref<1x16x1024xf32, #tpu.memory_space<hbm>> -> memref<16x1024xf32, #tpu.memory_space<hbm>>
          %dma_wait3A_244 = arith.constant 0 : i32
          %dma_wait3A_245 = arith.constant 0 : i32
          %dma_wait3A_246 = tpu.memref_slice %arg15[%dma_wait3A_233, %dma_wait3A_244, %dma_wait3A_245] : memref<2x16x1024xf32, #tpu.memory_space<vmem>> -> memref<1x16x1024xf32, #tpu.memory_space<vmem>>
          %dma_wait3A_247 = tpu.memref_squeeze %dma_wait3A_246 : memref<1x16x1024xf32, #tpu.memory_space<vmem>> -> memref<16x1024xf32, #tpu.memory_space<vmem>>
          tpu.wait_dma2 semaphore(%arg18 : memref<!tpu.dma_semaphore, #tpu.memory_space<semaphore_mem>>) src(%dma_wait3A_247 : memref<16x1024xf32, #tpu.memory_space<vmem>>) dst(%dma_wait3A_243 : memref<16x1024xf32, #tpu.memory_space<hbm>>)
        } else {
        }
        %scan3A_141 = arith.constant 0 : i32
        %scan3A_142 = arith.constant 4 : i32
        %scan3A_143 = arith.addi %scan3A_141, %scan3A_142 : i32
        %scan3A_144 = arith.constant 1 : i32
        scf.for %scan3A_232 = %scan3A_141 to %scan3A_143 step %scan3A_144  : i32 {
          %mul3A_233 = arith.constant 4 : i32
          %mul3A_234 = arith.muli %scan3A_232, %mul3A_233 : i32
          %add3A_235 = arith.constant 0 : i32
          %add3A_236 = arith.addi %mul3A_234, %add3A_235 : i32
          %get3A = arith.constant 0 : i32
          %get3A_237 = arith.index_cast %get3A : i32 to index
          %get3A_238 = arith.index_cast %add3A_236 : i32 to index
          %get3A_239 = arith.constant 0 : index
          %get3A_240 = tpu.vector_load %arg10[%get3A_237, %get3A_238, %get3A_239] {strides = array<i32>} : memref<2x16x16xf32, #tpu.memory_space<vmem>>, vector<1x1x16xf32>,
          %get3A_241 = vector.shape_cast %get3A_240 : vector<1x1x16xf32> to vector<16xf32>
          %slice3A = vector.extract_strided_slice %get3A_241 {offsets = [0], sizes = [1], strides = [1]} : vector<16xf32> to vector<1xf32>
          %squeeze3A = vector.extract %slice3A[0] : f32 from vector<1xf32>
          %slice3A_242 = vector.extract_strided_slice %get3A_241 {offsets = [1], sizes = [1], strides = [1]} : vector<16xf32> to vector<1xf32>
          %squeeze3A_243 = vector.extract %slice3A_242[0] : f32 from vector<1xf32>
          %slice3A_244 = vector.extract_strided_slice %get3A_241 {offsets = [2], sizes = [1], strides = [1]} : vector<16xf32> to vector<1xf32>
          %squeeze3A_245 = vector.extract %slice3A_244[0] : f32 from vector<1xf32>
          %slice3A_246 = vector.extract_strided_slice %get3A_241 {offsets = [3], sizes = [1], strides = [1]} : vector<16xf32> to vector<1xf32>
          %squeeze3A_247 = vector.extract %slice3A_246[0] : f32 from vector<1xf32>
          %slice3A_248 = vector.extract_strided_slice %get3A_241 {offsets = [4], sizes = [1], strides = [1]} : vector<16xf32> to vector<1xf32>
          %squeeze3A_249 = vector.extract %slice3A_248[0] : f32 from vector<1xf32>
          %slice3A_250 = vector.extract_strided_slice %get3A_241 {offsets = [5], sizes = [1], strides = [1]} : vector<16xf32> to vector<1xf32>
          %squeeze3A_251 = vector.extract %slice3A_250[0] : f32 from vector<1xf32>
          %slice3A_252 = vector.extract_strided_slice %get3A_241 {offsets = [6], sizes = [1], strides = [1]} : vector<16xf32> to vector<1xf32>
          %squeeze3A_253 = vector.extract %slice3A_252[0] : f32 from vector<1xf32>
          %add3A_254 = arith.constant 1 : i32
          %add3A_255 = arith.addi %mul3A_234, %add3A_254 : i32
          %get3A_256 = arith.constant 0 : i32
          %get3A_257 = arith.index_cast %get3A_256 : i32 to index
          %get3A_258 = arith.index_cast %add3A_255 : i32 to index
          %get3A_259 = arith.constant 0 : index
          %get3A_260 = tpu.vector_load %arg10[%get3A_257, %get3A_258, %get3A_259] {strides = array<i32>} : memref<2x16x16xf32, #tpu.memory_space<vmem>>, vector<1x1x16xf32>,
          %get3A_261 = vector.shape_cast %get3A_260 : vector<1x1x16xf32> to vector<16xf32>
          %slice3A_262 = vector.extract_strided_slice %get3A_261 {offsets = [0], sizes = [1], strides = [1]} : vector<16xf32> to vector<1xf32>
          %squeeze3A_263 = vector.extract %slice3A_262[0] : f32 from vector<1xf32>
          %slice3A_264 = vector.extract_strided_slice %get3A_261 {offsets = [1], sizes = [1], strides = [1]} : vector<16xf32> to vector<1xf32>
          %squeeze3A_265 = vector.extract %slice3A_264[0] : f32 from vector<1xf32>
          %slice3A_266 = vector.extract_strided_slice %get3A_261 {offsets = [2], sizes = [1], strides = [1]} : vector<16xf32> to vector<1xf32>
          %squeeze3A_267 = vector.extract %slice3A_266[0] : f32 from vector<1xf32>
          %slice3A_268 = vector.extract_strided_slice %get3A_261 {offsets = [3], sizes = [1], strides = [1]} : vector<16xf32> to vector<1xf32>
          %squeeze3A_269 = vector.extract %slice3A_268[0] : f32 from vector<1xf32>
          %slice3A_270 = vector.extract_strided_slice %get3A_261 {offsets = [4], sizes = [1], strides = [1]} : vector<16xf32> to vector<1xf32>
          %squeeze3A_271 = vector.extract %slice3A_270[0] : f32 from vector<1xf32>
          %slice3A_272 = vector.extract_strided_slice %get3A_261 {offsets = [5], sizes = [1], strides = [1]} : vector<16xf32> to vector<1xf32>
          %squeeze3A_273 = vector.extract %slice3A_272[0] : f32 from vector<1xf32>
          %slice3A_274 = vector.extract_strided_slice %get3A_261 {offsets = [6], sizes = [1], strides = [1]} : vector<16xf32> to vector<1xf32>
          %squeeze3A_275 = vector.extract %slice3A_274[0] : f32 from vector<1xf32>
          %add3A_276 = arith.constant 2 : i32
          %add3A_277 = arith.addi %mul3A_234, %add3A_276 : i32
          %get3A_278 = arith.constant 0 : i32
          %get3A_279 = arith.index_cast %get3A_278 : i32 to index
          %get3A_280 = arith.index_cast %add3A_277 : i32 to index
          %get3A_281 = arith.constant 0 : index
          %get3A_282 = tpu.vector_load %arg10[%get3A_279, %get3A_280, %get3A_281] {strides = array<i32>} : memref<2x16x16xf32, #tpu.memory_space<vmem>>, vector<1x1x16xf32>,
          %get3A_283 = vector.shape_cast %get3A_282 : vector<1x1x16xf32> to vector<16xf32>
          %slice3A_284 = vector.extract_strided_slice %get3A_283 {offsets = [0], sizes = [1], strides = [1]} : vector<16xf32> to vector<1xf32>
          %squeeze3A_285 = vector.extract %slice3A_284[0] : f32 from vector<1xf32>
          %slice3A_286 = vector.extract_strided_slice %get3A_283 {offsets = [1], sizes = [1], strides = [1]} : vector<16xf32> to vector<1xf32>
          %squeeze3A_287 = vector.extract %slice3A_286[0] : f32 from vector<1xf32>
          %slice3A_288 = vector.extract_strided_slice %get3A_283 {offsets = [2], sizes = [1], strides = [1]} : vector<16xf32> to vector<1xf32>
          %squeeze3A_289 = vector.extract %slice3A_288[0] : f32 from vector<1xf32>
          %slice3A_290 = vector.extract_strided_slice %get3A_283 {offsets = [3], sizes = [1], strides = [1]} : vector<16xf32> to vector<1xf32>
          %squeeze3A_291 = vector.extract %slice3A_290[0] : f32 from vector<1xf32>
          %slice3A_292 = vector.extract_strided_slice %get3A_283 {offsets = [4], sizes = [1], strides = [1]} : vector<16xf32> to vector<1xf32>
          %squeeze3A_293 = vector.extract %slice3A_292[0] : f32 from vector<1xf32>
          %slice3A_294 = vector.extract_strided_slice %get3A_283 {offsets = [5], sizes = [1], strides = [1]} : vector<16xf32> to vector<1xf32>
          %squeeze3A_295 = vector.extract %slice3A_294[0] : f32 from vector<1xf32>
          %slice3A_296 = vector.extract_strided_slice %get3A_283 {offsets = [6], sizes = [1], strides = [1]} : vector<16xf32> to vector<1xf32>
          %squeeze3A_297 = vector.extract %slice3A_296[0] : f32 from vector<1xf32>
          %add3A_298 = arith.constant 3 : i32
          %add3A_299 = arith.addi %mul3A_234, %add3A_298 : i32
          %get3A_300 = arith.constant 0 : i32
          %get3A_301 = arith.index_cast %get3A_300 : i32 to index
          %get3A_302 = arith.index_cast %add3A_299 : i32 to index
          %get3A_303 = arith.constant 0 : index
          %get3A_304 = tpu.vector_load %arg10[%get3A_301, %get3A_302, %get3A_303] {strides = array<i32>} : memref<2x16x16xf32, #tpu.memory_space<vmem>>, vector<1x1x16xf32>,
          %get3A_305 = vector.shape_cast %get3A_304 : vector<1x1x16xf32> to vector<16xf32>
          %slice3A_306 = vector.extract_strided_slice %get3A_305 {offsets = [0], sizes = [1], strides = [1]} : vector<16xf32> to vector<1xf32>
          %squeeze3A_307 = vector.extract %slice3A_306[0] : f32 from vector<1xf32>
          %slice3A_308 = vector.extract_strided_slice %get3A_305 {offsets = [1], sizes = [1], strides = [1]} : vector<16xf32> to vector<1xf32>
          %squeeze3A_309 = vector.extract %slice3A_308[0] : f32 from vector<1xf32>
          %slice3A_310 = vector.extract_strided_slice %get3A_305 {offsets = [2], sizes = [1], strides = [1]} : vector<16xf32> to vector<1xf32>
          %squeeze3A_311 = vector.extract %slice3A_310[0] : f32 from vector<1xf32>
          %slice3A_312 = vector.extract_strided_slice %get3A_305 {offsets = [3], sizes = [1], strides = [1]} : vector<16xf32> to vector<1xf32>
          %squeeze3A_313 = vector.extract %slice3A_312[0] : f32 from vector<1xf32>
          %slice3A_314 = vector.extract_strided_slice %get3A_305 {offsets = [4], sizes = [1], strides = [1]} : vector<16xf32> to vector<1xf32>
          %squeeze3A_315 = vector.extract %slice3A_314[0] : f32 from vector<1xf32>
          %slice3A_316 = vector.extract_strided_slice %get3A_305 {offsets = [5], sizes = [1], strides = [1]} : vector<16xf32> to vector<1xf32>
          %squeeze3A_317 = vector.extract %slice3A_316[0] : f32 from vector<1xf32>
          %slice3A_318 = vector.extract_strided_slice %get3A_305 {offsets = [6], sizes = [1], strides = [1]} : vector<16xf32> to vector<1xf32>
          %squeeze3A_319 = vector.extract %slice3A_318[0] : f32 from vector<1xf32>
          %parallel_loop3A = arith.constant 0 : i32
          %parallel_loop3A_320 = arith.constant 64 : i32
          %parallel_loop3A_321 = arith.constant 2 : i32
          scf.for %parallel_loop3A_322 = %parallel_loop3A to %parallel_loop3A_320 step %parallel_loop3A_321  : i32 {
            %parallel_loop3A_323 = arith.constant 0 : i32
            %parallel_loop3A_324 = arith.addi %parallel_loop3A_322, %parallel_loop3A_323 : i32
            %parallel_loop3A_325 = arith.constant 16 : i32
            %parallel_loop3A_326 = arith.muli %parallel_loop3A_324, %parallel_loop3A_325 : i32
            %parallel_loop3A_327 = arith.constant 0 : i32
            %parallel_loop3A_328 = arith.index_cast %parallel_loop3A_327 : i32 to index
            %parallel_loop3A_329 = arith.index_cast %parallel_loop3A_326 : i32 to index
            %parallel_loop3A_330 = tpu.vector_load %arg12[%parallel_loop3A_328, %parallel_loop3A_329] {strides = array<i32>} : memref<7x1024xf32, #tpu.memory_space<vmem>>, vector<1x16xf32>,
            %parallel_loop3A_331 = vector.shape_cast %parallel_loop3A_330 : vector<1x16xf32> to vector<16xf32>
            %parallel_loop3A_332 = arith.constant 1 : i32
            %parallel_loop3A_333 = arith.index_cast %parallel_loop3A_332 : i32 to index
            %parallel_loop3A_334 = arith.index_cast %parallel_loop3A_326 : i32 to index
            %parallel_loop3A_335 = tpu.vector_load %arg12[%parallel_loop3A_333, %parallel_loop3A_334] {strides = array<i32>} : memref<7x1024xf32, #tpu.memory_space<vmem>>, vector<1x16xf32>,
            %parallel_loop3A_336 = vector.shape_cast %parallel_loop3A_335 : vector<1x16xf32> to vector<16xf32>
            %parallel_loop3A_337 = arith.constant 2 : i32
            %parallel_loop3A_338 = arith.index_cast %parallel_loop3A_337 : i32 to index
            %parallel_loop3A_339 = arith.index_cast %parallel_loop3A_326 : i32 to index
            %parallel_loop3A_340 = tpu.vector_load %arg12[%parallel_loop3A_338, %parallel_loop3A_339] {strides = array<i32>} : memref<7x1024xf32, #tpu.memory_space<vmem>>, vector<1x16xf32>,
            %parallel_loop3A_341 = vector.shape_cast %parallel_loop3A_340 : vector<1x16xf32> to vector<16xf32>
            %parallel_loop3A_342 = arith.constant 3 : i32
            %parallel_loop3A_343 = arith.index_cast %parallel_loop3A_342 : i32 to index
            %parallel_loop3A_344 = arith.index_cast %parallel_loop3A_326 : i32 to index
            %parallel_loop3A_345 = tpu.vector_load %arg12[%parallel_loop3A_343, %parallel_loop3A_344] {strides = array<i32>} : memref<7x1024xf32, #tpu.memory_space<vmem>>, vector<1x16xf32>,
            %parallel_loop3A_346 = vector.shape_cast %parallel_loop3A_345 : vector<1x16xf32> to vector<16xf32>
            %parallel_loop3A_347 = arith.constant 4 : i32
            %parallel_loop3A_348 = arith.index_cast %parallel_loop3A_347 : i32 to index
            %parallel_loop3A_349 = arith.index_cast %parallel_loop3A_326 : i32 to index
            %parallel_loop3A_350 = tpu.vector_load %arg12[%parallel_loop3A_348, %parallel_loop3A_349] {strides = array<i32>} : memref<7x1024xf32, #tpu.memory_space<vmem>>, vector<1x16xf32>,
            %parallel_loop3A_351 = vector.shape_cast %parallel_loop3A_350 : vector<1x16xf32> to vector<16xf32>
            %parallel_loop3A_352 = arith.constant 5 : i32
            %parallel_loop3A_353 = arith.index_cast %parallel_loop3A_352 : i32 to index
            %parallel_loop3A_354 = arith.index_cast %parallel_loop3A_326 : i32 to index
            %parallel_loop3A_355 = tpu.vector_load %arg12[%parallel_loop3A_353, %parallel_loop3A_354] {strides = array<i32>} : memref<7x1024xf32, #tpu.memory_space<vmem>>, vector<1x16xf32>,
            %parallel_loop3A_356 = vector.shape_cast %parallel_loop3A_355 : vector<1x16xf32> to vector<16xf32>
            %parallel_loop3A_357 = arith.constant 6 : i32
            %parallel_loop3A_358 = arith.index_cast %parallel_loop3A_357 : i32 to index
            %parallel_loop3A_359 = arith.index_cast %parallel_loop3A_326 : i32 to index
            %parallel_loop3A_360 = tpu.vector_load %arg12[%parallel_loop3A_358, %parallel_loop3A_359] {strides = array<i32>} : memref<7x1024xf32, #tpu.memory_space<vmem>>, vector<1x16xf32>,
            %parallel_loop3A_361 = vector.shape_cast %parallel_loop3A_360 : vector<1x16xf32> to vector<16xf32>
            %parallel_loop3A_362 = arith.constant 0 : i32
            %parallel_loop3A_363 = arith.addi %mul3A_234, %parallel_loop3A_362 : i32
            %parallel_loop3A_364 = arith.constant 0 : i32
            %parallel_loop3A_365 = arith.index_cast %parallel_loop3A_364 : i32 to index
            %parallel_loop3A_366 = arith.index_cast %parallel_loop3A_363 : i32 to index
            %parallel_loop3A_367 = arith.index_cast %parallel_loop3A_326 : i32 to index
            %parallel_loop3A_368 = tpu.vector_load %arg14[%parallel_loop3A_365, %parallel_loop3A_366, %parallel_loop3A_367] {strides = array<i32>} : memref<2x16x1024xf32, #tpu.memory_space<vmem>>, vector<1x1x16xf32>,
            %parallel_loop3A_369 = vector.shape_cast %parallel_loop3A_368 : vector<1x1x16xf32> to vector<16xf32>
            %parallel_loop3A_370 = arith.index_cast %parallel_loop3A_363 : i32 to index
            %parallel_loop3A_371 = arith.index_cast %parallel_loop3A_326 : i32 to index
            %parallel_loop3A_372 = tpu.vector_load %arg11[%parallel_loop3A_370, %parallel_loop3A_371] {strides = array<i32>} : memref<16x1024xf32, #tpu.memory_space<vmem>>, vector<1x16xf32>,
            %parallel_loop3A_373 = vector.shape_cast %parallel_loop3A_372 : vector<1x16xf32> to vector<16xf32>
            %parallel_loop3A_374 = arith.addf %parallel_loop3A_369, %parallel_loop3A_373 : vector<16xf32>
            %parallel_loop3A_375 = vector.broadcast %squeeze3A : f32 to vector<16xf32>
            %parallel_loop3A_376 = arith.mulf %parallel_loop3A_375, %parallel_loop3A_331 : vector<16xf32>
            %parallel_loop3A_377 = vector.broadcast %squeeze3A_243 : f32 to vector<16xf32>
            %parallel_loop3A_378 = arith.mulf %parallel_loop3A_377, %parallel_loop3A_336 : vector<16xf32>
            %parallel_loop3A_379 = arith.addf %parallel_loop3A_376, %parallel_loop3A_378 : vector<16xf32>
            %parallel_loop3A_380 = vector.broadcast %squeeze3A_245 : f32 to vector<16xf32>
            %parallel_loop3A_381 = arith.mulf %parallel_loop3A_380, %parallel_loop3A_341 : vector<16xf32>
            %parallel_loop3A_382 = vector.broadcast %squeeze3A_247 : f32 to vector<16xf32>
            %parallel_loop3A_383 = arith.mulf %parallel_loop3A_382, %parallel_loop3A_346 : vector<16xf32>
            %parallel_loop3A_384 = arith.addf %parallel_loop3A_381, %parallel_loop3A_383 : vector<16xf32>
            %parallel_loop3A_385 = vector.broadcast %squeeze3A_249 : f32 to vector<16xf32>
            %parallel_loop3A_386 = arith.mulf %parallel_loop3A_385, %parallel_loop3A_351 : vector<16xf32>
            %parallel_loop3A_387 = vector.broadcast %squeeze3A_251 : f32 to vector<16xf32>
            %parallel_loop3A_388 = arith.mulf %parallel_loop3A_387, %parallel_loop3A_356 : vector<16xf32>
            %parallel_loop3A_389 = arith.addf %parallel_loop3A_386, %parallel_loop3A_388 : vector<16xf32>
            %parallel_loop3A_390 = arith.addf %parallel_loop3A_379, %parallel_loop3A_384 : vector<16xf32>
            %parallel_loop3A_391 = arith.addf %parallel_loop3A_374, %parallel_loop3A_390 : vector<16xf32>
            %parallel_loop3A_392 = vector.broadcast %squeeze3A_253 : f32 to vector<16xf32>
            %parallel_loop3A_393 = arith.mulf %parallel_loop3A_392, %parallel_loop3A_361 : vector<16xf32>
            %parallel_loop3A_394 = arith.addf %parallel_loop3A_389, %parallel_loop3A_393 : vector<16xf32>
            %parallel_loop3A_395 = arith.addf %parallel_loop3A_391, %parallel_loop3A_394 : vector<16xf32>
            %parallel_loop3A_396 = arith.constant 0 : i32
            %parallel_loop3A_397 = arith.index_cast %parallel_loop3A_396 : i32 to index
            %parallel_loop3A_398 = arith.index_cast %parallel_loop3A_363 : i32 to index
            %parallel_loop3A_399 = arith.index_cast %parallel_loop3A_326 : i32 to index
            %parallel_loop3A_400 = tpu.vector_load %arg15[%parallel_loop3A_397, %parallel_loop3A_398, %parallel_loop3A_399] {strides = array<i32>} : memref<2x16x1024xf32, #tpu.memory_space<vmem>>, vector<1x1x16xf32>,
            %parallel_loop3A_401 = vector.shape_cast %parallel_loop3A_400 : vector<1x1x16xf32> to vector<16xf32>
            %parallel_loop3A_402 = vector.shape_cast %parallel_loop3A_395 : vector<16xf32> to vector<1x1x16xf32>
            tpu.vector_store %arg15[%parallel_loop3A_397, %parallel_loop3A_398, %parallel_loop3A_399], %parallel_loop3A_402 {strides = array<i32>} : memref<2x16x1024xf32, #tpu.memory_space<vmem>>, vector<1x1x16xf32>,
            %parallel_loop3A_403 = arith.constant 1 : i32
            %parallel_loop3A_404 = arith.addi %mul3A_234, %parallel_loop3A_403 : i32
            %parallel_loop3A_405 = arith.constant 0 : i32
            %parallel_loop3A_406 = arith.index_cast %parallel_loop3A_405 : i32 to index
            %parallel_loop3A_407 = arith.index_cast %parallel_loop3A_404 : i32 to index
            %parallel_loop3A_408 = arith.index_cast %parallel_loop3A_326 : i32 to index
            %parallel_loop3A_409 = tpu.vector_load %arg14[%parallel_loop3A_406, %parallel_loop3A_407, %parallel_loop3A_408] {strides = array<i32>} : memref<2x16x1024xf32, #tpu.memory_space<vmem>>, vector<1x1x16xf32>,
            %parallel_loop3A_410 = vector.shape_cast %parallel_loop3A_409 : vector<1x1x16xf32> to vector<16xf32>
            %parallel_loop3A_411 = arith.index_cast %parallel_loop3A_404 : i32 to index
            %parallel_loop3A_412 = arith.index_cast %parallel_loop3A_326 : i32 to index
            %parallel_loop3A_413 = tpu.vector_load %arg11[%parallel_loop3A_411, %parallel_loop3A_412] {strides = array<i32>} : memref<16x1024xf32, #tpu.memory_space<vmem>>, vector<1x16xf32>,
            %parallel_loop3A_414 = vector.shape_cast %parallel_loop3A_413 : vector<1x16xf32> to vector<16xf32>
            %parallel_loop3A_415 = arith.addf %parallel_loop3A_410, %parallel_loop3A_414 : vector<16xf32>
            %parallel_loop3A_416 = vector.broadcast %squeeze3A_263 : f32 to vector<16xf32>
            %parallel_loop3A_417 = arith.mulf %parallel_loop3A_416, %parallel_loop3A_331 : vector<16xf32>
            %parallel_loop3A_418 = vector.broadcast %squeeze3A_265 : f32 to vector<16xf32>
            %parallel_loop3A_419 = arith.mulf %parallel_loop3A_418, %parallel_loop3A_336 : vector<16xf32>
            %parallel_loop3A_420 = arith.addf %parallel_loop3A_417, %parallel_loop3A_419 : vector<16xf32>
            %parallel_loop3A_421 = vector.broadcast %squeeze3A_267 : f32 to vector<16xf32>
            %parallel_loop3A_422 = arith.mulf %parallel_loop3A_421, %parallel_loop3A_341 : vector<16xf32>
            %parallel_loop3A_423 = vector.broadcast %squeeze3A_269 : f32 to vector<16xf32>
            %parallel_loop3A_424 = arith.mulf %parallel_loop3A_423, %parallel_loop3A_346 : vector<16xf32>
            %parallel_loop3A_425 = arith.addf %parallel_loop3A_422, %parallel_loop3A_424 : vector<16xf32>
            %parallel_loop3A_426 = vector.broadcast %squeeze3A_271 : f32 to vector<16xf32>
            %parallel_loop3A_427 = arith.mulf %parallel_loop3A_426, %parallel_loop3A_351 : vector<16xf32>
            %parallel_loop3A_428 = vector.broadcast %squeeze3A_273 : f32 to vector<16xf32>
            %parallel_loop3A_429 = arith.mulf %parallel_loop3A_428, %parallel_loop3A_356 : vector<16xf32>
            %parallel_loop3A_430 = arith.addf %parallel_loop3A_427, %parallel_loop3A_429 : vector<16xf32>
            %parallel_loop3A_431 = arith.addf %parallel_loop3A_420, %parallel_loop3A_425 : vector<16xf32>
            %parallel_loop3A_432 = arith.addf %parallel_loop3A_415, %parallel_loop3A_431 : vector<16xf32>
            %parallel_loop3A_433 = vector.broadcast %squeeze3A_275 : f32 to vector<16xf32>
            %parallel_loop3A_434 = arith.mulf %parallel_loop3A_433, %parallel_loop3A_361 : vector<16xf32>
            %parallel_loop3A_435 = arith.addf %parallel_loop3A_430, %parallel_loop3A_434 : vector<16xf32>
            %parallel_loop3A_436 = arith.addf %parallel_loop3A_432, %parallel_loop3A_435 : vector<16xf32>
            %parallel_loop3A_437 = arith.constant 0 : i32
            %parallel_loop3A_438 = arith.index_cast %parallel_loop3A_437 : i32 to index
            %parallel_loop3A_439 = arith.index_cast %parallel_loop3A_404 : i32 to index
            %parallel_loop3A_440 = arith.index_cast %parallel_loop3A_326 : i32 to index
            %parallel_loop3A_441 = tpu.vector_load %arg15[%parallel_loop3A_438, %parallel_loop3A_439, %parallel_loop3A_440] {strides = array<i32>} : memref<2x16x1024xf32, #tpu.memory_space<vmem>>, vector<1x1x16xf32>,
            %parallel_loop3A_442 = vector.shape_cast %parallel_loop3A_441 : vector<1x1x16xf32> to vector<16xf32>
            %parallel_loop3A_443 = vector.shape_cast %parallel_loop3A_436 : vector<16xf32> to vector<1x1x16xf32>
            tpu.vector_store %arg15[%parallel_loop3A_438, %parallel_loop3A_439, %parallel_loop3A_440], %parallel_loop3A_443 {strides = array<i32>} : memref<2x16x1024xf32, #tpu.memory_space<vmem>>, vector<1x1x16xf32>,
            %parallel_loop3A_444 = arith.constant 2 : i32
            %parallel_loop3A_445 = arith.addi %mul3A_234, %parallel_loop3A_444 : i32
            %parallel_loop3A_446 = arith.constant 0 : i32
            %parallel_loop3A_447 = arith.index_cast %parallel_loop3A_446 : i32 to index
            %parallel_loop3A_448 = arith.index_cast %parallel_loop3A_445 : i32 to index
            %parallel_loop3A_449 = arith.index_cast %parallel_loop3A_326 : i32 to index
            %parallel_loop3A_450 = tpu.vector_load %arg14[%parallel_loop3A_447, %parallel_loop3A_448, %parallel_loop3A_449] {strides = array<i32>} : memref<2x16x1024xf32, #tpu.memory_space<vmem>>, vector<1x1x16xf32>,
            %parallel_loop3A_451 = vector.shape_cast %parallel_loop3A_450 : vector<1x1x16xf32> to vector<16xf32>
            %parallel_loop3A_452 = arith.index_cast %parallel_loop3A_445 : i32 to index
            %parallel_loop3A_453 = arith.index_cast %parallel_loop3A_326 : i32 to index
            %parallel_loop3A_454 = tpu.vector_load %arg11[%parallel_loop3A_452, %parallel_loop3A_453] {strides = array<i32>} : memref<16x1024xf32, #tpu.memory_space<vmem>>, vector<1x16xf32>,
            %parallel_loop3A_455 = vector.shape_cast %parallel_loop3A_454 : vector<1x16xf32> to vector<16xf32>
            %parallel_loop3A_456 = arith.addf %parallel_loop3A_451, %parallel_loop3A_455 : vector<16xf32>
            %parallel_loop3A_457 = vector.broadcast %squeeze3A_285 : f32 to vector<16xf32>
            %parallel_loop3A_458 = arith.mulf %parallel_loop3A_457, %parallel_loop3A_331 : vector<16xf32>
            %parallel_loop3A_459 = vector.broadcast %squeeze3A_287 : f32 to vector<16xf32>
            %parallel_loop3A_460 = arith.mulf %parallel_loop3A_459, %parallel_loop3A_336 : vector<16xf32>
            %parallel_loop3A_461 = arith.addf %parallel_loop3A_458, %parallel_loop3A_460 : vector<16xf32>
            %parallel_loop3A_462 = vector.broadcast %squeeze3A_289 : f32 to vector<16xf32>
            %parallel_loop3A_463 = arith.mulf %parallel_loop3A_462, %parallel_loop3A_341 : vector<16xf32>
            %parallel_loop3A_464 = vector.broadcast %squeeze3A_291 : f32 to vector<16xf32>
            %parallel_loop3A_465 = arith.mulf %parallel_loop3A_464, %parallel_loop3A_346 : vector<16xf32>
            %parallel_loop3A_466 = arith.addf %parallel_loop3A_463, %parallel_loop3A_465 : vector<16xf32>
            %parallel_loop3A_467 = vector.broadcast %squeeze3A_293 : f32 to vector<16xf32>
            %parallel_loop3A_468 = arith.mulf %parallel_loop3A_467, %parallel_loop3A_351 : vector<16xf32>
            %parallel_loop3A_469 = vector.broadcast %squeeze3A_295 : f32 to vector<16xf32>
            %parallel_loop3A_470 = arith.mulf %parallel_loop3A_469, %parallel_loop3A_356 : vector<16xf32>
            %parallel_loop3A_471 = arith.addf %parallel_loop3A_468, %parallel_loop3A_470 : vector<16xf32>
            %parallel_loop3A_472 = arith.addf %parallel_loop3A_461, %parallel_loop3A_466 : vector<16xf32>
            %parallel_loop3A_473 = arith.addf %parallel_loop3A_456, %parallel_loop3A_472 : vector<16xf32>
            %parallel_loop3A_474 = vector.broadcast %squeeze3A_297 : f32 to vector<16xf32>
            %parallel_loop3A_475 = arith.mulf %parallel_loop3A_474, %parallel_loop3A_361 : vector<16xf32>
            %parallel_loop3A_476 = arith.addf %parallel_loop3A_471, %parallel_loop3A_475 : vector<16xf32>
            %parallel_loop3A_477 = arith.addf %parallel_loop3A_473, %parallel_loop3A_476 : vector<16xf32>
            %parallel_loop3A_478 = arith.constant 0 : i32
            %parallel_loop3A_479 = arith.index_cast %parallel_loop3A_478 : i32 to index
            %parallel_loop3A_480 = arith.index_cast %parallel_loop3A_445 : i32 to index
            %parallel_loop3A_481 = arith.index_cast %parallel_loop3A_326 : i32 to index
            %parallel_loop3A_482 = tpu.vector_load %arg15[%parallel_loop3A_479, %parallel_loop3A_480, %parallel_loop3A_481] {strides = array<i32>} : memref<2x16x1024xf32, #tpu.memory_space<vmem>>, vector<1x1x16xf32>,
            %parallel_loop3A_483 = vector.shape_cast %parallel_loop3A_482 : vector<1x1x16xf32> to vector<16xf32>
            %parallel_loop3A_484 = vector.shape_cast %parallel_loop3A_477 : vector<16xf32> to vector<1x1x16xf32>
            tpu.vector_store %arg15[%parallel_loop3A_479, %parallel_loop3A_480, %parallel_loop3A_481], %parallel_loop3A_484 {strides = array<i32>} : memref<2x16x1024xf32, #tpu.memory_space<vmem>>, vector<1x1x16xf32>,
            %parallel_loop3A_485 = arith.constant 3 : i32
            %parallel_loop3A_486 = arith.addi %mul3A_234, %parallel_loop3A_485 : i32
            %parallel_loop3A_487 = arith.constant 0 : i32
            %parallel_loop3A_488 = arith.index_cast %parallel_loop3A_487 : i32 to index
            %parallel_loop3A_489 = arith.index_cast %parallel_loop3A_486 : i32 to index
            %parallel_loop3A_490 = arith.index_cast %parallel_loop3A_326 : i32 to index
            %parallel_loop3A_491 = tpu.vector_load %arg14[%parallel_loop3A_488, %parallel_loop3A_489, %parallel_loop3A_490] {strides = array<i32>} : memref<2x16x1024xf32, #tpu.memory_space<vmem>>, vector<1x1x16xf32>,
            %parallel_loop3A_492 = vector.shape_cast %parallel_loop3A_491 : vector<1x1x16xf32> to vector<16xf32>
            %parallel_loop3A_493 = arith.index_cast %parallel_loop3A_486 : i32 to index
            %parallel_loop3A_494 = arith.index_cast %parallel_loop3A_326 : i32 to index
            %parallel_loop3A_495 = tpu.vector_load %arg11[%parallel_loop3A_493, %parallel_loop3A_494] {strides = array<i32>} : memref<16x1024xf32, #tpu.memory_space<vmem>>, vector<1x16xf32>,
            %parallel_loop3A_496 = vector.shape_cast %parallel_loop3A_495 : vector<1x16xf32> to vector<16xf32>
            %parallel_loop3A_497 = arith.addf %parallel_loop3A_492, %parallel_loop3A_496 : vector<16xf32>
            %parallel_loop3A_498 = vector.broadcast %squeeze3A_307 : f32 to vector<16xf32>
            %parallel_loop3A_499 = arith.mulf %parallel_loop3A_498, %parallel_loop3A_331 : vector<16xf32>
            %parallel_loop3A_500 = vector.broadcast %squeeze3A_309 : f32 to vector<16xf32>
            %parallel_loop3A_501 = arith.mulf %parallel_loop3A_500, %parallel_loop3A_336 : vector<16xf32>
            %parallel_loop3A_502 = arith.addf %parallel_loop3A_499, %parallel_loop3A_501 : vector<16xf32>
            %parallel_loop3A_503 = vector.broadcast %squeeze3A_311 : f32 to vector<16xf32>
            %parallel_loop3A_504 = arith.mulf %parallel_loop3A_503, %parallel_loop3A_341 : vector<16xf32>
            %parallel_loop3A_505 = vector.broadcast %squeeze3A_313 : f32 to vector<16xf32>
            %parallel_loop3A_506 = arith.mulf %parallel_loop3A_505, %parallel_loop3A_346 : vector<16xf32>
            %parallel_loop3A_507 = arith.addf %parallel_loop3A_504, %parallel_loop3A_506 : vector<16xf32>
            %parallel_loop3A_508 = vector.broadcast %squeeze3A_315 : f32 to vector<16xf32>
            %parallel_loop3A_509 = arith.mulf %parallel_loop3A_508, %parallel_loop3A_351 : vector<16xf32>
            %parallel_loop3A_510 = vector.broadcast %squeeze3A_317 : f32 to vector<16xf32>
            %parallel_loop3A_511 = arith.mulf %parallel_loop3A_510, %parallel_loop3A_356 : vector<16xf32>
            %parallel_loop3A_512 = arith.addf %parallel_loop3A_509, %parallel_loop3A_511 : vector<16xf32>
            %parallel_loop3A_513 = arith.addf %parallel_loop3A_502, %parallel_loop3A_507 : vector<16xf32>
            %parallel_loop3A_514 = arith.addf %parallel_loop3A_497, %parallel_loop3A_513 : vector<16xf32>
            %parallel_loop3A_515 = vector.broadcast %squeeze3A_319 : f32 to vector<16xf32>
            %parallel_loop3A_516 = arith.mulf %parallel_loop3A_515, %parallel_loop3A_361 : vector<16xf32>
            %parallel_loop3A_517 = arith.addf %parallel_loop3A_512, %parallel_loop3A_516 : vector<16xf32>
            %parallel_loop3A_518 = arith.addf %parallel_loop3A_514, %parallel_loop3A_517 : vector<16xf32>
            %parallel_loop3A_519 = arith.constant 0 : i32
            %parallel_loop3A_520 = arith.index_cast %parallel_loop3A_519 : i32 to index
            %parallel_loop3A_521 = arith.index_cast %parallel_loop3A_486 : i32 to index
            %parallel_loop3A_522 = arith.index_cast %parallel_loop3A_326 : i32 to index
            %parallel_loop3A_523 = tpu.vector_load %arg15[%parallel_loop3A_520, %parallel_loop3A_521, %parallel_loop3A_522] {strides = array<i32>} : memref<2x16x1024xf32, #tpu.memory_space<vmem>>, vector<1x1x16xf32>,
            %parallel_loop3A_524 = vector.shape_cast %parallel_loop3A_523 : vector<1x1x16xf32> to vector<16xf32>
            %parallel_loop3A_525 = vector.shape_cast %parallel_loop3A_518 : vector<16xf32> to vector<1x1x16xf32>
            tpu.vector_store %arg15[%parallel_loop3A_520, %parallel_loop3A_521, %parallel_loop3A_522], %parallel_loop3A_525 {strides = array<i32>} : memref<2x16x1024xf32, #tpu.memory_space<vmem>>, vector<1x1x16xf32>,
            %parallel_loop3A_526 = arith.constant 1 : i32
            %parallel_loop3A_527 = arith.addi %parallel_loop3A_322, %parallel_loop3A_526 : i32
            %parallel_loop3A_528 = arith.constant 16 : i32
            %parallel_loop3A_529 = arith.muli %parallel_loop3A_527, %parallel_loop3A_528 : i32
            %parallel_loop3A_530 = arith.constant 0 : i32
            %parallel_loop3A_531 = arith.index_cast %parallel_loop3A_530 : i32 to index
            %parallel_loop3A_532 = arith.index_cast %parallel_loop3A_529 : i32 to index
            %parallel_loop3A_533 = tpu.vector_load %arg12[%parallel_loop3A_531, %parallel_loop3A_532] {strides = array<i32>} : memref<7x1024xf32, #tpu.memory_space<vmem>>, vector<1x16xf32>,
            %parallel_loop3A_534 = vector.shape_cast %parallel_loop3A_533 : vector<1x16xf32> to vector<16xf32>
            %parallel_loop3A_535 = arith.constant 1 : i32
            %parallel_loop3A_536 = arith.index_cast %parallel_loop3A_535 : i32 to index
            %parallel_loop3A_537 = arith.index_cast %parallel_loop3A_529 : i32 to index
            %parallel_loop3A_538 = tpu.vector_load %arg12[%parallel_loop3A_536, %parallel_loop3A_537] {strides = array<i32>} : memref<7x1024xf32, #tpu.memory_space<vmem>>, vector<1x16xf32>,
            %parallel_loop3A_539 = vector.shape_cast %parallel_loop3A_538 : vector<1x16xf32> to vector<16xf32>
            %parallel_loop3A_540 = arith.constant 2 : i32
            %parallel_loop3A_541 = arith.index_cast %parallel_loop3A_540 : i32 to index
            %parallel_loop3A_542 = arith.index_cast %parallel_loop3A_529 : i32 to index
            %parallel_loop3A_543 = tpu.vector_load %arg12[%parallel_loop3A_541, %parallel_loop3A_542] {strides = array<i32>} : memref<7x1024xf32, #tpu.memory_space<vmem>>, vector<1x16xf32>,
            %parallel_loop3A_544 = vector.shape_cast %parallel_loop3A_543 : vector<1x16xf32> to vector<16xf32>
            %parallel_loop3A_545 = arith.constant 3 : i32
            %parallel_loop3A_546 = arith.index_cast %parallel_loop3A_545 : i32 to index
            %parallel_loop3A_547 = arith.index_cast %parallel_loop3A_529 : i32 to index
            %parallel_loop3A_548 = tpu.vector_load %arg12[%parallel_loop3A_546, %parallel_loop3A_547] {strides = array<i32>} : memref<7x1024xf32, #tpu.memory_space<vmem>>, vector<1x16xf32>,
            %parallel_loop3A_549 = vector.shape_cast %parallel_loop3A_548 : vector<1x16xf32> to vector<16xf32>
            %parallel_loop3A_550 = arith.constant 4 : i32
            %parallel_loop3A_551 = arith.index_cast %parallel_loop3A_550 : i32 to index
            %parallel_loop3A_552 = arith.index_cast %parallel_loop3A_529 : i32 to index
            %parallel_loop3A_553 = tpu.vector_load %arg12[%parallel_loop3A_551, %parallel_loop3A_552] {strides = array<i32>} : memref<7x1024xf32, #tpu.memory_space<vmem>>, vector<1x16xf32>,
            %parallel_loop3A_554 = vector.shape_cast %parallel_loop3A_553 : vector<1x16xf32> to vector<16xf32>
            %parallel_loop3A_555 = arith.constant 5 : i32
            %parallel_loop3A_556 = arith.index_cast %parallel_loop3A_555 : i32 to index
            %parallel_loop3A_557 = arith.index_cast %parallel_loop3A_529 : i32 to index
            %parallel_loop3A_558 = tpu.vector_load %arg12[%parallel_loop3A_556, %parallel_loop3A_557] {strides = array<i32>} : memref<7x1024xf32, #tpu.memory_space<vmem>>, vector<1x16xf32>,
            %parallel_loop3A_559 = vector.shape_cast %parallel_loop3A_558 : vector<1x16xf32> to vector<16xf32>
            %parallel_loop3A_560 = arith.constant 6 : i32
            %parallel_loop3A_561 = arith.index_cast %parallel_loop3A_560 : i32 to index
            %parallel_loop3A_562 = arith.index_cast %parallel_loop3A_529 : i32 to index
            %parallel_loop3A_563 = tpu.vector_load %arg12[%parallel_loop3A_561, %parallel_loop3A_562] {strides = array<i32>} : memref<7x1024xf32, #tpu.memory_space<vmem>>, vector<1x16xf32>,
            %parallel_loop3A_564 = vector.shape_cast %parallel_loop3A_563 : vector<1x16xf32> to vector<16xf32>
            %parallel_loop3A_565 = arith.constant 0 : i32
            %parallel_loop3A_566 = arith.addi %mul3A_234, %parallel_loop3A_565 : i32
            %parallel_loop3A_567 = arith.constant 0 : i32
            %parallel_loop3A_568 = arith.index_cast %parallel_loop3A_567 : i32 to index
            %parallel_loop3A_569 = arith.index_cast %parallel_loop3A_566 : i32 to index
            %parallel_loop3A_570 = arith.index_cast %parallel_loop3A_529 : i32 to index
            %parallel_loop3A_571 = tpu.vector_load %arg14[%parallel_loop3A_568, %parallel_loop3A_569, %parallel_loop3A_570] {strides = array<i32>} : memref<2x16x1024xf32, #tpu.memory_space<vmem>>, vector<1x1x16xf32>,
            %parallel_loop3A_572 = vector.shape_cast %parallel_loop3A_571 : vector<1x1x16xf32> to vector<16xf32>
            %parallel_loop3A_573 = arith.index_cast %parallel_loop3A_566 : i32 to index
            %parallel_loop3A_574 = arith.index_cast %parallel_loop3A_529 : i32 to index
            %parallel_loop3A_575 = tpu.vector_load %arg11[%parallel_loop3A_573, %parallel_loop3A_574] {strides = array<i32>} : memref<16x1024xf32, #tpu.memory_space<vmem>>, vector<1x16xf32>,
            %parallel_loop3A_576 = vector.shape_cast %parallel_loop3A_575 : vector<1x16xf32> to vector<16xf32>
            %parallel_loop3A_577 = arith.addf %parallel_loop3A_572, %parallel_loop3A_576 : vector<16xf32>
            %parallel_loop3A_578 = vector.broadcast %squeeze3A : f32 to vector<16xf32>
            %parallel_loop3A_579 = arith.mulf %parallel_loop3A_578, %parallel_loop3A_534 : vector<16xf32>
            %parallel_loop3A_580 = vector.broadcast %squeeze3A_243 : f32 to vector<16xf32>
            %parallel_loop3A_581 = arith.mulf %parallel_loop3A_580, %parallel_loop3A_539 : vector<16xf32>
            %parallel_loop3A_582 = arith.addf %parallel_loop3A_579, %parallel_loop3A_581 : vector<16xf32>
            %parallel_loop3A_583 = vector.broadcast %squeeze3A_245 : f32 to vector<16xf32>
            %parallel_loop3A_584 = arith.mulf %parallel_loop3A_583, %parallel_loop3A_544 : vector<16xf32>
            %parallel_loop3A_585 = vector.broadcast %squeeze3A_247 : f32 to vector<16xf32>
            %parallel_loop3A_586 = arith.mulf %parallel_loop3A_585, %parallel_loop3A_549 : vector<16xf32>
            %parallel_loop3A_587 = arith.addf %parallel_loop3A_584, %parallel_loop3A_586 : vector<16xf32>
            %parallel_loop3A_588 = vector.broadcast %squeeze3A_249 : f32 to vector<16xf32>
            %parallel_loop3A_589 = arith.mulf %parallel_loop3A_588, %parallel_loop3A_554 : vector<16xf32>
            %parallel_loop3A_590 = vector.broadcast %squeeze3A_251 : f32 to vector<16xf32>
            %parallel_loop3A_591 = arith.mulf %parallel_loop3A_590, %parallel_loop3A_559 : vector<16xf32>
            %parallel_loop3A_592 = arith.addf %parallel_loop3A_589, %parallel_loop3A_591 : vector<16xf32>
            %parallel_loop3A_593 = arith.addf %parallel_loop3A_582, %parallel_loop3A_587 : vector<16xf32>
            %parallel_loop3A_594 = arith.addf %parallel_loop3A_577, %parallel_loop3A_593 : vector<16xf32>
            %parallel_loop3A_595 = vector.broadcast %squeeze3A_253 : f32 to vector<16xf32>
            %parallel_loop3A_596 = arith.mulf %parallel_loop3A_595, %parallel_loop3A_564 : vector<16xf32>
            %parallel_loop3A_597 = arith.addf %parallel_loop3A_592, %parallel_loop3A_596 : vector<16xf32>
            %parallel_loop3A_598 = arith.addf %parallel_loop3A_594, %parallel_loop3A_597 : vector<16xf32>
            %parallel_loop3A_599 = arith.constant 0 : i32
            %parallel_loop3A_600 = arith.index_cast %parallel_loop3A_599 : i32 to index
            %parallel_loop3A_601 = arith.index_cast %parallel_loop3A_566 : i32 to index
            %parallel_loop3A_602 = arith.index_cast %parallel_loop3A_529 : i32 to index
            %parallel_loop3A_603 = tpu.vector_load %arg15[%parallel_loop3A_600, %parallel_loop3A_601, %parallel_loop3A_602] {strides = array<i32>} : memref<2x16x1024xf32, #tpu.memory_space<vmem>>, vector<1x1x16xf32>,
            %parallel_loop3A_604 = vector.shape_cast %parallel_loop3A_603 : vector<1x1x16xf32> to vector<16xf32>
            %parallel_loop3A_605 = vector.shape_cast %parallel_loop3A_598 : vector<16xf32> to vector<1x1x16xf32>
            tpu.vector_store %arg15[%parallel_loop3A_600, %parallel_loop3A_601, %parallel_loop3A_602], %parallel_loop3A_605 {strides = array<i32>} : memref<2x16x1024xf32, #tpu.memory_space<vmem>>, vector<1x1x16xf32>,
            %parallel_loop3A_606 = arith.constant 1 : i32
            %parallel_loop3A_607 = arith.addi %mul3A_234, %parallel_loop3A_606 : i32
            %parallel_loop3A_608 = arith.constant 0 : i32
            %parallel_loop3A_609 = arith.index_cast %parallel_loop3A_608 : i32 to index
            %parallel_loop3A_610 = arith.index_cast %parallel_loop3A_607 : i32 to index
            %parallel_loop3A_611 = arith.index_cast %parallel_loop3A_529 : i32 to index
            %parallel_loop3A_612 = tpu.vector_load %arg14[%parallel_loop3A_609, %parallel_loop3A_610, %parallel_loop3A_611] {strides = array<i32>} : memref<2x16x1024xf32, #tpu.memory_space<vmem>>, vector<1x1x16xf32>,
            %parallel_loop3A_613 = vector.shape_cast %parallel_loop3A_612 : vector<1x1x16xf32> to vector<16xf32>
            %parallel_loop3A_614 = arith.index_cast %parallel_loop3A_607 : i32 to index
            %parallel_loop3A_615 = arith.index_cast %parallel_loop3A_529 : i32 to index
            %parallel_loop3A_616 = tpu.vector_load %arg11[%parallel_loop3A_614, %parallel_loop3A_615] {strides = array<i32>} : memref<16x1024xf32, #tpu.memory_space<vmem>>, vector<1x16xf32>,
            %parallel_loop3A_617 = vector.shape_cast %parallel_loop3A_616 : vector<1x16xf32> to vector<16xf32>
            %parallel_loop3A_618 = arith.addf %parallel_loop3A_613, %parallel_loop3A_617 : vector<16xf32>
            %parallel_loop3A_619 = vector.broadcast %squeeze3A_263 : f32 to vector<16xf32>
            %parallel_loop3A_620 = arith.mulf %parallel_loop3A_619, %parallel_loop3A_534 : vector<16xf32>
            %parallel_loop3A_621 = vector.broadcast %squeeze3A_265 : f32 to vector<16xf32>
            %parallel_loop3A_622 = arith.mulf %parallel_loop3A_621, %parallel_loop3A_539 : vector<16xf32>
            %parallel_loop3A_623 = arith.addf %parallel_loop3A_620, %parallel_loop3A_622 : vector<16xf32>
            %parallel_loop3A_624 = vector.broadcast %squeeze3A_267 : f32 to vector<16xf32>
            %parallel_loop3A_625 = arith.mulf %parallel_loop3A_624, %parallel_loop3A_544 : vector<16xf32>
            %parallel_loop3A_626 = vector.broadcast %squeeze3A_269 : f32 to vector<16xf32>
            %parallel_loop3A_627 = arith.mulf %parallel_loop3A_626, %parallel_loop3A_549 : vector<16xf32>
            %parallel_loop3A_628 = arith.addf %parallel_loop3A_625, %parallel_loop3A_627 : vector<16xf32>
            %parallel_loop3A_629 = vector.broadcast %squeeze3A_271 : f32 to vector<16xf32>
            %parallel_loop3A_630 = arith.mulf %parallel_loop3A_629, %parallel_loop3A_554 : vector<16xf32>
            %parallel_loop3A_631 = vector.broadcast %squeeze3A_273 : f32 to vector<16xf32>
            %parallel_loop3A_632 = arith.mulf %parallel_loop3A_631, %parallel_loop3A_559 : vector<16xf32>
            %parallel_loop3A_633 = arith.addf %parallel_loop3A_630, %parallel_loop3A_632 : vector<16xf32>
            %parallel_loop3A_634 = arith.addf %parallel_loop3A_623, %parallel_loop3A_628 : vector<16xf32>
            %parallel_loop3A_635 = arith.addf %parallel_loop3A_618, %parallel_loop3A_634 : vector<16xf32>
            %parallel_loop3A_636 = vector.broadcast %squeeze3A_275 : f32 to vector<16xf32>
            %parallel_loop3A_637 = arith.mulf %parallel_loop3A_636, %parallel_loop3A_564 : vector<16xf32>
            %parallel_loop3A_638 = arith.addf %parallel_loop3A_633, %parallel_loop3A_637 : vector<16xf32>
            %parallel_loop3A_639 = arith.addf %parallel_loop3A_635, %parallel_loop3A_638 : vector<16xf32>
            %parallel_loop3A_640 = arith.constant 0 : i32
            %parallel_loop3A_641 = arith.index_cast %parallel_loop3A_640 : i32 to index
            %parallel_loop3A_642 = arith.index_cast %parallel_loop3A_607 : i32 to index
            %parallel_loop3A_643 = arith.index_cast %parallel_loop3A_529 : i32 to index
            %parallel_loop3A_644 = tpu.vector_load %arg15[%parallel_loop3A_641, %parallel_loop3A_642, %parallel_loop3A_643] {strides = array<i32>} : memref<2x16x1024xf32, #tpu.memory_space<vmem>>, vector<1x1x16xf32>,
            %parallel_loop3A_645 = vector.shape_cast %parallel_loop3A_644 : vector<1x1x16xf32> to vector<16xf32>
            %parallel_loop3A_646 = vector.shape_cast %parallel_loop3A_639 : vector<16xf32> to vector<1x1x16xf32>
            tpu.vector_store %arg15[%parallel_loop3A_641, %parallel_loop3A_642, %parallel_loop3A_643], %parallel_loop3A_646 {strides = array<i32>} : memref<2x16x1024xf32, #tpu.memory_space<vmem>>, vector<1x1x16xf32>,
            %parallel_loop3A_647 = arith.constant 2 : i32
            %parallel_loop3A_648 = arith.addi %mul3A_234, %parallel_loop3A_647 : i32
            %parallel_loop3A_649 = arith.constant 0 : i32
            %parallel_loop3A_650 = arith.index_cast %parallel_loop3A_649 : i32 to index
            %parallel_loop3A_651 = arith.index_cast %parallel_loop3A_648 : i32 to index
            %parallel_loop3A_652 = arith.index_cast %parallel_loop3A_529 : i32 to index
            %parallel_loop3A_653 = tpu.vector_load %arg14[%parallel_loop3A_650, %parallel_loop3A_651, %parallel_loop3A_652] {strides = array<i32>} : memref<2x16x1024xf32, #tpu.memory_space<vmem>>, vector<1x1x16xf32>,
            %parallel_loop3A_654 = vector.shape_cast %parallel_loop3A_653 : vector<1x1x16xf32> to vector<16xf32>
            %parallel_loop3A_655 = arith.index_cast %parallel_loop3A_648 : i32 to index
            %parallel_loop3A_656 = arith.index_cast %parallel_loop3A_529 : i32 to index
            %parallel_loop3A_657 = tpu.vector_load %arg11[%parallel_loop3A_655, %parallel_loop3A_656] {strides = array<i32>} : memref<16x1024xf32, #tpu.memory_space<vmem>>, vector<1x16xf32>,
            %parallel_loop3A_658 = vector.shape_cast %parallel_loop3A_657 : vector<1x16xf32> to vector<16xf32>
            %parallel_loop3A_659 = arith.addf %parallel_loop3A_654, %parallel_loop3A_658 : vector<16xf32>
            %parallel_loop3A_660 = vector.broadcast %squeeze3A_285 : f32 to vector<16xf32>
            %parallel_loop3A_661 = arith.mulf %parallel_loop3A_660, %parallel_loop3A_534 : vector<16xf32>
            %parallel_loop3A_662 = vector.broadcast %squeeze3A_287 : f32 to vector<16xf32>
            %parallel_loop3A_663 = arith.mulf %parallel_loop3A_662, %parallel_loop3A_539 : vector<16xf32>
            %parallel_loop3A_664 = arith.addf %parallel_loop3A_661, %parallel_loop3A_663 : vector<16xf32>
            %parallel_loop3A_665 = vector.broadcast %squeeze3A_289 : f32 to vector<16xf32>
            %parallel_loop3A_666 = arith.mulf %parallel_loop3A_665, %parallel_loop3A_544 : vector<16xf32>
            %parallel_loop3A_667 = vector.broadcast %squeeze3A_291 : f32 to vector<16xf32>
            %parallel_loop3A_668 = arith.mulf %parallel_loop3A_667, %parallel_loop3A_549 : vector<16xf32>
            %parallel_loop3A_669 = arith.addf %parallel_loop3A_666, %parallel_loop3A_668 : vector<16xf32>
            %parallel_loop3A_670 = vector.broadcast %squeeze3A_293 : f32 to vector<16xf32>
            %parallel_loop3A_671 = arith.mulf %parallel_loop3A_670, %parallel_loop3A_554 : vector<16xf32>
            %parallel_loop3A_672 = vector.broadcast %squeeze3A_295 : f32 to vector<16xf32>
            %parallel_loop3A_673 = arith.mulf %parallel_loop3A_672, %parallel_loop3A_559 : vector<16xf32>
            %parallel_loop3A_674 = arith.addf %parallel_loop3A_671, %parallel_loop3A_673 : vector<16xf32>
            %parallel_loop3A_675 = arith.addf %parallel_loop3A_664, %parallel_loop3A_669 : vector<16xf32>
            %parallel_loop3A_676 = arith.addf %parallel_loop3A_659, %parallel_loop3A_675 : vector<16xf32>
            %parallel_loop3A_677 = vector.broadcast %squeeze3A_297 : f32 to vector<16xf32>
            %parallel_loop3A_678 = arith.mulf %parallel_loop3A_677, %parallel_loop3A_564 : vector<16xf32>
            %parallel_loop3A_679 = arith.addf %parallel_loop3A_674, %parallel_loop3A_678 : vector<16xf32>
            %parallel_loop3A_680 = arith.addf %parallel_loop3A_676, %parallel_loop3A_679 : vector<16xf32>
            %parallel_loop3A_681 = arith.constant 0 : i32
            %parallel_loop3A_682 = arith.index_cast %parallel_loop3A_681 : i32 to index
            %parallel_loop3A_683 = arith.index_cast %parallel_loop3A_648 : i32 to index
            %parallel_loop3A_684 = arith.index_cast %parallel_loop3A_529 : i32 to index
            %parallel_loop3A_685 = tpu.vector_load %arg15[%parallel_loop3A_682, %parallel_loop3A_683, %parallel_loop3A_684] {strides = array<i32>} : memref<2x16x1024xf32, #tpu.memory_space<vmem>>, vector<1x1x16xf32>,
            %parallel_loop3A_686 = vector.shape_cast %parallel_loop3A_685 : vector<1x1x16xf32> to vector<16xf32>
            %parallel_loop3A_687 = vector.shape_cast %parallel_loop3A_680 : vector<16xf32> to vector<1x1x16xf32>
            tpu.vector_store %arg15[%parallel_loop3A_682, %parallel_loop3A_683, %parallel_loop3A_684], %parallel_loop3A_687 {strides = array<i32>} : memref<2x16x1024xf32, #tpu.memory_space<vmem>>, vector<1x1x16xf32>,
            %parallel_loop3A_688 = arith.constant 3 : i32
            %parallel_loop3A_689 = arith.addi %mul3A_234, %parallel_loop3A_688 : i32
            %parallel_loop3A_690 = arith.constant 0 : i32
            %parallel_loop3A_691 = arith.index_cast %parallel_loop3A_690 : i32 to index
            %parallel_loop3A_692 = arith.index_cast %parallel_loop3A_689 : i32 to index
            %parallel_loop3A_693 = arith.index_cast %parallel_loop3A_529 : i32 to index
            %parallel_loop3A_694 = tpu.vector_load %arg14[%parallel_loop3A_691, %parallel_loop3A_692, %parallel_loop3A_693] {strides = array<i32>} : memref<2x16x1024xf32, #tpu.memory_space<vmem>>, vector<1x1x16xf32>,
            %parallel_loop3A_695 = vector.shape_cast %parallel_loop3A_694 : vector<1x1x16xf32> to vector<16xf32>
            %parallel_loop3A_696 = arith.index_cast %parallel_loop3A_689 : i32 to index
            %parallel_loop3A_697 = arith.index_cast %parallel_loop3A_529 : i32 to index
            %parallel_loop3A_698 = tpu.vector_load %arg11[%parallel_loop3A_696, %parallel_loop3A_697] {strides = array<i32>} : memref<16x1024xf32, #tpu.memory_space<vmem>>, vector<1x16xf32>,
            %parallel_loop3A_699 = vector.shape_cast %parallel_loop3A_698 : vector<1x16xf32> to vector<16xf32>
            %parallel_loop3A_700 = arith.addf %parallel_loop3A_695, %parallel_loop3A_699 : vector<16xf32>
            %parallel_loop3A_701 = vector.broadcast %squeeze3A_307 : f32 to vector<16xf32>
            %parallel_loop3A_702 = arith.mulf %parallel_loop3A_701, %parallel_loop3A_534 : vector<16xf32>
            %parallel_loop3A_703 = vector.broadcast %squeeze3A_309 : f32 to vector<16xf32>
            %parallel_loop3A_704 = arith.mulf %parallel_loop3A_703, %parallel_loop3A_539 : vector<16xf32>
            %parallel_loop3A_705 = arith.addf %parallel_loop3A_702, %parallel_loop3A_704 : vector<16xf32>
            %parallel_loop3A_706 = vector.broadcast %squeeze3A_311 : f32 to vector<16xf32>
            %parallel_loop3A_707 = arith.mulf %parallel_loop3A_706, %parallel_loop3A_544 : vector<16xf32>
            %parallel_loop3A_708 = vector.broadcast %squeeze3A_313 : f32 to vector<16xf32>
            %parallel_loop3A_709 = arith.mulf %parallel_loop3A_708, %parallel_loop3A_549 : vector<16xf32>
            %parallel_loop3A_710 = arith.addf %parallel_loop3A_707, %parallel_loop3A_709 : vector<16xf32>
            %parallel_loop3A_711 = vector.broadcast %squeeze3A_315 : f32 to vector<16xf32>
            %parallel_loop3A_712 = arith.mulf %parallel_loop3A_711, %parallel_loop3A_554 : vector<16xf32>
            %parallel_loop3A_713 = vector.broadcast %squeeze3A_317 : f32 to vector<16xf32>
            %parallel_loop3A_714 = arith.mulf %parallel_loop3A_713, %parallel_loop3A_559 : vector<16xf32>
            %parallel_loop3A_715 = arith.addf %parallel_loop3A_712, %parallel_loop3A_714 : vector<16xf32>
            %parallel_loop3A_716 = arith.addf %parallel_loop3A_705, %parallel_loop3A_710 : vector<16xf32>
            %parallel_loop3A_717 = arith.addf %parallel_loop3A_700, %parallel_loop3A_716 : vector<16xf32>
            %parallel_loop3A_718 = vector.broadcast %squeeze3A_319 : f32 to vector<16xf32>
            %parallel_loop3A_719 = arith.mulf %parallel_loop3A_718, %parallel_loop3A_564 : vector<16xf32>
            %parallel_loop3A_720 = arith.addf %parallel_loop3A_715, %parallel_loop3A_719 : vector<16xf32>
            %parallel_loop3A_721 = arith.addf %parallel_loop3A_717, %parallel_loop3A_720 : vector<16xf32>
            %parallel_loop3A_722 = arith.constant 0 : i32
            %parallel_loop3A_723 = arith.index_cast %parallel_loop3A_722 : i32 to index
            %parallel_loop3A_724 = arith.index_cast %parallel_loop3A_689 : i32 to index
            %parallel_loop3A_725 = arith.index_cast %parallel_loop3A_529 : i32 to index
            %parallel_loop3A_726 = tpu.vector_load %arg15[%parallel_loop3A_723, %parallel_loop3A_724, %parallel_loop3A_725] {strides = array<i32>} : memref<2x16x1024xf32, #tpu.memory_space<vmem>>, vector<1x1x16xf32>,
            %parallel_loop3A_727 = vector.shape_cast %parallel_loop3A_726 : vector<1x1x16xf32> to vector<16xf32>
            %parallel_loop3A_728 = vector.shape_cast %parallel_loop3A_721 : vector<16xf32> to vector<1x1x16xf32>
            tpu.vector_store %arg15[%parallel_loop3A_723, %parallel_loop3A_724, %parallel_loop3A_725], %parallel_loop3A_728 {strides = array<i32>} : memref<2x16x1024xf32, #tpu.memory_space<vmem>>, vector<1x1x16xf32>,
          } {sc.loop_unroll_factor = 1 : i64, sc.parallel_access}
        }
        %scan3A_145 = arith.constant 4 : i32
        %dma_start3A_146 = arith.constant 0 : i32
        %dma_start3A_147 = arith.constant 0 : i32
        %dma_start3A_148 = arith.constant 0 : i32
        %dma_start3A_149 = tpu.memref_slice %arg15[%dma_start3A_146, %dma_start3A_147, %dma_start3A_148] : memref<2x16x1024xf32, #tpu.memory_space<vmem>> -> memref<1x16x1024xf32, #tpu.memory_space<vmem>>
        %dma_start3A_150 = tpu.memref_squeeze %dma_start3A_149 : memref<1x16x1024xf32, #tpu.memory_space<vmem>> -> memref<16x1024xf32, #tpu.memory_space<vmem>>
        %dma_start3A_151 = arith.constant 0 : i32
        %dma_start3A_152 = tpu.memref_slice %arg8[%add3A_108, %mul3A_4, %dma_start3A_151] : memref<64x448x1024xf32, #tpu.memory_space<hbm>> -> memref<1x16x1024xf32, #tpu.memory_space<hbm>>
        %dma_start3A_153 = tpu.memref_squeeze %dma_start3A_152 : memref<1x16x1024xf32, #tpu.memory_space<hbm>> -> memref<16x1024xf32, #tpu.memory_space<hbm>>
        %dma_start3A_154 = arith.constant 0 : i32
        %dma_start3A_155 = tpu.memref_slice %arg8[%add3A_108, %mul3A_4, %dma_start3A_154] : memref<64x448x1024xf32, #tpu.memory_space<hbm>> -> memref<1x16x1024xf32, #tpu.memory_space<hbm>>
        %dma_start3A_156 = tpu.memref_squeeze %dma_start3A_155 : memref<1x16x1024xf32, #tpu.memory_space<hbm>> -> memref<16x1024xf32, #tpu.memory_space<hbm>>
        %dma_start3A_157 = arith.constant 0 : i32
        %dma_start3A_158 = arith.constant 0 : i32
        %dma_start3A_159 = tpu.memref_slice %arg15[%dma_start3A_146, %dma_start3A_157, %dma_start3A_158] : memref<2x16x1024xf32, #tpu.memory_space<vmem>> -> memref<1x16x1024xf32, #tpu.memory_space<vmem>>
        %dma_start3A_160 = tpu.memref_squeeze %dma_start3A_159 : memref<1x16x1024xf32, #tpu.memory_space<vmem>> -> memref<16x1024xf32, #tpu.memory_space<vmem>>
        tpu.enqueue_dma source(%dma_start3A_160 : memref<16x1024xf32, #tpu.memory_space<vmem>>) target(%dma_start3A_156 : memref<16x1024xf32, #tpu.memory_space<hbm>>) target_semaphore(%arg18 : memref<!tpu.dma_semaphore, #tpu.memory_space<semaphore_mem>>)
        %add3A_161 = arith.constant 2 : i32
        %add3A_162 = arith.addi %add3A_108, %add3A_161 : i32
        %lt3A_163 = arith.constant 64 : i32
        %lt3A_164 = arith.cmpi slt, %add3A_162, %lt3A_163 : i32
        %convert_element_type3A_165 = arith.extui %lt3A_164 : i1 to i32
        %cond3A_166 = arith.constant 0 : i32
        %cond3A_167 = arith.cmpi ne, %convert_element_type3A_165, %cond3A_166 : i32
        scf.if %cond3A_167 {
          %add3A_232 = arith.constant 2 : i32
          %add3A_233 = arith.addi %add3A_108, %add3A_232 : i32
          %dma_start3A_234 = arith.constant 0 : i32
          %dma_start3A_235 = arith.constant 0 : i32
          %dma_start3A_236 = arith.constant 0 : i32
          %dma_start3A_237 = tpu.memref_slice %arg14[%dma_start3A_234, %dma_start3A_235, %dma_start3A_236] : memref<2x16x1024xf32, #tpu.memory_space<vmem>> -> memref<1x16x1024xf32, #tpu.memory_space<vmem>>
          %dma_start3A_238 = tpu.memref_squeeze %dma_start3A_237 : memref<1x16x1024xf32, #tpu.memory_space<vmem>> -> memref<16x1024xf32, #tpu.memory_space<vmem>>
          %dma_start3A_239 = arith.constant 0 : i32
          %dma_start3A_240 = tpu.memref_slice %arg9[%add3A_233, %dma_start3A_239] : memref<64x16xi32, #tpu.memory_space<vmem>> -> memref<1x16xi32, #tpu.memory_space<vmem>>
          %dma_start3A_241 = tpu.memref_squeeze %dma_start3A_240 : memref<1x16xi32, #tpu.memory_space<vmem>> -> memref<16xi32, #tpu.memory_space<vmem>>
          %dma_start3A_242 = arith.constant 0 : i32
          %dma_start3A_243 = arith.constant 0 : i32
          %dma_start3A_244 = tpu.memref_slice %arg4[%dma_start3A_242, %dma_start3A_243] : memref<51865x1024xf32, #tpu.memory_space<hbm>> -> memref<51865x1024xf32, #tpu.memory_space<hbm>>
          tpu.enqueue_indirect_dma source(%dma_start3A_244 : memref<51865x1024xf32, #tpu.memory_space<hbm>>) target(%dma_start3A_238 : memref<16x1024xf32, #tpu.memory_space<vmem>>) offsets(%dma_start3A_241 : memref<16xi32, #tpu.memory_space<vmem>>) semaphore(%arg16 : memref<!tpu.dma_semaphore, #tpu.memory_space<semaphore_mem>>)
          %dma_start3A_245 = arith.constant 0 : i32
          %dma_start3A_246 = arith.constant 0 : i32
          %dma_start3A_247 = arith.constant 0 : i32
          %dma_start3A_248 = tpu.memref_slice %arg10[%dma_start3A_245, %dma_start3A_246, %dma_start3A_247] : memref<2x16x16xf32, #tpu.memory_space<vmem>> -> memref<1x16x16xf32, #tpu.memory_space<vmem>>
          %dma_start3A_249 = tpu.memref_squeeze %dma_start3A_248 : memref<1x16x16xf32, #tpu.memory_space<vmem>> -> memref<16x16xf32, #tpu.memory_space<vmem>>
          %dma_start3A_250 = arith.constant 0 : i32
          %dma_start3A_251 = arith.constant 0 : i32
          %dma_start3A_252 = tpu.memref_slice %arg3[%add3A, %add3A_233, %dma_start3A_250, %dma_start3A_251] : memref<28x64x16x16xf32, #tpu.memory_space<hbm>> -> memref<1x1x16x16xf32, #tpu.memory_space<hbm>>
          %dma_start3A_253 = tpu.memref_squeeze %dma_start3A_252 : memref<1x1x16x16xf32, #tpu.memory_space<hbm>> -> memref<16x16xf32, #tpu.memory_space<hbm>>
          %dma_start3A_254 = arith.constant 0 : i32
          %dma_start3A_255 = arith.constant 0 : i32
          %dma_start3A_256 = tpu.memref_slice %arg10[%dma_start3A_245, %dma_start3A_254, %dma_start3A_255] : memref<2x16x16xf32, #tpu.memory_space<vmem>> -> memref<1x16x16xf32, #tpu.memory_space<vmem>>
          %dma_start3A_257 = tpu.memref_squeeze %dma_start3A_256 : memref<1x16x16xf32, #tpu.memory_space<vmem>> -> memref<16x16xf32, #tpu.memory_space<vmem>>
          %dma_start3A_258 = arith.constant 0 : i32
          %dma_start3A_259 = arith.constant 0 : i32
          %dma_start3A_260 = tpu.memref_slice %arg3[%add3A, %add3A_233, %dma_start3A_258, %dma_start3A_259] : memref<28x64x16x16xf32, #tpu.memory_space<hbm>> -> memref<1x1x16x16xf32, #tpu.memory_space<hbm>>
          %dma_start3A_261 = tpu.memref_squeeze %dma_start3A_260 : memref<1x1x16x16xf32, #tpu.memory_space<hbm>> -> memref<16x16xf32, #tpu.memory_space<hbm>>
          tpu.enqueue_dma source(%dma_start3A_261 : memref<16x16xf32, #tpu.memory_space<hbm>>) target(%dma_start3A_257 : memref<16x16xf32, #tpu.memory_space<vmem>>) target_semaphore(%arg20 : memref<!tpu.dma_semaphore, #tpu.memory_space<semaphore_mem>>)
        } else {
        }
        %mul3A_168 = arith.constant 2 : i32
        %mul3A_169 = arith.muli %mul3A_168, %scan3A_104 : i32
        %add3A_170 = arith.constant 1 : i32
        %add3A_171 = arith.addi %mul3A_169, %add3A_170 : i32
        %dma_wait3A_172 = arith.constant 1 : i32
        %dma_wait3A_173 = arith.constant 0 : i32
        %dma_wait3A_174 = arith.constant 0 : i32
        %dma_wait3A_175 = tpu.memref_slice %arg14[%dma_wait3A_172, %dma_wait3A_173, %dma_wait3A_174] : memref<2x16x1024xf32, #tpu.memory_space<vmem>> -> memref<1x16x1024xf32, #tpu.memory_space<vmem>>
        %dma_wait3A_176 = tpu.memref_squeeze %dma_wait3A_175 : memref<1x16x1024xf32, #tpu.memory_space<vmem>> -> memref<16x1024xf32, #tpu.memory_space<vmem>>
        %dma_wait3A_177 = arith.constant 0 : i32
        %dma_wait3A_178 = tpu.memref_slice %arg9[%add3A_171, %dma_wait3A_177] : memref<64x16xi32, #tpu.memory_space<vmem>> -> memref<1x16xi32, #tpu.memory_space<vmem>>
        %dma_wait3A_179 = tpu.memref_squeeze %dma_wait3A_178 : memref<1x16xi32, #tpu.memory_space<vmem>> -> memref<16xi32, #tpu.memory_space<vmem>>
        %dma_wait3A_180 = arith.constant 0 : i32
        %dma_wait3A_181 = arith.constant 0 : i32
        %dma_wait3A_182 = tpu.memref_slice %arg4[%dma_wait3A_180, %dma_wait3A_181] : memref<51865x1024xf32, #tpu.memory_space<hbm>> -> memref<51865x1024xf32, #tpu.memory_space<hbm>>
        tpu.wait_indirect_dma semaphore(%arg17 : memref<!tpu.dma_semaphore, #tpu.memory_space<semaphore_mem>>) src(%dma_wait3A_182 : memref<51865x1024xf32, #tpu.memory_space<hbm>>) dst(%dma_wait3A_176 : memref<16x1024xf32, #tpu.memory_space<vmem>>)
        %dma_wait3A_183 = arith.constant 1 : i32
        %dma_wait3A_184 = arith.constant 0 : i32
        %dma_wait3A_185 = arith.constant 0 : i32
        %dma_wait3A_186 = tpu.memref_slice %arg10[%dma_wait3A_183, %dma_wait3A_184, %dma_wait3A_185] : memref<2x16x16xf32, #tpu.memory_space<vmem>> -> memref<1x16x16xf32, #tpu.memory_space<vmem>>
        %dma_wait3A_187 = tpu.memref_squeeze %dma_wait3A_186 : memref<1x16x16xf32, #tpu.memory_space<vmem>> -> memref<16x16xf32, #tpu.memory_space<vmem>>
        %dma_wait3A_188 = arith.constant 0 : i32
        %dma_wait3A_189 = arith.constant 0 : i32
        %dma_wait3A_190 = tpu.memref_slice %arg3[%add3A, %add3A_171, %dma_wait3A_188, %dma_wait3A_189] : memref<28x64x16x16xf32, #tpu.memory_space<hbm>> -> memref<1x1x16x16xf32, #tpu.memory_space<hbm>>
        %dma_wait3A_191 = tpu.memref_squeeze %dma_wait3A_190 : memref<1x1x16x16xf32, #tpu.memory_space<hbm>> -> memref<16x16xf32, #tpu.memory_space<hbm>>
        %dma_wait3A_192 = arith.constant 0 : i32
        %dma_wait3A_193 = arith.constant 0 : i32
        %dma_wait3A_194 = tpu.memref_slice %arg10[%dma_wait3A_183, %dma_wait3A_192, %dma_wait3A_193] : memref<2x16x16xf32, #tpu.memory_space<vmem>> -> memref<1x16x16xf32, #tpu.memory_space<vmem>>
        %dma_wait3A_195 = tpu.memref_squeeze %dma_wait3A_194 : memref<1x16x16xf32, #tpu.memory_space<vmem>> -> memref<16x16xf32, #tpu.memory_space<vmem>>
        %dma_wait3A_196 = arith.constant 0 : i32
        %dma_wait3A_197 = arith.constant 0 : i32
        %dma_wait3A_198 = tpu.memref_slice %arg3[%add3A, %add3A_171, %dma_wait3A_196, %dma_wait3A_197] : memref<28x64x16x16xf32, #tpu.memory_space<hbm>> -> memref<1x1x16x16xf32, #tpu.memory_space<hbm>>
        %dma_wait3A_199 = tpu.memref_squeeze %dma_wait3A_198 : memref<1x1x16x16xf32, #tpu.memory_space<hbm>> -> memref<16x16xf32, #tpu.memory_space<hbm>>
        tpu.wait_dma2 semaphore(%arg21 : memref<!tpu.dma_semaphore, #tpu.memory_space<semaphore_mem>>) src(%dma_wait3A_199 : memref<16x16xf32, #tpu.memory_space<hbm>>) dst(%dma_wait3A_195 : memref<16x16xf32, #tpu.memory_space<vmem>>)
        %gt3A_200 = arith.constant 0 : i32
        %gt3A_201 = arith.cmpi sgt, %scan3A_104, %gt3A_200 : i32
        %convert_element_type3A_202 = arith.extui %gt3A_201 : i1 to i32
        %cond3A_203 = arith.constant 0 : i32
        %cond3A_204 = arith.cmpi ne, %convert_element_type3A_202, %cond3A_203 : i32
        scf.if %cond3A_204 {
          %sub3A = arith.constant 2 : i32
          %sub3A_232 = arith.subi %add3A_171, %sub3A : i32
          %dma_wait3A_233 = arith.constant 1 : i32
          %dma_wait3A_234 = arith.constant 0 : i32
          %dma_wait3A_235 = arith.constant 0 : i32
          %dma_wait3A_236 = tpu.memref_slice %arg15[%dma_wait3A_233, %dma_wait3A_234, %dma_wait3A_235] : memref<2x16x1024xf32, #tpu.memory_space<vmem>> -> memref<1x16x1024xf32, #tpu.memory_space<vmem>>
          %dma_wait3A_237 = tpu.memref_squeeze %dma_wait3A_236 : memref<1x16x1024xf32, #tpu.memory_space<vmem>> -> memref<16x1024xf32, #tpu.memory_space<vmem>>
          %dma_wait3A_238 = arith.constant 0 : i32
          %dma_wait3A_239 = tpu.memref_slice %arg8[%sub3A_232, %mul3A_4, %dma_wait3A_238] : memref<64x448x1024xf32, #tpu.memory_space<hbm>> -> memref<1x16x1024xf32, #tpu.memory_space<hbm>>
          %dma_wait3A_240 = tpu.memref_squeeze %dma_wait3A_239 : memref<1x16x1024xf32, #tpu.memory_space<hbm>> -> memref<16x1024xf32, #tpu.memory_space<hbm>>
          %dma_wait3A_241 = arith.constant 0 : i32
          %dma_wait3A_242 = tpu.memref_slice %arg8[%sub3A_232, %mul3A_4, %dma_wait3A_241] : memref<64x448x1024xf32, #tpu.memory_space<hbm>> -> memref<1x16x1024xf32, #tpu.memory_space<hbm>>
          %dma_wait3A_243 = tpu.memref_squeeze %dma_wait3A_242 : memref<1x16x1024xf32, #tpu.memory_space<hbm>> -> memref<16x1024xf32, #tpu.memory_space<hbm>>
          %dma_wait3A_244 = arith.constant 0 : i32
          %dma_wait3A_245 = arith.constant 0 : i32
          %dma_wait3A_246 = tpu.memref_slice %arg15[%dma_wait3A_233, %dma_wait3A_244, %dma_wait3A_245] : memref<2x16x1024xf32, #tpu.memory_space<vmem>> -> memref<1x16x1024xf32, #tpu.memory_space<vmem>>
          %dma_wait3A_247 = tpu.memref_squeeze %dma_wait3A_246 : memref<1x16x1024xf32, #tpu.memory_space<vmem>> -> memref<16x1024xf32, #tpu.memory_space<vmem>>
          tpu.wait_dma2 semaphore(%arg19 : memref<!tpu.dma_semaphore, #tpu.memory_space<semaphore_mem>>) src(%dma_wait3A_247 : memref<16x1024xf32, #tpu.memory_space<vmem>>) dst(%dma_wait3A_243 : memref<16x1024xf32, #tpu.memory_space<hbm>>)
        } else {
        }
        %scan3A_205 = arith.constant 0 : i32
        %scan3A_206 = arith.constant 4 : i32
        %scan3A_207 = arith.addi %scan3A_205, %scan3A_206 : i32
        %scan3A_208 = arith.constant 1 : i32
        scf.for %scan3A_232 = %scan3A_205 to %scan3A_207 step %scan3A_208  : i32 {
          %mul3A_233 = arith.constant 4 : i32
          %mul3A_234 = arith.muli %scan3A_232, %mul3A_233 : i32
          %add3A_235 = arith.constant 0 : i32
          %add3A_236 = arith.addi %mul3A_234, %add3A_235 : i32
          %get3A = arith.constant 1 : i32
          %get3A_237 = arith.index_cast %get3A : i32 to index
          %get3A_238 = arith.index_cast %add3A_236 : i32 to index
          %get3A_239 = arith.constant 0 : index
          %get3A_240 = tpu.vector_load %arg10[%get3A_237, %get3A_238, %get3A_239] {strides = array<i32>} : memref<2x16x16xf32, #tpu.memory_space<vmem>>, vector<1x1x16xf32>,
          %get3A_241 = vector.shape_cast %get3A_240 : vector<1x1x16xf32> to vector<16xf32>
          %slice3A = vector.extract_strided_slice %get3A_241 {offsets = [0], sizes = [1], strides = [1]} : vector<16xf32> to vector<1xf32>
          %squeeze3A = vector.extract %slice3A[0] : f32 from vector<1xf32>
          %slice3A_242 = vector.extract_strided_slice %get3A_241 {offsets = [1], sizes = [1], strides = [1]} : vector<16xf32> to vector<1xf32>
          %squeeze3A_243 = vector.extract %slice3A_242[0] : f32 from vector<1xf32>
          %slice3A_244 = vector.extract_strided_slice %get3A_241 {offsets = [2], sizes = [1], strides = [1]} : vector<16xf32> to vector<1xf32>
          %squeeze3A_245 = vector.extract %slice3A_244[0] : f32 from vector<1xf32>
          %slice3A_246 = vector.extract_strided_slice %get3A_241 {offsets = [3], sizes = [1], strides = [1]} : vector<16xf32> to vector<1xf32>
          %squeeze3A_247 = vector.extract %slice3A_246[0] : f32 from vector<1xf32>
          %slice3A_248 = vector.extract_strided_slice %get3A_241 {offsets = [4], sizes = [1], strides = [1]} : vector<16xf32> to vector<1xf32>
          %squeeze3A_249 = vector.extract %slice3A_248[0] : f32 from vector<1xf32>
          %slice3A_250 = vector.extract_strided_slice %get3A_241 {offsets = [5], sizes = [1], strides = [1]} : vector<16xf32> to vector<1xf32>
          %squeeze3A_251 = vector.extract %slice3A_250[0] : f32 from vector<1xf32>
          %slice3A_252 = vector.extract_strided_slice %get3A_241 {offsets = [6], sizes = [1], strides = [1]} : vector<16xf32> to vector<1xf32>
          %squeeze3A_253 = vector.extract %slice3A_252[0] : f32 from vector<1xf32>
          %add3A_254 = arith.constant 1 : i32
          %add3A_255 = arith.addi %mul3A_234, %add3A_254 : i32
          %get3A_256 = arith.constant 1 : i32
          %get3A_257 = arith.index_cast %get3A_256 : i32 to index
          %get3A_258 = arith.index_cast %add3A_255 : i32 to index
          %get3A_259 = arith.constant 0 : index
          %get3A_260 = tpu.vector_load %arg10[%get3A_257, %get3A_258, %get3A_259] {strides = array<i32>} : memref<2x16x16xf32, #tpu.memory_space<vmem>>, vector<1x1x16xf32>,
          %get3A_261 = vector.shape_cast %get3A_260 : vector<1x1x16xf32> to vector<16xf32>
          %slice3A_262 = vector.extract_strided_slice %get3A_261 {offsets = [0], sizes = [1], strides = [1]} : vector<16xf32> to vector<1xf32>
          %squeeze3A_263 = vector.extract %slice3A_262[0] : f32 from vector<1xf32>
          %slice3A_264 = vector.extract_strided_slice %get3A_261 {offsets = [1], sizes = [1], strides = [1]} : vector<16xf32> to vector<1xf32>
          %squeeze3A_265 = vector.extract %slice3A_264[0] : f32 from vector<1xf32>
          %slice3A_266 = vector.extract_strided_slice %get3A_261 {offsets = [2], sizes = [1], strides = [1]} : vector<16xf32> to vector<1xf32>
          %squeeze3A_267 = vector.extract %slice3A_266[0] : f32 from vector<1xf32>
          %slice3A_268 = vector.extract_strided_slice %get3A_261 {offsets = [3], sizes = [1], strides = [1]} : vector<16xf32> to vector<1xf32>
          %squeeze3A_269 = vector.extract %slice3A_268[0] : f32 from vector<1xf32>
          %slice3A_270 = vector.extract_strided_slice %get3A_261 {offsets = [4], sizes = [1], strides = [1]} : vector<16xf32> to vector<1xf32>
          %squeeze3A_271 = vector.extract %slice3A_270[0] : f32 from vector<1xf32>
          %slice3A_272 = vector.extract_strided_slice %get3A_261 {offsets = [5], sizes = [1], strides = [1]} : vector<16xf32> to vector<1xf32>
          %squeeze3A_273 = vector.extract %slice3A_272[0] : f32 from vector<1xf32>
          %slice3A_274 = vector.extract_strided_slice %get3A_261 {offsets = [6], sizes = [1], strides = [1]} : vector<16xf32> to vector<1xf32>
          %squeeze3A_275 = vector.extract %slice3A_274[0] : f32 from vector<1xf32>
          %add3A_276 = arith.constant 2 : i32
          %add3A_277 = arith.addi %mul3A_234, %add3A_276 : i32
          %get3A_278 = arith.constant 1 : i32
          %get3A_279 = arith.index_cast %get3A_278 : i32 to index
          %get3A_280 = arith.index_cast %add3A_277 : i32 to index
          %get3A_281 = arith.constant 0 : index
          %get3A_282 = tpu.vector_load %arg10[%get3A_279, %get3A_280, %get3A_281] {strides = array<i32>} : memref<2x16x16xf32, #tpu.memory_space<vmem>>, vector<1x1x16xf32>,
          %get3A_283 = vector.shape_cast %get3A_282 : vector<1x1x16xf32> to vector<16xf32>
          %slice3A_284 = vector.extract_strided_slice %get3A_283 {offsets = [0], sizes = [1], strides = [1]} : vector<16xf32> to vector<1xf32>
          %squeeze3A_285 = vector.extract %slice3A_284[0] : f32 from vector<1xf32>
          %slice3A_286 = vector.extract_strided_slice %get3A_283 {offsets = [1], sizes = [1], strides = [1]} : vector<16xf32> to vector<1xf32>
          %squeeze3A_287 = vector.extract %slice3A_286[0] : f32 from vector<1xf32>
          %slice3A_288 = vector.extract_strided_slice %get3A_283 {offsets = [2], sizes = [1], strides = [1]} : vector<16xf32> to vector<1xf32>
          %squeeze3A_289 = vector.extract %slice3A_288[0] : f32 from vector<1xf32>
          %slice3A_290 = vector.extract_strided_slice %get3A_283 {offsets = [3], sizes = [1], strides = [1]} : vector<16xf32> to vector<1xf32>
          %squeeze3A_291 = vector.extract %slice3A_290[0] : f32 from vector<1xf32>
          %slice3A_292 = vector.extract_strided_slice %get3A_283 {offsets = [4], sizes = [1], strides = [1]} : vector<16xf32> to vector<1xf32>
          %squeeze3A_293 = vector.extract %slice3A_292[0] : f32 from vector<1xf32>
          %slice3A_294 = vector.extract_strided_slice %get3A_283 {offsets = [5], sizes = [1], strides = [1]} : vector<16xf32> to vector<1xf32>
          %squeeze3A_295 = vector.extract %slice3A_294[0] : f32 from vector<1xf32>
          %slice3A_296 = vector.extract_strided_slice %get3A_283 {offsets = [6], sizes = [1], strides = [1]} : vector<16xf32> to vector<1xf32>
          %squeeze3A_297 = vector.extract %slice3A_296[0] : f32 from vector<1xf32>
          %add3A_298 = arith.constant 3 : i32
          %add3A_299 = arith.addi %mul3A_234, %add3A_298 : i32
          %get3A_300 = arith.constant 1 : i32
          %get3A_301 = arith.index_cast %get3A_300 : i32 to index
          %get3A_302 = arith.index_cast %add3A_299 : i32 to index
          %get3A_303 = arith.constant 0 : index
          %get3A_304 = tpu.vector_load %arg10[%get3A_301, %get3A_302, %get3A_303] {strides = array<i32>} : memref<2x16x16xf32, #tpu.memory_space<vmem>>, vector<1x1x16xf32>,
          %get3A_305 = vector.shape_cast %get3A_304 : vector<1x1x16xf32> to vector<16xf32>
          %slice3A_306 = vector.extract_strided_slice %get3A_305 {offsets = [0], sizes = [1], strides = [1]} : vector<16xf32> to vector<1xf32>
          %squeeze3A_307 = vector.extract %slice3A_306[0] : f32 from vector<1xf32>
          %slice3A_308 = vector.extract_strided_slice %get3A_305 {offsets = [1], sizes = [1], strides = [1]} : vector<16xf32> to vector<1xf32>
          %squeeze3A_309 = vector.extract %slice3A_308[0] : f32 from vector<1xf32>
          %slice3A_310 = vector.extract_strided_slice %get3A_305 {offsets = [2], sizes = [1], strides = [1]} : vector<16xf32> to vector<1xf32>
          %squeeze3A_311 = vector.extract %slice3A_310[0] : f32 from vector<1xf32>
          %slice3A_312 = vector.extract_strided_slice %get3A_305 {offsets = [3], sizes = [1], strides = [1]} : vector<16xf32> to vector<1xf32>
          %squeeze3A_313 = vector.extract %slice3A_312[0] : f32 from vector<1xf32>
          %slice3A_314 = vector.extract_strided_slice %get3A_305 {offsets = [4], sizes = [1], strides = [1]} : vector<16xf32> to vector<1xf32>
          %squeeze3A_315 = vector.extract %slice3A_314[0] : f32 from vector<1xf32>
          %slice3A_316 = vector.extract_strided_slice %get3A_305 {offsets = [5], sizes = [1], strides = [1]} : vector<16xf32> to vector<1xf32>
          %squeeze3A_317 = vector.extract %slice3A_316[0] : f32 from vector<1xf32>
          %slice3A_318 = vector.extract_strided_slice %get3A_305 {offsets = [6], sizes = [1], strides = [1]} : vector<16xf32> to vector<1xf32>
          %squeeze3A_319 = vector.extract %slice3A_318[0] : f32 from vector<1xf32>
          %parallel_loop3A = arith.constant 0 : i32
          %parallel_loop3A_320 = arith.constant 64 : i32
          %parallel_loop3A_321 = arith.constant 2 : i32
          scf.for %parallel_loop3A_322 = %parallel_loop3A to %parallel_loop3A_320 step %parallel_loop3A_321  : i32 {
            %parallel_loop3A_323 = arith.constant 0 : i32
            %parallel_loop3A_324 = arith.addi %parallel_loop3A_322, %parallel_loop3A_323 : i32
            %parallel_loop3A_325 = arith.constant 16 : i32
            %parallel_loop3A_326 = arith.muli %parallel_loop3A_324, %parallel_loop3A_325 : i32
            %parallel_loop3A_327 = arith.constant 0 : i32
            %parallel_loop3A_328 = arith.index_cast %parallel_loop3A_327 : i32 to index
            %parallel_loop3A_329 = arith.index_cast %parallel_loop3A_326 : i32 to index
            %parallel_loop3A_330 = tpu.vector_load %arg12[%parallel_loop3A_328, %parallel_loop3A_329] {strides = array<i32>} : memref<7x1024xf32, #tpu.memory_space<vmem>>, vector<1x16xf32>,
            %parallel_loop3A_331 = vector.shape_cast %parallel_loop3A_330 : vector<1x16xf32> to vector<16xf32>
            %parallel_loop3A_332 = arith.constant 1 : i32
            %parallel_loop3A_333 = arith.index_cast %parallel_loop3A_332 : i32 to index
            %parallel_loop3A_334 = arith.index_cast %parallel_loop3A_326 : i32 to index
            %parallel_loop3A_335 = tpu.vector_load %arg12[%parallel_loop3A_333, %parallel_loop3A_334] {strides = array<i32>} : memref<7x1024xf32, #tpu.memory_space<vmem>>, vector<1x16xf32>,
            %parallel_loop3A_336 = vector.shape_cast %parallel_loop3A_335 : vector<1x16xf32> to vector<16xf32>
            %parallel_loop3A_337 = arith.constant 2 : i32
            %parallel_loop3A_338 = arith.index_cast %parallel_loop3A_337 : i32 to index
            %parallel_loop3A_339 = arith.index_cast %parallel_loop3A_326 : i32 to index
            %parallel_loop3A_340 = tpu.vector_load %arg12[%parallel_loop3A_338, %parallel_loop3A_339] {strides = array<i32>} : memref<7x1024xf32, #tpu.memory_space<vmem>>, vector<1x16xf32>,
            %parallel_loop3A_341 = vector.shape_cast %parallel_loop3A_340 : vector<1x16xf32> to vector<16xf32>
            %parallel_loop3A_342 = arith.constant 3 : i32
            %parallel_loop3A_343 = arith.index_cast %parallel_loop3A_342 : i32 to index
            %parallel_loop3A_344 = arith.index_cast %parallel_loop3A_326 : i32 to index
            %parallel_loop3A_345 = tpu.vector_load %arg12[%parallel_loop3A_343, %parallel_loop3A_344] {strides = array<i32>} : memref<7x1024xf32, #tpu.memory_space<vmem>>, vector<1x16xf32>,
            %parallel_loop3A_346 = vector.shape_cast %parallel_loop3A_345 : vector<1x16xf32> to vector<16xf32>
            %parallel_loop3A_347 = arith.constant 4 : i32
            %parallel_loop3A_348 = arith.index_cast %parallel_loop3A_347 : i32 to index
            %parallel_loop3A_349 = arith.index_cast %parallel_loop3A_326 : i32 to index
            %parallel_loop3A_350 = tpu.vector_load %arg12[%parallel_loop3A_348, %parallel_loop3A_349] {strides = array<i32>} : memref<7x1024xf32, #tpu.memory_space<vmem>>, vector<1x16xf32>,
            %parallel_loop3A_351 = vector.shape_cast %parallel_loop3A_350 : vector<1x16xf32> to vector<16xf32>
            %parallel_loop3A_352 = arith.constant 5 : i32
            %parallel_loop3A_353 = arith.index_cast %parallel_loop3A_352 : i32 to index
            %parallel_loop3A_354 = arith.index_cast %parallel_loop3A_326 : i32 to index
            %parallel_loop3A_355 = tpu.vector_load %arg12[%parallel_loop3A_353, %parallel_loop3A_354] {strides = array<i32>} : memref<7x1024xf32, #tpu.memory_space<vmem>>, vector<1x16xf32>,
            %parallel_loop3A_356 = vector.shape_cast %parallel_loop3A_355 : vector<1x16xf32> to vector<16xf32>
            %parallel_loop3A_357 = arith.constant 6 : i32
            %parallel_loop3A_358 = arith.index_cast %parallel_loop3A_357 : i32 to index
            %parallel_loop3A_359 = arith.index_cast %parallel_loop3A_326 : i32 to index
            %parallel_loop3A_360 = tpu.vector_load %arg12[%parallel_loop3A_358, %parallel_loop3A_359] {strides = array<i32>} : memref<7x1024xf32, #tpu.memory_space<vmem>>, vector<1x16xf32>,
            %parallel_loop3A_361 = vector.shape_cast %parallel_loop3A_360 : vector<1x16xf32> to vector<16xf32>
            %parallel_loop3A_362 = arith.constant 0 : i32
            %parallel_loop3A_363 = arith.addi %mul3A_234, %parallel_loop3A_362 : i32
            %parallel_loop3A_364 = arith.constant 1 : i32
            %parallel_loop3A_365 = arith.index_cast %parallel_loop3A_364 : i32 to index
            %parallel_loop3A_366 = arith.index_cast %parallel_loop3A_363 : i32 to index
            %parallel_loop3A_367 = arith.index_cast %parallel_loop3A_326 : i32 to index
            %parallel_loop3A_368 = tpu.vector_load %arg14[%parallel_loop3A_365, %parallel_loop3A_366, %parallel_loop3A_367] {strides = array<i32>} : memref<2x16x1024xf32, #tpu.memory_space<vmem>>, vector<1x1x16xf32>,
            %parallel_loop3A_369 = vector.shape_cast %parallel_loop3A_368 : vector<1x1x16xf32> to vector<16xf32>
            %parallel_loop3A_370 = arith.index_cast %parallel_loop3A_363 : i32 to index
            %parallel_loop3A_371 = arith.index_cast %parallel_loop3A_326 : i32 to index
            %parallel_loop3A_372 = tpu.vector_load %arg11[%parallel_loop3A_370, %parallel_loop3A_371] {strides = array<i32>} : memref<16x1024xf32, #tpu.memory_space<vmem>>, vector<1x16xf32>,
            %parallel_loop3A_373 = vector.shape_cast %parallel_loop3A_372 : vector<1x16xf32> to vector<16xf32>
            %parallel_loop3A_374 = arith.addf %parallel_loop3A_369, %parallel_loop3A_373 : vector<16xf32>
            %parallel_loop3A_375 = vector.broadcast %squeeze3A : f32 to vector<16xf32>
            %parallel_loop3A_376 = arith.mulf %parallel_loop3A_375, %parallel_loop3A_331 : vector<16xf32>
            %parallel_loop3A_377 = vector.broadcast %squeeze3A_243 : f32 to vector<16xf32>
            %parallel_loop3A_378 = arith.mulf %parallel_loop3A_377, %parallel_loop3A_336 : vector<16xf32>
            %parallel_loop3A_379 = arith.addf %parallel_loop3A_376, %parallel_loop3A_378 : vector<16xf32>
            %parallel_loop3A_380 = vector.broadcast %squeeze3A_245 : f32 to vector<16xf32>
            %parallel_loop3A_381 = arith.mulf %parallel_loop3A_380, %parallel_loop3A_341 : vector<16xf32>
            %parallel_loop3A_382 = vector.broadcast %squeeze3A_247 : f32 to vector<16xf32>
            %parallel_loop3A_383 = arith.mulf %parallel_loop3A_382, %parallel_loop3A_346 : vector<16xf32>
            %parallel_loop3A_384 = arith.addf %parallel_loop3A_381, %parallel_loop3A_383 : vector<16xf32>
            %parallel_loop3A_385 = vector.broadcast %squeeze3A_249 : f32 to vector<16xf32>
            %parallel_loop3A_386 = arith.mulf %parallel_loop3A_385, %parallel_loop3A_351 : vector<16xf32>
            %parallel_loop3A_387 = vector.broadcast %squeeze3A_251 : f32 to vector<16xf32>
            %parallel_loop3A_388 = arith.mulf %parallel_loop3A_387, %parallel_loop3A_356 : vector<16xf32>
            %parallel_loop3A_389 = arith.addf %parallel_loop3A_386, %parallel_loop3A_388 : vector<16xf32>
            %parallel_loop3A_390 = arith.addf %parallel_loop3A_379, %parallel_loop3A_384 : vector<16xf32>
            %parallel_loop3A_391 = arith.addf %parallel_loop3A_374, %parallel_loop3A_390 : vector<16xf32>
            %parallel_loop3A_392 = vector.broadcast %squeeze3A_253 : f32 to vector<16xf32>
            %parallel_loop3A_393 = arith.mulf %parallel_loop3A_392, %parallel_loop3A_361 : vector<16xf32>
            %parallel_loop3A_394 = arith.addf %parallel_loop3A_389, %parallel_loop3A_393 : vector<16xf32>
            %parallel_loop3A_395 = arith.addf %parallel_loop3A_391, %parallel_loop3A_394 : vector<16xf32>
            %parallel_loop3A_396 = arith.constant 1 : i32
            %parallel_loop3A_397 = arith.index_cast %parallel_loop3A_396 : i32 to index
            %parallel_loop3A_398 = arith.index_cast %parallel_loop3A_363 : i32 to index
            %parallel_loop3A_399 = arith.index_cast %parallel_loop3A_326 : i32 to index
            %parallel_loop3A_400 = tpu.vector_load %arg15[%parallel_loop3A_397, %parallel_loop3A_398, %parallel_loop3A_399] {strides = array<i32>} : memref<2x16x1024xf32, #tpu.memory_space<vmem>>, vector<1x1x16xf32>,
            %parallel_loop3A_401 = vector.shape_cast %parallel_loop3A_400 : vector<1x1x16xf32> to vector<16xf32>
            %parallel_loop3A_402 = vector.shape_cast %parallel_loop3A_395 : vector<16xf32> to vector<1x1x16xf32>
            tpu.vector_store %arg15[%parallel_loop3A_397, %parallel_loop3A_398, %parallel_loop3A_399], %parallel_loop3A_402 {strides = array<i32>} : memref<2x16x1024xf32, #tpu.memory_space<vmem>>, vector<1x1x16xf32>,
            %parallel_loop3A_403 = arith.constant 1 : i32
            %parallel_loop3A_404 = arith.addi %mul3A_234, %parallel_loop3A_403 : i32
            %parallel_loop3A_405 = arith.constant 1 : i32
            %parallel_loop3A_406 = arith.index_cast %parallel_loop3A_405 : i32 to index
            %parallel_loop3A_407 = arith.index_cast %parallel_loop3A_404 : i32 to index
            %parallel_loop3A_408 = arith.index_cast %parallel_loop3A_326 : i32 to index
            %parallel_loop3A_409 = tpu.vector_load %arg14[%parallel_loop3A_406, %parallel_loop3A_407, %parallel_loop3A_408] {strides = array<i32>} : memref<2x16x1024xf32, #tpu.memory_space<vmem>>, vector<1x1x16xf32>,
            %parallel_loop3A_410 = vector.shape_cast %parallel_loop3A_409 : vector<1x1x16xf32> to vector<16xf32>
            %parallel_loop3A_411 = arith.index_cast %parallel_loop3A_404 : i32 to index
            %parallel_loop3A_412 = arith.index_cast %parallel_loop3A_326 : i32 to index
            %parallel_loop3A_413 = tpu.vector_load %arg11[%parallel_loop3A_411, %parallel_loop3A_412] {strides = array<i32>} : memref<16x1024xf32, #tpu.memory_space<vmem>>, vector<1x16xf32>,
            %parallel_loop3A_414 = vector.shape_cast %parallel_loop3A_413 : vector<1x16xf32> to vector<16xf32>
            %parallel_loop3A_415 = arith.addf %parallel_loop3A_410, %parallel_loop3A_414 : vector<16xf32>
            %parallel_loop3A_416 = vector.broadcast %squeeze3A_263 : f32 to vector<16xf32>
            %parallel_loop3A_417 = arith.mulf %parallel_loop3A_416, %parallel_loop3A_331 : vector<16xf32>
            %parallel_loop3A_418 = vector.broadcast %squeeze3A_265 : f32 to vector<16xf32>
            %parallel_loop3A_419 = arith.mulf %parallel_loop3A_418, %parallel_loop3A_336 : vector<16xf32>
            %parallel_loop3A_420 = arith.addf %parallel_loop3A_417, %parallel_loop3A_419 : vector<16xf32>
            %parallel_loop3A_421 = vector.broadcast %squeeze3A_267 : f32 to vector<16xf32>
            %parallel_loop3A_422 = arith.mulf %parallel_loop3A_421, %parallel_loop3A_341 : vector<16xf32>
            %parallel_loop3A_423 = vector.broadcast %squeeze3A_269 : f32 to vector<16xf32>
            %parallel_loop3A_424 = arith.mulf %parallel_loop3A_423, %parallel_loop3A_346 : vector<16xf32>
            %parallel_loop3A_425 = arith.addf %parallel_loop3A_422, %parallel_loop3A_424 : vector<16xf32>
            %parallel_loop3A_426 = vector.broadcast %squeeze3A_271 : f32 to vector<16xf32>
            %parallel_loop3A_427 = arith.mulf %parallel_loop3A_426, %parallel_loop3A_351 : vector<16xf32>
            %parallel_loop3A_428 = vector.broadcast %squeeze3A_273 : f32 to vector<16xf32>
            %parallel_loop3A_429 = arith.mulf %parallel_loop3A_428, %parallel_loop3A_356 : vector<16xf32>
            %parallel_loop3A_430 = arith.addf %parallel_loop3A_427, %parallel_loop3A_429 : vector<16xf32>
            %parallel_loop3A_431 = arith.addf %parallel_loop3A_420, %parallel_loop3A_425 : vector<16xf32>
            %parallel_loop3A_432 = arith.addf %parallel_loop3A_415, %parallel_loop3A_431 : vector<16xf32>
            %parallel_loop3A_433 = vector.broadcast %squeeze3A_275 : f32 to vector<16xf32>
            %parallel_loop3A_434 = arith.mulf %parallel_loop3A_433, %parallel_loop3A_361 : vector<16xf32>
            %parallel_loop3A_435 = arith.addf %parallel_loop3A_430, %parallel_loop3A_434 : vector<16xf32>
            %parallel_loop3A_436 = arith.addf %parallel_loop3A_432, %parallel_loop3A_435 : vector<16xf32>
            %parallel_loop3A_437 = arith.constant 1 : i32
            %parallel_loop3A_438 = arith.index_cast %parallel_loop3A_437 : i32 to index
            %parallel_loop3A_439 = arith.index_cast %parallel_loop3A_404 : i32 to index
            %parallel_loop3A_440 = arith.index_cast %parallel_loop3A_326 : i32 to index
            %parallel_loop3A_441 = tpu.vector_load %arg15[%parallel_loop3A_438, %parallel_loop3A_439, %parallel_loop3A_440] {strides = array<i32>} : memref<2x16x1024xf32, #tpu.memory_space<vmem>>, vector<1x1x16xf32>,
            %parallel_loop3A_442 = vector.shape_cast %parallel_loop3A_441 : vector<1x1x16xf32> to vector<16xf32>
            %parallel_loop3A_443 = vector.shape_cast %parallel_loop3A_436 : vector<16xf32> to vector<1x1x16xf32>
            tpu.vector_store %arg15[%parallel_loop3A_438, %parallel_loop3A_439, %parallel_loop3A_440], %parallel_loop3A_443 {strides = array<i32>} : memref<2x16x1024xf32, #tpu.memory_space<vmem>>, vector<1x1x16xf32>,
            %parallel_loop3A_444 = arith.constant 2 : i32
            %parallel_loop3A_445 = arith.addi %mul3A_234, %parallel_loop3A_444 : i32
            %parallel_loop3A_446 = arith.constant 1 : i32
            %parallel_loop3A_447 = arith.index_cast %parallel_loop3A_446 : i32 to index
            %parallel_loop3A_448 = arith.index_cast %parallel_loop3A_445 : i32 to index
            %parallel_loop3A_449 = arith.index_cast %parallel_loop3A_326 : i32 to index
            %parallel_loop3A_450 = tpu.vector_load %arg14[%parallel_loop3A_447, %parallel_loop3A_448, %parallel_loop3A_449] {strides = array<i32>} : memref<2x16x1024xf32, #tpu.memory_space<vmem>>, vector<1x1x16xf32>,
            %parallel_loop3A_451 = vector.shape_cast %parallel_loop3A_450 : vector<1x1x16xf32> to vector<16xf32>
            %parallel_loop3A_452 = arith.index_cast %parallel_loop3A_445 : i32 to index
            %parallel_loop3A_453 = arith.index_cast %parallel_loop3A_326 : i32 to index
            %parallel_loop3A_454 = tpu.vector_load %arg11[%parallel_loop3A_452, %parallel_loop3A_453] {strides = array<i32>} : memref<16x1024xf32, #tpu.memory_space<vmem>>, vector<1x16xf32>,
            %parallel_loop3A_455 = vector.shape_cast %parallel_loop3A_454 : vector<1x16xf32> to vector<16xf32>
            %parallel_loop3A_456 = arith.addf %parallel_loop3A_451, %parallel_loop3A_455 : vector<16xf32>
            %parallel_loop3A_457 = vector.broadcast %squeeze3A_285 : f32 to vector<16xf32>
            %parallel_loop3A_458 = arith.mulf %parallel_loop3A_457, %parallel_loop3A_331 : vector<16xf32>
            %parallel_loop3A_459 = vector.broadcast %squeeze3A_287 : f32 to vector<16xf32>
            %parallel_loop3A_460 = arith.mulf %parallel_loop3A_459, %parallel_loop3A_336 : vector<16xf32>
            %parallel_loop3A_461 = arith.addf %parallel_loop3A_458, %parallel_loop3A_460 : vector<16xf32>
            %parallel_loop3A_462 = vector.broadcast %squeeze3A_289 : f32 to vector<16xf32>
            %parallel_loop3A_463 = arith.mulf %parallel_loop3A_462, %parallel_loop3A_341 : vector<16xf32>
            %parallel_loop3A_464 = vector.broadcast %squeeze3A_291 : f32 to vector<16xf32>
            %parallel_loop3A_465 = arith.mulf %parallel_loop3A_464, %parallel_loop3A_346 : vector<16xf32>
            %parallel_loop3A_466 = arith.addf %parallel_loop3A_463, %parallel_loop3A_465 : vector<16xf32>
            %parallel_loop3A_467 = vector.broadcast %squeeze3A_293 : f32 to vector<16xf32>
            %parallel_loop3A_468 = arith.mulf %parallel_loop3A_467, %parallel_loop3A_351 : vector<16xf32>
            %parallel_loop3A_469 = vector.broadcast %squeeze3A_295 : f32 to vector<16xf32>
            %parallel_loop3A_470 = arith.mulf %parallel_loop3A_469, %parallel_loop3A_356 : vector<16xf32>
            %parallel_loop3A_471 = arith.addf %parallel_loop3A_468, %parallel_loop3A_470 : vector<16xf32>
            %parallel_loop3A_472 = arith.addf %parallel_loop3A_461, %parallel_loop3A_466 : vector<16xf32>
            %parallel_loop3A_473 = arith.addf %parallel_loop3A_456, %parallel_loop3A_472 : vector<16xf32>
            %parallel_loop3A_474 = vector.broadcast %squeeze3A_297 : f32 to vector<16xf32>
            %parallel_loop3A_475 = arith.mulf %parallel_loop3A_474, %parallel_loop3A_361 : vector<16xf32>
            %parallel_loop3A_476 = arith.addf %parallel_loop3A_471, %parallel_loop3A_475 : vector<16xf32>
            %parallel_loop3A_477 = arith.addf %parallel_loop3A_473, %parallel_loop3A_476 : vector<16xf32>
            %parallel_loop3A_478 = arith.constant 1 : i32
            %parallel_loop3A_479 = arith.index_cast %parallel_loop3A_478 : i32 to index
            %parallel_loop3A_480 = arith.index_cast %parallel_loop3A_445 : i32 to index
            %parallel_loop3A_481 = arith.index_cast %parallel_loop3A_326 : i32 to index
            %parallel_loop3A_482 = tpu.vector_load %arg15[%parallel_loop3A_479, %parallel_loop3A_480, %parallel_loop3A_481] {strides = array<i32>} : memref<2x16x1024xf32, #tpu.memory_space<vmem>>, vector<1x1x16xf32>,
            %parallel_loop3A_483 = vector.shape_cast %parallel_loop3A_482 : vector<1x1x16xf32> to vector<16xf32>
            %parallel_loop3A_484 = vector.shape_cast %parallel_loop3A_477 : vector<16xf32> to vector<1x1x16xf32>
            tpu.vector_store %arg15[%parallel_loop3A_479, %parallel_loop3A_480, %parallel_loop3A_481], %parallel_loop3A_484 {strides = array<i32>} : memref<2x16x1024xf32, #tpu.memory_space<vmem>>, vector<1x1x16xf32>,
            %parallel_loop3A_485 = arith.constant 3 : i32
            %parallel_loop3A_486 = arith.addi %mul3A_234, %parallel_loop3A_485 : i32
            %parallel_loop3A_487 = arith.constant 1 : i32
            %parallel_loop3A_488 = arith.index_cast %parallel_loop3A_487 : i32 to index
            %parallel_loop3A_489 = arith.index_cast %parallel_loop3A_486 : i32 to index
            %parallel_loop3A_490 = arith.index_cast %parallel_loop3A_326 : i32 to index
            %parallel_loop3A_491 = tpu.vector_load %arg14[%parallel_loop3A_488, %parallel_loop3A_489, %parallel_loop3A_490] {strides = array<i32>} : memref<2x16x1024xf32, #tpu.memory_space<vmem>>, vector<1x1x16xf32>,
            %parallel_loop3A_492 = vector.shape_cast %parallel_loop3A_491 : vector<1x1x16xf32> to vector<16xf32>
            %parallel_loop3A_493 = arith.index_cast %parallel_loop3A_486 : i32 to index
            %parallel_loop3A_494 = arith.index_cast %parallel_loop3A_326 : i32 to index
            %parallel_loop3A_495 = tpu.vector_load %arg11[%parallel_loop3A_493, %parallel_loop3A_494] {strides = array<i32>} : memref<16x1024xf32, #tpu.memory_space<vmem>>, vector<1x16xf32>,
            %parallel_loop3A_496 = vector.shape_cast %parallel_loop3A_495 : vector<1x16xf32> to vector<16xf32>
            %parallel_loop3A_497 = arith.addf %parallel_loop3A_492, %parallel_loop3A_496 : vector<16xf32>
            %parallel_loop3A_498 = vector.broadcast %squeeze3A_307 : f32 to vector<16xf32>
            %parallel_loop3A_499 = arith.mulf %parallel_loop3A_498, %parallel_loop3A_331 : vector<16xf32>
            %parallel_loop3A_500 = vector.broadcast %squeeze3A_309 : f32 to vector<16xf32>
            %parallel_loop3A_501 = arith.mulf %parallel_loop3A_500, %parallel_loop3A_336 : vector<16xf32>
            %parallel_loop3A_502 = arith.addf %parallel_loop3A_499, %parallel_loop3A_501 : vector<16xf32>
            %parallel_loop3A_503 = vector.broadcast %squeeze3A_311 : f32 to vector<16xf32>
            %parallel_loop3A_504 = arith.mulf %parallel_loop3A_503, %parallel_loop3A_341 : vector<16xf32>
            %parallel_loop3A_505 = vector.broadcast %squeeze3A_313 : f32 to vector<16xf32>
            %parallel_loop3A_506 = arith.mulf %parallel_loop3A_505, %parallel_loop3A_346 : vector<16xf32>
            %parallel_loop3A_507 = arith.addf %parallel_loop3A_504, %parallel_loop3A_506 : vector<16xf32>
            %parallel_loop3A_508 = vector.broadcast %squeeze3A_315 : f32 to vector<16xf32>
            %parallel_loop3A_509 = arith.mulf %parallel_loop3A_508, %parallel_loop3A_351 : vector<16xf32>
            %parallel_loop3A_510 = vector.broadcast %squeeze3A_317 : f32 to vector<16xf32>
            %parallel_loop3A_511 = arith.mulf %parallel_loop3A_510, %parallel_loop3A_356 : vector<16xf32>
            %parallel_loop3A_512 = arith.addf %parallel_loop3A_509, %parallel_loop3A_511 : vector<16xf32>
            %parallel_loop3A_513 = arith.addf %parallel_loop3A_502, %parallel_loop3A_507 : vector<16xf32>
            %parallel_loop3A_514 = arith.addf %parallel_loop3A_497, %parallel_loop3A_513 : vector<16xf32>
            %parallel_loop3A_515 = vector.broadcast %squeeze3A_319 : f32 to vector<16xf32>
            %parallel_loop3A_516 = arith.mulf %parallel_loop3A_515, %parallel_loop3A_361 : vector<16xf32>
            %parallel_loop3A_517 = arith.addf %parallel_loop3A_512, %parallel_loop3A_516 : vector<16xf32>
            %parallel_loop3A_518 = arith.addf %parallel_loop3A_514, %parallel_loop3A_517 : vector<16xf32>
            %parallel_loop3A_519 = arith.constant 1 : i32
            %parallel_loop3A_520 = arith.index_cast %parallel_loop3A_519 : i32 to index
            %parallel_loop3A_521 = arith.index_cast %parallel_loop3A_486 : i32 to index
            %parallel_loop3A_522 = arith.index_cast %parallel_loop3A_326 : i32 to index
            %parallel_loop3A_523 = tpu.vector_load %arg15[%parallel_loop3A_520, %parallel_loop3A_521, %parallel_loop3A_522] {strides = array<i32>} : memref<2x16x1024xf32, #tpu.memory_space<vmem>>, vector<1x1x16xf32>,
            %parallel_loop3A_524 = vector.shape_cast %parallel_loop3A_523 : vector<1x1x16xf32> to vector<16xf32>
            %parallel_loop3A_525 = vector.shape_cast %parallel_loop3A_518 : vector<16xf32> to vector<1x1x16xf32>
            tpu.vector_store %arg15[%parallel_loop3A_520, %parallel_loop3A_521, %parallel_loop3A_522], %parallel_loop3A_525 {strides = array<i32>} : memref<2x16x1024xf32, #tpu.memory_space<vmem>>, vector<1x1x16xf32>,
            %parallel_loop3A_526 = arith.constant 1 : i32
            %parallel_loop3A_527 = arith.addi %parallel_loop3A_322, %parallel_loop3A_526 : i32
            %parallel_loop3A_528 = arith.constant 16 : i32
            %parallel_loop3A_529 = arith.muli %parallel_loop3A_527, %parallel_loop3A_528 : i32
            %parallel_loop3A_530 = arith.constant 0 : i32
            %parallel_loop3A_531 = arith.index_cast %parallel_loop3A_530 : i32 to index
            %parallel_loop3A_532 = arith.index_cast %parallel_loop3A_529 : i32 to index
            %parallel_loop3A_533 = tpu.vector_load %arg12[%parallel_loop3A_531, %parallel_loop3A_532] {strides = array<i32>} : memref<7x1024xf32, #tpu.memory_space<vmem>>, vector<1x16xf32>,
            %parallel_loop3A_534 = vector.shape_cast %parallel_loop3A_533 : vector<1x16xf32> to vector<16xf32>
            %parallel_loop3A_535 = arith.constant 1 : i32
            %parallel_loop3A_536 = arith.index_cast %parallel_loop3A_535 : i32 to index
            %parallel_loop3A_537 = arith.index_cast %parallel_loop3A_529 : i32 to index
            %parallel_loop3A_538 = tpu.vector_load %arg12[%parallel_loop3A_536, %parallel_loop3A_537] {strides = array<i32>} : memref<7x1024xf32, #tpu.memory_space<vmem>>, vector<1x16xf32>,
            %parallel_loop3A_539 = vector.shape_cast %parallel_loop3A_538 : vector<1x16xf32> to vector<16xf32>
            %parallel_loop3A_540 = arith.constant 2 : i32
            %parallel_loop3A_541 = arith.index_cast %parallel_loop3A_540 : i32 to index
            %parallel_loop3A_542 = arith.index_cast %parallel_loop3A_529 : i32 to index
            %parallel_loop3A_543 = tpu.vector_load %arg12[%parallel_loop3A_541, %parallel_loop3A_542] {strides = array<i32>} : memref<7x1024xf32, #tpu.memory_space<vmem>>, vector<1x16xf32>,
            %parallel_loop3A_544 = vector.shape_cast %parallel_loop3A_543 : vector<1x16xf32> to vector<16xf32>
            %parallel_loop3A_545 = arith.constant 3 : i32
            %parallel_loop3A_546 = arith.index_cast %parallel_loop3A_545 : i32 to index
            %parallel_loop3A_547 = arith.index_cast %parallel_loop3A_529 : i32 to index
            %parallel_loop3A_548 = tpu.vector_load %arg12[%parallel_loop3A_546, %parallel_loop3A_547] {strides = array<i32>} : memref<7x1024xf32, #tpu.memory_space<vmem>>, vector<1x16xf32>,
            %parallel_loop3A_549 = vector.shape_cast %parallel_loop3A_548 : vector<1x16xf32> to vector<16xf32>
            %parallel_loop3A_550 = arith.constant 4 : i32
            %parallel_loop3A_551 = arith.index_cast %parallel_loop3A_550 : i32 to index
            %parallel_loop3A_552 = arith.index_cast %parallel_loop3A_529 : i32 to index
            %parallel_loop3A_553 = tpu.vector_load %arg12[%parallel_loop3A_551, %parallel_loop3A_552] {strides = array<i32>} : memref<7x1024xf32, #tpu.memory_space<vmem>>, vector<1x16xf32>,
            %parallel_loop3A_554 = vector.shape_cast %parallel_loop3A_553 : vector<1x16xf32> to vector<16xf32>
            %parallel_loop3A_555 = arith.constant 5 : i32
            %parallel_loop3A_556 = arith.index_cast %parallel_loop3A_555 : i32 to index
            %parallel_loop3A_557 = arith.index_cast %parallel_loop3A_529 : i32 to index
            %parallel_loop3A_558 = tpu.vector_load %arg12[%parallel_loop3A_556, %parallel_loop3A_557] {strides = array<i32>} : memref<7x1024xf32, #tpu.memory_space<vmem>>, vector<1x16xf32>,
            %parallel_loop3A_559 = vector.shape_cast %parallel_loop3A_558 : vector<1x16xf32> to vector<16xf32>
            %parallel_loop3A_560 = arith.constant 6 : i32
            %parallel_loop3A_561 = arith.index_cast %parallel_loop3A_560 : i32 to index
            %parallel_loop3A_562 = arith.index_cast %parallel_loop3A_529 : i32 to index
            %parallel_loop3A_563 = tpu.vector_load %arg12[%parallel_loop3A_561, %parallel_loop3A_562] {strides = array<i32>} : memref<7x1024xf32, #tpu.memory_space<vmem>>, vector<1x16xf32>,
            %parallel_loop3A_564 = vector.shape_cast %parallel_loop3A_563 : vector<1x16xf32> to vector<16xf32>
            %parallel_loop3A_565 = arith.constant 0 : i32
            %parallel_loop3A_566 = arith.addi %mul3A_234, %parallel_loop3A_565 : i32
            %parallel_loop3A_567 = arith.constant 1 : i32
            %parallel_loop3A_568 = arith.index_cast %parallel_loop3A_567 : i32 to index
            %parallel_loop3A_569 = arith.index_cast %parallel_loop3A_566 : i32 to index
            %parallel_loop3A_570 = arith.index_cast %parallel_loop3A_529 : i32 to index
            %parallel_loop3A_571 = tpu.vector_load %arg14[%parallel_loop3A_568, %parallel_loop3A_569, %parallel_loop3A_570] {strides = array<i32>} : memref<2x16x1024xf32, #tpu.memory_space<vmem>>, vector<1x1x16xf32>,
            %parallel_loop3A_572 = vector.shape_cast %parallel_loop3A_571 : vector<1x1x16xf32> to vector<16xf32>
            %parallel_loop3A_573 = arith.index_cast %parallel_loop3A_566 : i32 to index
            %parallel_loop3A_574 = arith.index_cast %parallel_loop3A_529 : i32 to index
            %parallel_loop3A_575 = tpu.vector_load %arg11[%parallel_loop3A_573, %parallel_loop3A_574] {strides = array<i32>} : memref<16x1024xf32, #tpu.memory_space<vmem>>, vector<1x16xf32>,
            %parallel_loop3A_576 = vector.shape_cast %parallel_loop3A_575 : vector<1x16xf32> to vector<16xf32>
            %parallel_loop3A_577 = arith.addf %parallel_loop3A_572, %parallel_loop3A_576 : vector<16xf32>
            %parallel_loop3A_578 = vector.broadcast %squeeze3A : f32 to vector<16xf32>
            %parallel_loop3A_579 = arith.mulf %parallel_loop3A_578, %parallel_loop3A_534 : vector<16xf32>
            %parallel_loop3A_580 = vector.broadcast %squeeze3A_243 : f32 to vector<16xf32>
            %parallel_loop3A_581 = arith.mulf %parallel_loop3A_580, %parallel_loop3A_539 : vector<16xf32>
            %parallel_loop3A_582 = arith.addf %parallel_loop3A_579, %parallel_loop3A_581 : vector<16xf32>
            %parallel_loop3A_583 = vector.broadcast %squeeze3A_245 : f32 to vector<16xf32>
            %parallel_loop3A_584 = arith.mulf %parallel_loop3A_583, %parallel_loop3A_544 : vector<16xf32>
            %parallel_loop3A_585 = vector.broadcast %squeeze3A_247 : f32 to vector<16xf32>
            %parallel_loop3A_586 = arith.mulf %parallel_loop3A_585, %parallel_loop3A_549 : vector<16xf32>
            %parallel_loop3A_587 = arith.addf %parallel_loop3A_584, %parallel_loop3A_586 : vector<16xf32>
            %parallel_loop3A_588 = vector.broadcast %squeeze3A_249 : f32 to vector<16xf32>
            %parallel_loop3A_589 = arith.mulf %parallel_loop3A_588, %parallel_loop3A_554 : vector<16xf32>
            %parallel_loop3A_590 = vector.broadcast %squeeze3A_251 : f32 to vector<16xf32>
            %parallel_loop3A_591 = arith.mulf %parallel_loop3A_590, %parallel_loop3A_559 : vector<16xf32>
            %parallel_loop3A_592 = arith.addf %parallel_loop3A_589, %parallel_loop3A_591 : vector<16xf32>
            %parallel_loop3A_593 = arith.addf %parallel_loop3A_582, %parallel_loop3A_587 : vector<16xf32>
            %parallel_loop3A_594 = arith.addf %parallel_loop3A_577, %parallel_loop3A_593 : vector<16xf32>
            %parallel_loop3A_595 = vector.broadcast %squeeze3A_253 : f32 to vector<16xf32>
            %parallel_loop3A_596 = arith.mulf %parallel_loop3A_595, %parallel_loop3A_564 : vector<16xf32>
            %parallel_loop3A_597 = arith.addf %parallel_loop3A_592, %parallel_loop3A_596 : vector<16xf32>
            %parallel_loop3A_598 = arith.addf %parallel_loop3A_594, %parallel_loop3A_597 : vector<16xf32>
            %parallel_loop3A_599 = arith.constant 1 : i32
            %parallel_loop3A_600 = arith.index_cast %parallel_loop3A_599 : i32 to index
            %parallel_loop3A_601 = arith.index_cast %parallel_loop3A_566 : i32 to index
            %parallel_loop3A_602 = arith.index_cast %parallel_loop3A_529 : i32 to index
            %parallel_loop3A_603 = tpu.vector_load %arg15[%parallel_loop3A_600, %parallel_loop3A_601, %parallel_loop3A_602] {strides = array<i32>} : memref<2x16x1024xf32, #tpu.memory_space<vmem>>, vector<1x1x16xf32>,
            %parallel_loop3A_604 = vector.shape_cast %parallel_loop3A_603 : vector<1x1x16xf32> to vector<16xf32>
            %parallel_loop3A_605 = vector.shape_cast %parallel_loop3A_598 : vector<16xf32> to vector<1x1x16xf32>
            tpu.vector_store %arg15[%parallel_loop3A_600, %parallel_loop3A_601, %parallel_loop3A_602], %parallel_loop3A_605 {strides = array<i32>} : memref<2x16x1024xf32, #tpu.memory_space<vmem>>, vector<1x1x16xf32>,
            %parallel_loop3A_606 = arith.constant 1 : i32
            %parallel_loop3A_607 = arith.addi %mul3A_234, %parallel_loop3A_606 : i32
            %parallel_loop3A_608 = arith.constant 1 : i32
            %parallel_loop3A_609 = arith.index_cast %parallel_loop3A_608 : i32 to index
            %parallel_loop3A_610 = arith.index_cast %parallel_loop3A_607 : i32 to index
            %parallel_loop3A_611 = arith.index_cast %parallel_loop3A_529 : i32 to index
            %parallel_loop3A_612 = tpu.vector_load %arg14[%parallel_loop3A_609, %parallel_loop3A_610, %parallel_loop3A_611] {strides = array<i32>} : memref<2x16x1024xf32, #tpu.memory_space<vmem>>, vector<1x1x16xf32>,
            %parallel_loop3A_613 = vector.shape_cast %parallel_loop3A_612 : vector<1x1x16xf32> to vector<16xf32>
            %parallel_loop3A_614 = arith.index_cast %parallel_loop3A_607 : i32 to index
            %parallel_loop3A_615 = arith.index_cast %parallel_loop3A_529 : i32 to index
            %parallel_loop3A_616 = tpu.vector_load %arg11[%parallel_loop3A_614, %parallel_loop3A_615] {strides = array<i32>} : memref<16x1024xf32, #tpu.memory_space<vmem>>, vector<1x16xf32>,
            %parallel_loop3A_617 = vector.shape_cast %parallel_loop3A_616 : vector<1x16xf32> to vector<16xf32>
            %parallel_loop3A_618 = arith.addf %parallel_loop3A_613, %parallel_loop3A_617 : vector<16xf32>
            %parallel_loop3A_619 = vector.broadcast %squeeze3A_263 : f32 to vector<16xf32>
            %parallel_loop3A_620 = arith.mulf %parallel_loop3A_619, %parallel_loop3A_534 : vector<16xf32>
            %parallel_loop3A_621 = vector.broadcast %squeeze3A_265 : f32 to vector<16xf32>
            %parallel_loop3A_622 = arith.mulf %parallel_loop3A_621, %parallel_loop3A_539 : vector<16xf32>
            %parallel_loop3A_623 = arith.addf %parallel_loop3A_620, %parallel_loop3A_622 : vector<16xf32>
            %parallel_loop3A_624 = vector.broadcast %squeeze3A_267 : f32 to vector<16xf32>
            %parallel_loop3A_625 = arith.mulf %parallel_loop3A_624, %parallel_loop3A_544 : vector<16xf32>
            %parallel_loop3A_626 = vector.broadcast %squeeze3A_269 : f32 to vector<16xf32>
            %parallel_loop3A_627 = arith.mulf %parallel_loop3A_626, %parallel_loop3A_549 : vector<16xf32>
            %parallel_loop3A_628 = arith.addf %parallel_loop3A_625, %parallel_loop3A_627 : vector<16xf32>
            %parallel_loop3A_629 = vector.broadcast %squeeze3A_271 : f32 to vector<16xf32>
            %parallel_loop3A_630 = arith.mulf %parallel_loop3A_629, %parallel_loop3A_554 : vector<16xf32>
            %parallel_loop3A_631 = vector.broadcast %squeeze3A_273 : f32 to vector<16xf32>
            %parallel_loop3A_632 = arith.mulf %parallel_loop3A_631, %parallel_loop3A_559 : vector<16xf32>
            %parallel_loop3A_633 = arith.addf %parallel_loop3A_630, %parallel_loop3A_632 : vector<16xf32>
            %parallel_loop3A_634 = arith.addf %parallel_loop3A_623, %parallel_loop3A_628 : vector<16xf32>
            %parallel_loop3A_635 = arith.addf %parallel_loop3A_618, %parallel_loop3A_634 : vector<16xf32>
            %parallel_loop3A_636 = vector.broadcast %squeeze3A_275 : f32 to vector<16xf32>
            %parallel_loop3A_637 = arith.mulf %parallel_loop3A_636, %parallel_loop3A_564 : vector<16xf32>
            %parallel_loop3A_638 = arith.addf %parallel_loop3A_633, %parallel_loop3A_637 : vector<16xf32>
            %parallel_loop3A_639 = arith.addf %parallel_loop3A_635, %parallel_loop3A_638 : vector<16xf32>
            %parallel_loop3A_640 = arith.constant 1 : i32
            %parallel_loop3A_641 = arith.index_cast %parallel_loop3A_640 : i32 to index
            %parallel_loop3A_642 = arith.index_cast %parallel_loop3A_607 : i32 to index
            %parallel_loop3A_643 = arith.index_cast %parallel_loop3A_529 : i32 to index
            %parallel_loop3A_644 = tpu.vector_load %arg15[%parallel_loop3A_641, %parallel_loop3A_642, %parallel_loop3A_643] {strides = array<i32>} : memref<2x16x1024xf32, #tpu.memory_space<vmem>>, vector<1x1x16xf32>,
            %parallel_loop3A_645 = vector.shape_cast %parallel_loop3A_644 : vector<1x1x16xf32> to vector<16xf32>
            %parallel_loop3A_646 = vector.shape_cast %parallel_loop3A_639 : vector<16xf32> to vector<1x1x16xf32>
            tpu.vector_store %arg15[%parallel_loop3A_641, %parallel_loop3A_642, %parallel_loop3A_643], %parallel_loop3A_646 {strides = array<i32>} : memref<2x16x1024xf32, #tpu.memory_space<vmem>>, vector<1x1x16xf32>,
            %parallel_loop3A_647 = arith.constant 2 : i32
            %parallel_loop3A_648 = arith.addi %mul3A_234, %parallel_loop3A_647 : i32
            %parallel_loop3A_649 = arith.constant 1 : i32
            %parallel_loop3A_650 = arith.index_cast %parallel_loop3A_649 : i32 to index
            %parallel_loop3A_651 = arith.index_cast %parallel_loop3A_648 : i32 to index
            %parallel_loop3A_652 = arith.index_cast %parallel_loop3A_529 : i32 to index
            %parallel_loop3A_653 = tpu.vector_load %arg14[%parallel_loop3A_650, %parallel_loop3A_651, %parallel_loop3A_652] {strides = array<i32>} : memref<2x16x1024xf32, #tpu.memory_space<vmem>>, vector<1x1x16xf32>,
            %parallel_loop3A_654 = vector.shape_cast %parallel_loop3A_653 : vector<1x1x16xf32> to vector<16xf32>
            %parallel_loop3A_655 = arith.index_cast %parallel_loop3A_648 : i32 to index
            %parallel_loop3A_656 = arith.index_cast %parallel_loop3A_529 : i32 to index
            %parallel_loop3A_657 = tpu.vector_load %arg11[%parallel_loop3A_655, %parallel_loop3A_656] {strides = array<i32>} : memref<16x1024xf32, #tpu.memory_space<vmem>>, vector<1x16xf32>,
            %parallel_loop3A_658 = vector.shape_cast %parallel_loop3A_657 : vector<1x16xf32> to vector<16xf32>
            %parallel_loop3A_659 = arith.addf %parallel_loop3A_654, %parallel_loop3A_658 : vector<16xf32>
            %parallel_loop3A_660 = vector.broadcast %squeeze3A_285 : f32 to vector<16xf32>
            %parallel_loop3A_661 = arith.mulf %parallel_loop3A_660, %parallel_loop3A_534 : vector<16xf32>
            %parallel_loop3A_662 = vector.broadcast %squeeze3A_287 : f32 to vector<16xf32>
            %parallel_loop3A_663 = arith.mulf %parallel_loop3A_662, %parallel_loop3A_539 : vector<16xf32>
            %parallel_loop3A_664 = arith.addf %parallel_loop3A_661, %parallel_loop3A_663 : vector<16xf32>
            %parallel_loop3A_665 = vector.broadcast %squeeze3A_289 : f32 to vector<16xf32>
            %parallel_loop3A_666 = arith.mulf %parallel_loop3A_665, %parallel_loop3A_544 : vector<16xf32>
            %parallel_loop3A_667 = vector.broadcast %squeeze3A_291 : f32 to vector<16xf32>
            %parallel_loop3A_668 = arith.mulf %parallel_loop3A_667, %parallel_loop3A_549 : vector<16xf32>
            %parallel_loop3A_669 = arith.addf %parallel_loop3A_666, %parallel_loop3A_668 : vector<16xf32>
            %parallel_loop3A_670 = vector.broadcast %squeeze3A_293 : f32 to vector<16xf32>
            %parallel_loop3A_671 = arith.mulf %parallel_loop3A_670, %parallel_loop3A_554 : vector<16xf32>
            %parallel_loop3A_672 = vector.broadcast %squeeze3A_295 : f32 to vector<16xf32>
            %parallel_loop3A_673 = arith.mulf %parallel_loop3A_672, %parallel_loop3A_559 : vector<16xf32>
            %parallel_loop3A_674 = arith.addf %parallel_loop3A_671, %parallel_loop3A_673 : vector<16xf32>
            %parallel_loop3A_675 = arith.addf %parallel_loop3A_664, %parallel_loop3A_669 : vector<16xf32>
            %parallel_loop3A_676 = arith.addf %parallel_loop3A_659, %parallel_loop3A_675 : vector<16xf32>
            %parallel_loop3A_677 = vector.broadcast %squeeze3A_297 : f32 to vector<16xf32>
            %parallel_loop3A_678 = arith.mulf %parallel_loop3A_677, %parallel_loop3A_564 : vector<16xf32>
            %parallel_loop3A_679 = arith.addf %parallel_loop3A_674, %parallel_loop3A_678 : vector<16xf32>
            %parallel_loop3A_680 = arith.addf %parallel_loop3A_676, %parallel_loop3A_679 : vector<16xf32>
            %parallel_loop3A_681 = arith.constant 1 : i32
            %parallel_loop3A_682 = arith.index_cast %parallel_loop3A_681 : i32 to index
            %parallel_loop3A_683 = arith.index_cast %parallel_loop3A_648 : i32 to index
            %parallel_loop3A_684 = arith.index_cast %parallel_loop3A_529 : i32 to index
            %parallel_loop3A_685 = tpu.vector_load %arg15[%parallel_loop3A_682, %parallel_loop3A_683, %parallel_loop3A_684] {strides = array<i32>} : memref<2x16x1024xf32, #tpu.memory_space<vmem>>, vector<1x1x16xf32>,
            %parallel_loop3A_686 = vector.shape_cast %parallel_loop3A_685 : vector<1x1x16xf32> to vector<16xf32>
            %parallel_loop3A_687 = vector.shape_cast %parallel_loop3A_680 : vector<16xf32> to vector<1x1x16xf32>
            tpu.vector_store %arg15[%parallel_loop3A_682, %parallel_loop3A_683, %parallel_loop3A_684], %parallel_loop3A_687 {strides = array<i32>} : memref<2x16x1024xf32, #tpu.memory_space<vmem>>, vector<1x1x16xf32>,
            %parallel_loop3A_688 = arith.constant 3 : i32
            %parallel_loop3A_689 = arith.addi %mul3A_234, %parallel_loop3A_688 : i32
            %parallel_loop3A_690 = arith.constant 1 : i32
            %parallel_loop3A_691 = arith.index_cast %parallel_loop3A_690 : i32 to index
            %parallel_loop3A_692 = arith.index_cast %parallel_loop3A_689 : i32 to index
            %parallel_loop3A_693 = arith.index_cast %parallel_loop3A_529 : i32 to index
            %parallel_loop3A_694 = tpu.vector_load %arg14[%parallel_loop3A_691, %parallel_loop3A_692, %parallel_loop3A_693] {strides = array<i32>} : memref<2x16x1024xf32, #tpu.memory_space<vmem>>, vector<1x1x16xf32>,
            %parallel_loop3A_695 = vector.shape_cast %parallel_loop3A_694 : vector<1x1x16xf32> to vector<16xf32>
            %parallel_loop3A_696 = arith.index_cast %parallel_loop3A_689 : i32 to index
            %parallel_loop3A_697 = arith.index_cast %parallel_loop3A_529 : i32 to index
            %parallel_loop3A_698 = tpu.vector_load %arg11[%parallel_loop3A_696, %parallel_loop3A_697] {strides = array<i32>} : memref<16x1024xf32, #tpu.memory_space<vmem>>, vector<1x16xf32>,
            %parallel_loop3A_699 = vector.shape_cast %parallel_loop3A_698 : vector<1x16xf32> to vector<16xf32>
            %parallel_loop3A_700 = arith.addf %parallel_loop3A_695, %parallel_loop3A_699 : vector<16xf32>
            %parallel_loop3A_701 = vector.broadcast %squeeze3A_307 : f32 to vector<16xf32>
            %parallel_loop3A_702 = arith.mulf %parallel_loop3A_701, %parallel_loop3A_534 : vector<16xf32>
            %parallel_loop3A_703 = vector.broadcast %squeeze3A_309 : f32 to vector<16xf32>
            %parallel_loop3A_704 = arith.mulf %parallel_loop3A_703, %parallel_loop3A_539 : vector<16xf32>
            %parallel_loop3A_705 = arith.addf %parallel_loop3A_702, %parallel_loop3A_704 : vector<16xf32>
            %parallel_loop3A_706 = vector.broadcast %squeeze3A_311 : f32 to vector<16xf32>
            %parallel_loop3A_707 = arith.mulf %parallel_loop3A_706, %parallel_loop3A_544 : vector<16xf32>
            %parallel_loop3A_708 = vector.broadcast %squeeze3A_313 : f32 to vector<16xf32>
            %parallel_loop3A_709 = arith.mulf %parallel_loop3A_708, %parallel_loop3A_549 : vector<16xf32>
            %parallel_loop3A_710 = arith.addf %parallel_loop3A_707, %parallel_loop3A_709 : vector<16xf32>
            %parallel_loop3A_711 = vector.broadcast %squeeze3A_315 : f32 to vector<16xf32>
            %parallel_loop3A_712 = arith.mulf %parallel_loop3A_711, %parallel_loop3A_554 : vector<16xf32>
            %parallel_loop3A_713 = vector.broadcast %squeeze3A_317 : f32 to vector<16xf32>
            %parallel_loop3A_714 = arith.mulf %parallel_loop3A_713, %parallel_loop3A_559 : vector<16xf32>
            %parallel_loop3A_715 = arith.addf %parallel_loop3A_712, %parallel_loop3A_714 : vector<16xf32>
            %parallel_loop3A_716 = arith.addf %parallel_loop3A_705, %parallel_loop3A_710 : vector<16xf32>
            %parallel_loop3A_717 = arith.addf %parallel_loop3A_700, %parallel_loop3A_716 : vector<16xf32>
            %parallel_loop3A_718 = vector.broadcast %squeeze3A_319 : f32 to vector<16xf32>
            %parallel_loop3A_719 = arith.mulf %parallel_loop3A_718, %parallel_loop3A_564 : vector<16xf32>
            %parallel_loop3A_720 = arith.addf %parallel_loop3A_715, %parallel_loop3A_719 : vector<16xf32>
            %parallel_loop3A_721 = arith.addf %parallel_loop3A_717, %parallel_loop3A_720 : vector<16xf32>
            %parallel_loop3A_722 = arith.constant 1 : i32
            %parallel_loop3A_723 = arith.index_cast %parallel_loop3A_722 : i32 to index
            %parallel_loop3A_724 = arith.index_cast %parallel_loop3A_689 : i32 to index
            %parallel_loop3A_725 = arith.index_cast %parallel_loop3A_529 : i32 to index
            %parallel_loop3A_726 = tpu.vector_load %arg15[%parallel_loop3A_723, %parallel_loop3A_724, %parallel_loop3A_725] {strides = array<i32>} : memref<2x16x1024xf32, #tpu.memory_space<vmem>>, vector<1x1x16xf32>,
            %parallel_loop3A_727 = vector.shape_cast %parallel_loop3A_726 : vector<1x1x16xf32> to vector<16xf32>
            %parallel_loop3A_728 = vector.shape_cast %parallel_loop3A_721 : vector<16xf32> to vector<1x1x16xf32>
            tpu.vector_store %arg15[%parallel_loop3A_723, %parallel_loop3A_724, %parallel_loop3A_725], %parallel_loop3A_728 {strides = array<i32>} : memref<2x16x1024xf32, #tpu.memory_space<vmem>>, vector<1x1x16xf32>,
          } {sc.loop_unroll_factor = 1 : i64, sc.parallel_access}
        }
        %scan3A_209 = arith.constant 4 : i32
        %dma_start3A_210 = arith.constant 1 : i32
        %dma_start3A_211 = arith.constant 0 : i32
        %dma_start3A_212 = arith.constant 0 : i32
        %dma_start3A_213 = tpu.memref_slice %arg15[%dma_start3A_210, %dma_start3A_211, %dma_start3A_212] : memref<2x16x1024xf32, #tpu.memory_space<vmem>> -> memref<1x16x1024xf32, #tpu.memory_space<vmem>>
        %dma_start3A_214 = tpu.memref_squeeze %dma_start3A_213 : memref<1x16x1024xf32, #tpu.memory_space<vmem>> -> memref<16x1024xf32, #tpu.memory_space<vmem>>
        %dma_start3A_215 = arith.constant 0 : i32
        %dma_start3A_216 = tpu.memref_slice %arg8[%add3A_171, %mul3A_4, %dma_start3A_215] : memref<64x448x1024xf32, #tpu.memory_space<hbm>> -> memref<1x16x1024xf32, #tpu.memory_space<hbm>>
        %dma_start3A_217 = tpu.memref_squeeze %dma_start3A_216 : memref<1x16x1024xf32, #tpu.memory_space<hbm>> -> memref<16x1024xf32, #tpu.memory_space<hbm>>
        %dma_start3A_218 = arith.constant 0 : i32
        %dma_start3A_219 = tpu.memref_slice %arg8[%add3A_171, %mul3A_4, %dma_start3A_218] : memref<64x448x1024xf32, #tpu.memory_space<hbm>> -> memref<1x16x1024xf32, #tpu.memory_space<hbm>>
        %dma_start3A_220 = tpu.memref_squeeze %dma_start3A_219 : memref<1x16x1024xf32, #tpu.memory_space<hbm>> -> memref<16x1024xf32, #tpu.memory_space<hbm>>
        %dma_start3A_221 = arith.constant 0 : i32
        %dma_start3A_222 = arith.constant 0 : i32
        %dma_start3A_223 = tpu.memref_slice %arg15[%dma_start3A_210, %dma_start3A_221, %dma_start3A_222] : memref<2x16x1024xf32, #tpu.memory_space<vmem>> -> memref<1x16x1024xf32, #tpu.memory_space<vmem>>
        %dma_start3A_224 = tpu.memref_squeeze %dma_start3A_223 : memref<1x16x1024xf32, #tpu.memory_space<vmem>> -> memref<16x1024xf32, #tpu.memory_space<vmem>>
        tpu.enqueue_dma source(%dma_start3A_224 : memref<16x1024xf32, #tpu.memory_space<vmem>>) target(%dma_start3A_220 : memref<16x1024xf32, #tpu.memory_space<hbm>>) target_semaphore(%arg19 : memref<!tpu.dma_semaphore, #tpu.memory_space<semaphore_mem>>)
        %add3A_225 = arith.constant 2 : i32
        %add3A_226 = arith.addi %add3A_171, %add3A_225 : i32
        %lt3A_227 = arith.constant 64 : i32
        %lt3A_228 = arith.cmpi slt, %add3A_226, %lt3A_227 : i32
        %convert_element_type3A_229 = arith.extui %lt3A_228 : i1 to i32
        %cond3A_230 = arith.constant 0 : i32
        %cond3A_231 = arith.cmpi ne, %convert_element_type3A_229, %cond3A_230 : i32
        scf.if %cond3A_231 {
          %add3A_232 = arith.constant 2 : i32
          %add3A_233 = arith.addi %add3A_171, %add3A_232 : i32
          %dma_start3A_234 = arith.constant 1 : i32
          %dma_start3A_235 = arith.constant 0 : i32
          %dma_start3A_236 = arith.constant 0 : i32
          %dma_start3A_237 = tpu.memref_slice %arg14[%dma_start3A_234, %dma_start3A_235, %dma_start3A_236] : memref<2x16x1024xf32, #tpu.memory_space<vmem>> -> memref<1x16x1024xf32, #tpu.memory_space<vmem>>
          %dma_start3A_238 = tpu.memref_squeeze %dma_start3A_237 : memref<1x16x1024xf32, #tpu.memory_space<vmem>> -> memref<16x1024xf32, #tpu.memory_space<vmem>>
          %dma_start3A_239 = arith.constant 0 : i32
          %dma_start3A_240 = tpu.memref_slice %arg9[%add3A_233, %dma_start3A_239] : memref<64x16xi32, #tpu.memory_space<vmem>> -> memref<1x16xi32, #tpu.memory_space<vmem>>
          %dma_start3A_241 = tpu.memref_squeeze %dma_start3A_240 : memref<1x16xi32, #tpu.memory_space<vmem>> -> memref<16xi32, #tpu.memory_space<vmem>>
          %dma_start3A_242 = arith.constant 0 : i32
          %dma_start3A_243 = arith.constant 0 : i32
          %dma_start3A_244 = tpu.memref_slice %arg4[%dma_start3A_242, %dma_start3A_243] : memref<51865x1024xf32, #tpu.memory_space<hbm>> -> memref<51865x1024xf32, #tpu.memory_space<hbm>>
          tpu.enqueue_indirect_dma source(%dma_start3A_244 : memref<51865x1024xf32, #tpu.memory_space<hbm>>) target(%dma_start3A_238 : memref<16x1024xf32, #tpu.memory_space<vmem>>) offsets(%dma_start3A_241 : memref<16xi32, #tpu.memory_space<vmem>>) semaphore(%arg17 : memref<!tpu.dma_semaphore, #tpu.memory_space<semaphore_mem>>)
          %dma_start3A_245 = arith.constant 1 : i32
          %dma_start3A_246 = arith.constant 0 : i32
          %dma_start3A_247 = arith.constant 0 : i32
          %dma_start3A_248 = tpu.memref_slice %arg10[%dma_start3A_245, %dma_start3A_246, %dma_start3A_247] : memref<2x16x16xf32, #tpu.memory_space<vmem>> -> memref<1x16x16xf32, #tpu.memory_space<vmem>>
          %dma_start3A_249 = tpu.memref_squeeze %dma_start3A_248 : memref<1x16x16xf32, #tpu.memory_space<vmem>> -> memref<16x16xf32, #tpu.memory_space<vmem>>
          %dma_start3A_250 = arith.constant 0 : i32
          %dma_start3A_251 = arith.constant 0 : i32
          %dma_start3A_252 = tpu.memref_slice %arg3[%add3A, %add3A_233, %dma_start3A_250, %dma_start3A_251] : memref<28x64x16x16xf32, #tpu.memory_space<hbm>> -> memref<1x1x16x16xf32, #tpu.memory_space<hbm>>
          %dma_start3A_253 = tpu.memref_squeeze %dma_start3A_252 : memref<1x1x16x16xf32, #tpu.memory_space<hbm>> -> memref<16x16xf32, #tpu.memory_space<hbm>>
          %dma_start3A_254 = arith.constant 0 : i32
          %dma_start3A_255 = arith.constant 0 : i32
          %dma_start3A_256 = tpu.memref_slice %arg10[%dma_start3A_245, %dma_start3A_254, %dma_start3A_255] : memref<2x16x16xf32, #tpu.memory_space<vmem>> -> memref<1x16x16xf32, #tpu.memory_space<vmem>>
          %dma_start3A_257 = tpu.memref_squeeze %dma_start3A_256 : memref<1x16x16xf32, #tpu.memory_space<vmem>> -> memref<16x16xf32, #tpu.memory_space<vmem>>
          %dma_start3A_258 = arith.constant 0 : i32
          %dma_start3A_259 = arith.constant 0 : i32
          %dma_start3A_260 = tpu.memref_slice %arg3[%add3A, %add3A_233, %dma_start3A_258, %dma_start3A_259] : memref<28x64x16x16xf32, #tpu.memory_space<hbm>> -> memref<1x1x16x16xf32, #tpu.memory_space<hbm>>
          %dma_start3A_261 = tpu.memref_squeeze %dma_start3A_260 : memref<1x1x16x16xf32, #tpu.memory_space<hbm>> -> memref<16x16xf32, #tpu.memory_space<hbm>>
          tpu.enqueue_dma source(%dma_start3A_261 : memref<16x16xf32, #tpu.memory_space<hbm>>) target(%dma_start3A_257 : memref<16x16xf32, #tpu.memory_space<vmem>>) target_semaphore(%arg21 : memref<!tpu.dma_semaphore, #tpu.memory_space<semaphore_mem>>)
        } else {
        }
      }
      %scan3A_72 = arith.constant 32 : i32
      %dma_wait3A = arith.constant 0 : i32
      %dma_wait3A_73 = arith.constant 62 : i32
      %dma_wait3A_74 = arith.constant 0 : i32
      %dma_wait3A_75 = arith.constant 0 : i32
      %dma_wait3A_76 = tpu.memref_slice %arg15[%dma_wait3A, %dma_wait3A_74, %dma_wait3A_75] : memref<2x16x1024xf32, #tpu.memory_space<vmem>> -> memref<1x16x1024xf32, #tpu.memory_space<vmem>>
      %dma_wait3A_77 = tpu.memref_squeeze %dma_wait3A_76 : memref<1x16x1024xf32, #tpu.memory_space<vmem>> -> memref<16x1024xf32, #tpu.memory_space<vmem>>
      %dma_wait3A_78 = arith.constant 0 : i32
      %dma_wait3A_79 = tpu.memref_slice %arg8[%dma_wait3A_73, %mul3A_4, %dma_wait3A_78] : memref<64x448x1024xf32, #tpu.memory_space<hbm>> -> memref<1x16x1024xf32, #tpu.memory_space<hbm>>
      %dma_wait3A_80 = tpu.memref_squeeze %dma_wait3A_79 : memref<1x16x1024xf32, #tpu.memory_space<hbm>> -> memref<16x1024xf32, #tpu.memory_space<hbm>>
      %dma_wait3A_81 = arith.constant 0 : i32
      %dma_wait3A_82 = tpu.memref_slice %arg8[%dma_wait3A_73, %mul3A_4, %dma_wait3A_81] : memref<64x448x1024xf32, #tpu.memory_space<hbm>> -> memref<1x16x1024xf32, #tpu.memory_space<hbm>>
      %dma_wait3A_83 = tpu.memref_squeeze %dma_wait3A_82 : memref<1x16x1024xf32, #tpu.memory_space<hbm>> -> memref<16x1024xf32, #tpu.memory_space<hbm>>
      %dma_wait3A_84 = arith.constant 0 : i32
      %dma_wait3A_85 = arith.constant 0 : i32
      %dma_wait3A_86 = tpu.memref_slice %arg15[%dma_wait3A, %dma_wait3A_84, %dma_wait3A_85] : memref<2x16x1024xf32, #tpu.memory_space<vmem>> -> memref<1x16x1024xf32, #tpu.memory_space<vmem>>
      %dma_wait3A_87 = tpu.memref_squeeze %dma_wait3A_86 : memref<1x16x1024xf32, #tpu.memory_space<vmem>> -> memref<16x1024xf32, #tpu.memory_space<vmem>>
      tpu.wait_dma2 semaphore(%arg18 : memref<!tpu.dma_semaphore, #tpu.memory_space<semaphore_mem>>) src(%dma_wait3A_87 : memref<16x1024xf32, #tpu.memory_space<vmem>>) dst(%dma_wait3A_83 : memref<16x1024xf32, #tpu.memory_space<hbm>>)
      %dma_wait3A_88 = arith.constant 1 : i32
      %dma_wait3A_89 = arith.constant 63 : i32
      %dma_wait3A_90 = arith.constant 0 : i32
      %dma_wait3A_91 = arith.constant 0 : i32
      %dma_wait3A_92 = tpu.memref_slice %arg15[%dma_wait3A_88, %dma_wait3A_90, %dma_wait3A_91] : memref<2x16x1024xf32, #tpu.memory_space<vmem>> -> memref<1x16x1024xf32, #tpu.memory_space<vmem>>
      %dma_wait3A_93 = tpu.memref_squeeze %dma_wait3A_92 : memref<1x16x1024xf32, #tpu.memory_space<vmem>> -> memref<16x1024xf32, #tpu.memory_space<vmem>>
      %dma_wait3A_94 = arith.constant 0 : i32
      %dma_wait3A_95 = tpu.memref_slice %arg8[%dma_wait3A_89, %mul3A_4, %dma_wait3A_94] : memref<64x448x1024xf32, #tpu.memory_space<hbm>> -> memref<1x16x1024xf32, #tpu.memory_space<hbm>>
      %dma_wait3A_96 = tpu.memref_squeeze %dma_wait3A_95 : memref<1x16x1024xf32, #tpu.memory_space<hbm>> -> memref<16x1024xf32, #tpu.memory_space<hbm>>
      %dma_wait3A_97 = arith.constant 0 : i32
      %dma_wait3A_98 = tpu.memref_slice %arg8[%dma_wait3A_89, %mul3A_4, %dma_wait3A_97] : memref<64x448x1024xf32, #tpu.memory_space<hbm>> -> memref<1x16x1024xf32, #tpu.memory_space<hbm>>
      %dma_wait3A_99 = tpu.memref_squeeze %dma_wait3A_98 : memref<1x16x1024xf32, #tpu.memory_space<hbm>> -> memref<16x1024xf32, #tpu.memory_space<hbm>>
      %dma_wait3A_100 = arith.constant 0 : i32
      %dma_wait3A_101 = arith.constant 0 : i32
      %dma_wait3A_102 = tpu.memref_slice %arg15[%dma_wait3A_88, %dma_wait3A_100, %dma_wait3A_101] : memref<2x16x1024xf32, #tpu.memory_space<vmem>> -> memref<1x16x1024xf32, #tpu.memory_space<vmem>>
      %dma_wait3A_103 = tpu.memref_squeeze %dma_wait3A_102 : memref<1x16x1024xf32, #tpu.memory_space<vmem>> -> memref<16x1024xf32, #tpu.memory_space<vmem>>
      tpu.wait_dma2 semaphore(%arg19 : memref<!tpu.dma_semaphore, #tpu.memory_space<semaphore_mem>>) src(%dma_wait3A_103 : memref<16x1024xf32, #tpu.memory_space<vmem>>) dst(%dma_wait3A_99 : memref<16x1024xf32, #tpu.memory_space<hbm>>)
    } else {
    }
    return
  }
}

</mosaic_0001>

<sc_bundles>
// kernel: kernel.3.cloned.1.call-start
scs
__scs_entry_jumppad:
0x0: {  	(pc) =	sbr.rel $0x88, $3  }
0x1: {  	(tag) =	ssettag $0x0;
	lr =	simm.s32 $0x1  }
0x2: {  	[smem:$0x3F9B] =	sst lr;
	_ =	strace $0xD0000000  }
0x3: {  	_ = 	snop  }
0x4: {  	_ = 	snop  }
0x5: {  	_ = 	snop  }
0x6: {  	_ = 	snop  }
0x7: {  	_ = 	snop  }
__scs_overlays_trampoline_lowered:
0x8: {  	[smem:$0x3FAA] =	sst s0  }
0x9: {  	[smem:$0x3FAB] =	sst s1  }
0xa: {  	[smem:$0x3FAC] =	sst s2  }
0xb: {  	[smem:$0x3FAD] =	sst s3  }
0xc: {  	[smem:$0x3FAE] =	sst s4  }
0xd: {  	[smem:$0x3FAF] =	sst s5  }
0xe: {  	[smem:$0x3FB0] =	sst s6  }
0xf: {  	[smem:$0x3FB1] =	sst s7  }
0x10: {  	[smem:$0x3FB2] =	sst s8  }
0x11: {  	[smem:$0x3FB3] =	sst s9;
	s0 =	simm.s32 @!p0 $0x0  }
0x12: {  	s1 =	sld [smem:$0x3F99];
	s0 =	simm.s32 @p0 $0x1  }
0x13: {  	[smem:$0x3FB4] =	sst s0;
	s0 =	simm.s32 @!p1 $0x0  }
0x14: {  	s2 =	sld [smem:$0x3F98];
	s0 =	simm.s32 @p1 $0x1  }
0x15: {  	[smem:$0x3FB5] =	sst s0;
	s0 =	simm.s32 @!p2 $0x0  }
0x16: {  	s3 =	sld [smem:$0x3FDB];
	s0 =	simm.s32 @p2 $0x1  }
0x17: {  	s4 =	simm.s32 $0x1BF5;
	[smem:$0x3FB7] =	sst s0  }
0x18: {  	s0 =	sld [smem:$0x3F9A];
	_ =	swait.ge [sflag:s4], $0x0  }
0x19: {  	s7 =	sld [smem:$0x3F9B]  }
0x1a: {  	s8 =	sadd.s32 $0xFFFFE003, lr  }
0x1b: {  	s9 =	sadd.s32 $0xFFFFFEF7, lr;
	s5 =	simm.s32 $0xFFFFFFFF;
	p2 =	slt.u32 s8, $0xFFFFF086  }
0x1c: {  	p1 =	slt.u32 s9, $0xF7A;
	s5 =	simm.s32 @!p2 $0x0  }
0x1d: {  	s5 =	simm.s32 @p1 $0x1;
	p0 =	seq.s32 s7, s2  }
0x1e: {  	s7 =	smul.u32 @!p0 $0xF7A, s2;
	p2 =	seq.s32 @!p0 s5, $0x0  }
0x1f: {  	s9 =	smul.u32 $0xF7A, s1;
	s8 =	simm.s32 @!p0 $0x1BF5;
	p2 =	por !p2, p0  }
0x20: {  	[sflag:s8] =	ssyncset.s32 @!p0 $0xFFFFF086;
	s6 =	sadd.s32 @!p0 s3, s7;
	s7 =	simm.s32 @!p0 $0x108  }
0x21: {  	s3 =	sadd.s32 s3, s9;
	s6 =	sadd.s32 @!p0 $0x88, s6;
	s7 =	simm.s32 @p2 $0x1082  }
0x22: {  	[simem:s7], [sflag:s8] =	dma.local @!p0 [hbm:s6], $0xF7A  }
0x23: {  	s9 =	sor.u32 $0xD0000000, s2;
	s6 =	simm.s32 $0x108;
	_ =	swait.ge @!p0 [sflag:s8], $0x0  }
0x24: {  	s3 =	sadd.s32 $0x88, s3;
	s6 =	simm.s32 @!p1 $0x1082;
	[sflag:s4] =	ssyncset.s32 $0xFFFFF086  }
0x25: {  	[simem:s6], [sflag:s4] =	dma.local [hbm:s3], $0xF7A  }
0x26: {  	[smem:$0x3F9B] =	sst s1;
	(tag) =	ssettag s2;
	_ =	strace s9  }
0x27: {  	s1 =	sld [smem:$0x3FAB]  }
0x28: {  	s2 =	sld [smem:$0x3FAC]  }
0x29: {  	s4 =	sld [smem:$0x3FAE]  }
0x2a: {  	p0 =	seq.s32 s5, $0x0;
	s5 =	sld [smem:$0x3FAF]  }
0x2b: {  	s6 =	sld [smem:$0x3FB0]  }
0x2c: {  	s7 =	sld [smem:$0x3FB1]  }
0x2d: {  	s3 =	simm.s32 $0x108;
	s8 =	sld [smem:$0x3FB2]  }
0x2e: {  	s3 =	simm.s32 @!p0 $0x1082;
	s9 =	sld [smem:$0x3FB3]  }
0x2f: {  	lr =	sadd.s32 s0, s3;
	s0 =	sld [smem:$0x3FAA]  }
0x30: {  	s3 =	sld [smem:$0x3FAD]  }
0x31: {  	[smem:$0x3FB6] =	sst s10  }
0x32: {  	s10 =	sld [smem:$0x3FB4];
	_ =	sdelay $0x3  }
0x33: {  	p0 =	seq.s32 s10, $0x1;
	s10 =	sld [smem:$0x3FB6];
	_ =	sdelay $0x3  }
0x34: {  	[smem:$0x3FB6] =	sst s10  }
0x35: {  	s10 =	sld [smem:$0x3FB5];
	_ =	sdelay $0x3  }
0x36: {  	p1 =	seq.s32 s10, $0x1;
	s10 =	sld [smem:$0x3FB6];
	_ =	sdelay $0x3  }
0x37: {  	[smem:$0x3FB6] =	sst s10  }
0x38: {  	s10 =	sld [smem:$0x3FB7]  }
0x39: {  	_ = 	snop;
	(pc) =	sbr.ind lr, $3  }
0x3a: {  	_ = 	snop  }
0x3b: {  	_ = 	snop  }
0x3c: {  	p2 =	seq.s32 s10, $0x1;
	s10 =	sld [smem:$0x3FB6]  }
0x3d: {  	_ =	shalt  }
0x3e: {  	_ =	shalt  }
0x3f: {  	_ =	shalt  }
0x40: {  	_ =	shalt  }
0x41: {  	_ =	shalt  }
0x42: {  	_ =	shalt  }
0x43: {  	_ =	shalt  }
0x44: {  	_ =	shalt  }
0x45: {  	_ =	shalt  }
0x46: {  	_ =	shalt  }
0x47: {  	_ =	shalt  }
0x48: {  	_ =	shalt  }
0x49: {  	_ =	shalt  }
0x4a: {  	_ =	shalt  }
0x4b: {  	_ =	shalt  }
0x4c: {  	_ =	shalt  }
0x4d: {  	_ =	shalt  }
0x4e: {  	_ =	shalt  }
0x4f: {  	_ =	shalt  }
0x50: {  	_ =	shalt  }
0x51: {  	_ =	shalt  }
0x52: {  	_ =	shalt  }
0x53: {  	_ =	shalt  }
0x54: {  	_ =	shalt  }
0x55: {  	_ =	shalt  }
0x56: {  	_ =	shalt  }
0x57: {  	_ =	shalt  }
0x58: {  	_ =	shalt  }
0x59: {  	_ =	shalt  }
0x5a: {  	_ =	shalt  }
0x5b: {  	_ =	shalt  }
0x5c: {  	_ =	shalt  }
0x5d: {  	_ =	shalt  }
0x5e: {  	_ =	shalt  }
0x5f: {  	_ =	shalt  }
0x60: {  	_ =	shalt  }
0x61: {  	_ =	shalt  }
0x62: {  	_ =	shalt  }
0x63: {  	_ =	shalt  }
0x64: {  	_ =	shalt  }
0x65: {  	_ =	shalt  }
0x66: {  	_ =	shalt  }
0x67: {  	_ =	shalt  }
0x68: {  	_ =	shalt  }
0x69: {  	_ =	shalt  }
0x6a: {  	_ =	shalt  }
0x6b: {  	_ =	shalt  }
0x6c: {  	_ =	shalt  }
0x6d: {  	_ =	shalt  }
0x6e: {  	_ =	shalt  }
0x6f: {  	_ =	shalt  }
0x70: {  	_ =	shalt  }
0x71: {  	_ =	shalt  }
0x72: {  	_ =	shalt  }
0x73: {  	_ =	shalt  }
0x74: {  	_ =	shalt  }
0x75: {  	_ =	shalt  }
0x76: {  	_ =	shalt  }
0x77: {  	_ =	shalt  }
0x78: {  	_ =	shalt  }
0x79: {  	_ =	shalt  }
0x7a: {  	_ =	shalt  }
0x7b: {  	_ =	shalt  }
0x7c: {  	_ =	shalt  }
0x7d: {  	_ =	shalt  }
0x7e: {  	_ =	shalt  }
0x7f: {  	_ =	shalt  }
0x80: {  	_ =	shalt  }
0x81: {  	_ =	shalt  }
0x82: {  	_ =	shalt  }
0x83: {  	_ =	shalt  }
0x84: {  	_ =	shalt  }
0x85: {  	_ =	shalt  }
0x86: {  	_ =	shalt  }
0x87: {  	_ =	shalt  }
.Lfunc_end0:
.L_simem_size_0:
called_computation_lowered:
.L_overlay_start_0:
0x88: {  	s2 =	sld [smem:$0x3FD9]  }
0x89: {  	s3 =	sld [smem:$0x3FFE];
	_ =	sdelay $0x1  }
0x8a: {  	s1 =	srdreg.scid  }
0x8b: {  	s0 =	sand.u32 $0x1, s1  }
0x8c: {  	s17 =	sshll.u32 s0, $0xA;
	s2 =	sadd.s32 s3, s2  }
0x8d: {  	s2 =	sadd.s32 s2, s17  }
0x8e: {  	[smem:$0x3FC2] =	sst s2  }
0x8f: {  	_ = 	snop  }
0x90: {  	s2 =	sld [smem:$0x3FC7]  }
0x91: {  	s18 =	sld [smem:$0x3FC6]  }
0x92: {  	s4 =	sld [smem:$0x3FC5]  }
0x93: {  	s5 =	sld [smem:$0x3FC4]  }
0x94: {  	s6 =	sld [smem:$0x3FD0];
	(tm) =	ssettm $0x1  }
0x95: {  	s7 =	sld [smem:$0x3FFB];
	_ =	sdelay $0x3  }
0x96: {  	_ =	strace s7  }
0x97: {  	s7 =	sld [smem:$0x3FFC];
	_ =	sdelay $0x3  }
0x98: {  	_ =	strace s7  }
0x99: {  	s7 =	sld [smem:$0x3FFD];
	_ =	sdelay $0x3  }
0x9a: {  	_ =	strace s7  }
0x9b: {  	_ =	strace $0x8FFFFFFF  }
0x9c: {  	s19 =	sld [smem:$0x3FDB];
	_ =	sdelay $0x1  }
0x9d: {  	s8 =	simm.s32 $_scs_section_size  }
0x9e: {  	s9 =	simm.s32 $_size__tile_overlayer_lowered;
	s10 =	simm.s32 $_tile_overlayer_lowered  }
0x9f: {  	s22 =	simm.s32 $0x1BFF;
	s21 =	sshll.u32 s10, $0x1;
	s7 =	sadd.s32 s8, s19  }
0xa0: {  	s11 =	simm.s32 $0x0;
	s20 =	sshll.u32 s9, $0x1;
	s9 =	sadd.s32 s21, s7  }
0xa1: {  	[timem:s11], [sflag:s22] =	dma.local [hbm:s9], s20  }
0xa2: {  	_ =	swait.ge [sflag:s22], s20  }
0xa3: {  	s8 =	ssub.s32 $0x0, s20;
	[sflag:s22] =	ssyncset.done $0x0  }
0xa4: {  	[sflag:s22] =	ssyncadd.s32 s8;
	_ =	sdelay $0x1  }
0xa5: {  	s23 =	simm.s32 $0x1B8B  }
0xa6: {  	_ =	swait.ge [sflag:s23], $0x1  }
0xa7: {  	[sflag:s23] =	ssyncset.done $0x0  }
0xa8: {  	s25 =	simm.s32 $0x1B8E;
	s24 =	sld [smem:$0x3FFE];
	[sflag:s23] =	ssyncadd.s32 $0xFFFFFFFF  }
0xa9: {  	s26 =	simm.s32 $execute0_lowered;
	[smem:$0x3FD2] =	sst s25  }
0xaa: {  	s9 =	sshll.u32 s26, $0x1;
	_ =	strace $0x80000046;
	[dreg:$0x1] =	wrdreg $0xFFFFFFFF  }
0xab: {  	s28 =	simm.s32 $_size_execute0_lowered;
	s7 =	sadd.s32 s7, s9;
	[dreg:$0x0] =	wrdreg $0x0  }
0xac: {  	s9 =	sshll.u32 s28, $0x1;
	[dreg:$0x2] =	wrdreg s7  }
0xad: {  	[dreg:$0x3] =	wrdreg s9  }
0xae: {  	[dreg:$0x4] =	wrdreg $0xC0  }
0xaf: {  	_ =	task [dreg:s11], $0x5FFFF  }
0xb0: {  	[dreg:$0x1] =	wrdreg $0xFFFFFFFF  }
0xb1: {  	[dreg:$0x0] =	wrdreg $0x60  }
0xb2: {  	[dreg:$0x2] =	wrdreg s24  }
0xb3: {  	[dreg:$0x3] =	wrdreg s2  }
0xb4: {  	[dreg:$0x4] =	wrdreg s18  }
0xb5: {  	[dreg:$0x5] =	wrdreg s4  }
0xb6: {  	[dreg:$0x6] =	wrdreg s5  }
0xb7: {  	[dreg:$0x7] =	wrdreg s6  }
0xb8: {  	[dreg:$0x8] =	wrdreg $0x9  }
0xb9: {  	_ =	task.clear_ibuf [dreg:s11], $0x9FFFF;
	_ =	strace $0x90000046  }
0xba: {  	s29 =	simm.s32 $0x9;
	_ =	strace $0x80000048  }
0xbb: {  	_ =	swait.ge [sflag:s29], $0x1  }
0xbc: {  	[sflag:s29] =	ssyncadd.s32 $0xFFFFFFFF  }
0xbd: {  	_ =	strace $0x90000048  }
0xbe: {  	_ =	sfence  }
0xbf: {  	s30 =	sld [smem:$0x0];
	_ =	sdelay $0x2  }
0xc0: {  	s31 =	sshll.u32 s1, $0xD;
	s1 =	sshrl.u32 s1, $0x2  }
0xc1: {  	s3 =	sand.u32 $0x4000, s31;
	s1 =	sadd.s32 s1, s30  }
0xc2: {  	s0 =	sor.u32 s3, s0;
	s1 =	sshll.u32 s1, $0x11  }
0xc3: {  	s0 =	sor.u32 s1, s0  }
0xc4: {  	s0 =	sadd.s32 $0x8F2B, s0  }
0xc5: {  	[sflag:s0] =	ssyncadd.remote.s32 $0x1  }
0xc6: {  	_ =	sfence.sel $0xFFFF  }
0xc7: {  	[dreg:$0x0] =	wrdreg $0xFFFFFFFF;
	(pc) =	sbr.abs _section_cstart, $3  }
0xc8: {  	[dreg:$0x1] =	wrdreg $0xFFFFFFFF  }
0xc9: {  	_ =	task.clear_ibuf [dreg:s11], $0x2FFFF;
	_ =	strace $0x9FFFFFFF  }
0xca: {  	(tm) =	ssettm $0x7FFFFFFF  }
0xcb: {  	_ =	shalt  }
tec
execute0_lowered:
.L_overlay_start_1:
0x0: {  	(tag) =	ssettag $0x1  }
0x1: {  	s2 =	stileid.u32  }
0x2: {  	p0 =	sgt.u32 s2, $0xD  }
.Ltmp0:
0x3: {  	s0 =	rddreg [dreg:$0x0];
	(pc) =	sbr.rel @p0 .LBB2_18-.Ltmp0, $4  }
0x4: {  	s30 =	rddreg [dreg:$0x1]  }
0x5: {  	s1 =	rddreg [dreg:$0x2];
	s3 =	simm.s32 $0x0  }
0x6: {  	[smem:$0x7FF] =	sst s3  }
0x7: {  	s31 =	rddreg [dreg:$0x5];
	_ =	strace $0x80000047  }
0x8: {  	s2 =	srdreg.scid;
	s3 =	stileid.u32;
	s19 =	sadd.s32 $0x100, s30  }
0x9: {  	s20 =	sadd.s32 $0x200, s30;
	s22 =	sadd.s32 $0x300, s30;
	[dreg:$0x15] =	wrdreg s19  }
0xa: {  	s2 =	sand.u32 $0x1, s2;
	s3 =	sshll.u32 s3, $0x1;
	[dreg:$0x16] =	wrdreg s20  }
0xb: {  	s18 =	sadd.s32 $0x7400, s0;
	[dreg:$0x18] =	wrdreg s22;
	s3 =	sor.u32 s2, s3  }
0xc: {  	s5 =	sadd.s32 $0x400, s0;
	[dreg:$0x13] =	wrdreg s18;
	s25 =	sshll.u32 s3, $0x11  }
0xd: {  	s4 =	sshll.u32 s3, $0xB;
	s21 =	sshll.u32 s3, $0xE;
	[dreg:$0x1a] =	wrdreg s25  }
0xe: {  	s24 =	ssub.s32 $0x2, s2;
	s1 =	sadd.s32 s1, s4;
	[dreg:$0x17] =	wrdreg s21  }
0xf: {  	s26 =	sshrl.u32 s24, $0x1;
	s23 =	sadd.s32 s18, s21;
	[dreg:$0x14] =	wrdreg s1  }
.Ltmp1:
0x10: {  	v0 =	vlaneseq.u32;
	s28 =	sadd.s32 $0x70000, s21;
	[dreg:$0x19] =	wrdreg s23;
	(pc) =	sbr.rel .LBB2_2-.Ltmp1, $4  }
0x11: {  	v1 =	vand.u32 $0x7, v0;
	v63 =	vshrl.u32 v0, $0x3;
	s0 =	ssub.s32 s24, s26;
	s1 =	sadd.s32 $0x100, s23;
	[dreg:$0x1c] =	wrdreg s28  }
0x12: {  	v0 =	vor.u32 $0x8, v0;
	[tilespmem:$0x1FFD0] =	vst v1;
	v1 =	vmul.u32 $0x8, v63;
	s29 =	sshll.u32 s3, $0xA;
	s0 =	smax.u32 s0, $0x1;
	[dreg:$0x1b] =	wrdreg s1  }
0x13: {  	[tilespmem:$0x1FFF0] =	vst v0;
	s1 =	sadd.s32 s5, s29;
	[dreg:$0x1e] =	wrdreg s0  }
0x14: {  	vm0 =	vmmov $0xffff;
	s2 =	simm.s32 $0x0;
	[tilespmem:$0x1FFE0] =	vst v1;
	[dreg:$0x1d] =	wrdreg s1  }
.LBB2_17:
0x15: {  	s0 =	simm.s32 $0x3  }
0x16: {  	_ =	swait.ge [sflag:s0], $0x4000  }
0x17: {  	[sflag:s0] =	ssyncset.done $0x0  }
0x18: {  	s1 =	simm.s32 $0x4;
	[sflag:s0] =	ssyncadd.s32 $0xFFFFC000  }
0x19: {  	_ =	swait.ge [sflag:s1], $0x4000  }
0x1a: {  	s2 =	rddreg [dreg:$0x1f]  }
0x1b: {  	s29 =	rddreg [dreg:$0x1e];
	s2 =	sadd.s32 $0x1, s2  }
0x1c: {  	p0 =	sne.s32 s2, s29  }
.Ltmp2:
0x1d: {  	_ = 	snop;
	(pc) =	sbr.rel @!p0 .LBB2_18-.Ltmp2, $4  }
0x1e: {  	_ = 	snop  }
0x1f: {  	[sflag:s1] =	ssyncset.done $0x0  }
0x20: {  	[sflag:s1] =	ssyncadd.s32 $0xFFFFC000  }
0x21: {  	s30 =	rddreg [dreg:$0x1]  }
.LBB2_2:
0x22: {  	[dreg:$0x1f] =	wrdreg s2  }
0x23: {  	s0 =	simm.s32 $0x0;
	s1 =	rddreg [dreg:$0x1d];
	s23 =	simm.s32 $0x7  }
0x24: {  	[tilespmem:s0], [sflag:$0x7] =	stream.linear.gather [hbm4b:s1+s0], $0x2000, $0x38;
	[tilespmem:$0x19400] =	vst v63  }
0x25: {  	_ =	swait.ge [sflag:s23], $0x2000  }
0x26: {  	[sflag:s23] =	ssyncset.done $0x0  }
0x27: {  	s3 =	simm.s32 $0x3000;
	s24 =	rddreg [dreg:$0x14];
	[sflag:s23] =	ssyncadd.s32 $0xFFFFE000  }
0x28: {  	[tilespmem:s3], [sflag:$0x7] =	stream.linear.gather [hbm4b:s24+s0], $0x4000, $0x38;
	[tilespmem:$0x19400] =	vst v63  }
0x29: {  	_ =	swait.ge [sflag:s23], $0x4000  }
0x2a: {  	[sflag:s23] =	ssyncset.done $0x0  }
0x2b: {  	[sflag:s23] =	ssyncadd.s32 $0xFFFFC000  }
0x2c: {  	s26 =	simm.s32 $0x7000;
	s25 =	rddreg [dreg:$0x3]  }
0x2d: {  	[tilespmem:s26], [sflag:$0x7] =	stream.linear.gather [hbm4b:s25+s0], $0x2000, $0x38;
	[tilespmem:$0x19400] =	vst v63  }
0x2e: {  	_ =	swait.ge [sflag:s23], $0x2000  }
0x2f: {  	[sflag:s23] =	ssyncset.done $0x0  }
0x30: {  	[sflag:s23] =	ssyncadd.s32 $0xFFFFE000  }
0x31: {  	s29 =	simm.s32 $0x9000;
	s28 =	rddreg [dreg:$0x4]  }
0x32: {  	[tilespmem:s29], [sflag:$0x7] =	stream.linear.gather [hbm4b:s28+s0], $0x400, $0x38;
	[tilespmem:$0x19400] =	vst v63  }
0x33: {  	_ =	swait.ge [sflag:s23], $0x400  }
0x34: {  	[sflag:s23] =	ssyncset.done $0x0  }
0x35: {  	s1 =	simm.s32 $0x0;
	[sflag:s23] =	ssyncadd.s32 $0xFFFFFC00  }
.LBB2_3:
0x36: {  	s4 =	sand.u32 $0x8, s1  }
0x37: {  	s2 =	sshll.u32 s1, $0x7;
	s3 =	sadd.s32 $0x0, s4  }
0x38: {  	s2 =	sand.u32 $0x380, s2;
	s3 =	sshll.u32 s3, $0xA  }
0x39: {  	s2 =	sor.u32 $0x3000, s2;
	s5 =	sand.u32 $0x3FFFFC00, s3  }
0x3a: {  	s6 =	sand.u32 $0x70, s0;
	s3 =	simm.s32 $0x9000;
	s5 =	sadd.s32 s5, s2  }
0x3b: {  	v0 =	vld [tilespmem:s3+$0x0];
	s5 =	sadd.s32 s6, s5  }
0x3c: {  	v3 =	vld [tilespmem:s5+$0x0];
	_ =	sdelay $0x2  }
0x3d: {  	s8 =	simm.s32 $0x0;
	s7 =	simm.s32 $0x2;
	s6 =	simm.s32 $0x0  }
.LBB2_4:
0x3e: {  	p0 =	sne.s32 s7, $0x3F;
	s8 =	sadd.s32 s4, s8  }
0x3f: {  	s8 =	sshll.u32 s8, $0xA;
	v0 =	vadd.f32 v0, v3  }
0x40: {  	s6 =	sadd.s32 $0x10, s6;
	s8 =	sand.u32 $0x3FFFFC00, s8  }
0x41: {  	s3 =	sadd.s32 $0x10, s3;
	s9 =	sand.u32 $0x70, s6;
	s8 =	sadd.s32 s8, s2;
	[tilespmem:s5+$0x0] =	vst v0  }
.Ltmp3:
0x42: {  	s5 =	sadd.s32 s9, s8;
	v0 =	vld [tilespmem:s3+$0x0];
	(pc) =	sbr.rel @p0 .LBB2_4-.Ltmp3, $2  }
0x43: {  	v3 =	vld [tilespmem:s5+$0x0];
	_ =	sdelay $0x2  }
0x44: {  	s8 =	sshrl.u32 s7, $0x3;
	s7 =	sadd.s32 $0x1, s7  }
0x45: {  	s4 =	sadd.s32 s4, s8  }
0x46: {  	s4 =	sshll.u32 s4, $0xA;
	v0 =	vadd.f32 v0, v3  }
0x47: {  	s6 =	sadd.s32 $0x10, s6;
	s4 =	sand.u32 $0x3FFFFC00, s4  }
0x48: {  	s3 =	sadd.s32 $0x10, s3;
	s6 =	sand.u32 $0x70, s6;
	s2 =	sadd.s32 s4, s2;
	[tilespmem:s5+$0x0] =	vst v0  }
0x49: {  	s2 =	sadd.s32 s6, s2;
	v0 =	vld [tilespmem:s3+$0x0]  }
0x4a: {  	v63 =	vld [tilespmem:s2+$0x0]  }
0x4b: {  	s1 =	sadd.s32 $0x1, s1  }
0x4c: {  	p0 =	sne.s32 s1, $0x10  }
.Ltmp4:
0x4d: {  	_ = 	snop;
	(pc) =	sbr.rel @p0 .LBB2_3-.Ltmp4, $3  }
0x4e: {  	_ = 	snop  }
0x4f: {  	v0 =	vadd.f32 v0, v63;
	_ =	sdelay $0x1  }
0x50: {  	[tilespmem:s2+$0x0] =	vst v0  }
0x51: {  	v0 =	vld [tilespmem:$0x0];
	_ =	sdelay $0x2  }
0x52: {  	v1 =	vld [tilespmem:$0x1FFD0];
	_ =	sdelay $0x1  }
0x53: {  	v2 =	vld [tilespmem:$0x1FFE0];
	v3 =	vshll.u32 v0, $0x3  }
0x54: {  	v0 =	vand.u32 $0x7, v0;
	v3 =	vand.u32 $0xFFFFFFC0, v3  }
0x55: {  	v0 =	vor.u32 v0, v3  }
0x56: {  	v3 =	vperm.xlane v0, v1;
	_ =	sdelay $0x1  }
0x57: {  	v3 =	vadd.s32 v2, v3  }
0x58: {  	v4 =	vld [tilespmem:$0x1FFF0];
	_ =	sdelay $0x2  }
0x59: {  	s5 =	simm.s32 $0x0;
	s0 =	simm.s32 $0x9400  }
0x5a: {  	[tilespmem:s0], [sflag:$0x1] =	stream.indirect_vreg.gather [hbm4b:s30+s5], $0x80, v3, vm0, $0xb8;
	[tilespmem:$0x19400] =	vst v63  }
0x5b: {  	s11 =	rddreg [dreg:$0x15];
	s1 =	simm.s32 $0x9C00;
	v0 =	vperm.xlane v0, v4  }
0x5c: {  	[tilespmem:s1], [sflag:$0x1] =	stream.indirect_vreg.gather [hbm4b:s11+s5], $0x80, v3, vm0, $0xb8;
	[tilespmem:$0x19400] =	vst v63  }
0x5d: {  	s12 =	rddreg [dreg:$0x16];
	s2 =	simm.s32 $0xA400;
	v0 =	vadd.s32 v2, v0  }
0x5e: {  	[tilespmem:s2], [sflag:$0x1] =	stream.indirect_vreg.gather [hbm4b:s12+s5], $0x80, v3, vm0, $0xb8;
	[tilespmem:$0x19400] =	vst v63  }
0x5f: {  	s13 =	rddreg [dreg:$0x18];
	s3 =	simm.s32 $0xAC00  }
0x60: {  	[tilespmem:s3], [sflag:$0x1] =	stream.indirect_vreg.gather [hbm4b:s13+s5], $0x80, v3, vm0, $0xb8;
	[tilespmem:$0x19400] =	vst v63  }
0x61: {  	s14 =	simm.s32 $0xB400  }
0x62: {  	[tilespmem:s14], [sflag:$0x1] =	stream.indirect_vreg.gather [hbm4b:s30+s5], $0x80, v0, vm0, $0xb8;
	[tilespmem:$0x19400] =	vst v63  }
0x63: {  	s15 =	simm.s32 $0xBC00  }
0x64: {  	[tilespmem:s15], [sflag:$0x1] =	stream.indirect_vreg.gather [hbm4b:s11+s5], $0x80, v0, vm0, $0xb8;
	[tilespmem:$0x19400] =	vst v63  }
0x65: {  	s16 =	simm.s32 $0xC400  }
0x66: {  	[tilespmem:s16], [sflag:$0x1] =	stream.indirect_vreg.gather [hbm4b:s12+s5], $0x80, v0, vm0, $0xb8;
	[tilespmem:$0x19400] =	vst v63  }
0x67: {  	s17 =	simm.s32 $0xCC00  }
0x68: {  	[tilespmem:s17], [sflag:$0x1] =	stream.indirect_vreg.gather [hbm4b:s13+s5], $0x80, v0, vm0, $0xb8;
	[tilespmem:$0x19400] =	vst v63  }
0x69: {  	s18 =	rddreg [dreg:$0x19];
	s4 =	simm.s32 $0x2000  }
0x6a: {  	[tilespmem:s4], [sflag:$0x5] =	stream.linear.gather [hbm4b:s18+s5], $0x800, $0x38;
	[tilespmem:$0x19400] =	vst v63  }
0x6b: {  	v0 =	vld [tilespmem:$0x80];
	_ =	sdelay $0x4  }
0x6c: {  	v63 =	vshll.u32 v0, $0x3  }
0x6d: {  	v0 =	vand.u32 $0x7, v0;
	v3 =	vand.u32 $0xFFFFFFC0, v63  }
0x6e: {  	v0 =	vor.u32 v0, v3  }
0x6f: {  	v3 =	vperm.xlane v0, v1;
	_ =	sdelay $0x1  }
0x70: {  	v3 =	vadd.s32 v2, v3;
	_ =	sdelay $0x3  }
0x71: {  	s19 =	simm.s32 $0xD400  }
0x72: {  	[tilespmem:s19], [sflag:$0x2] =	stream.indirect_vreg.gather [hbm4b:s30+s5], $0x80, v3, vm0, $0xb8;
	[tilespmem:$0x19400] =	vst v63  }
0x73: {  	s20 =	simm.s32 $0xDC00;
	v0 =	vperm.xlane v0, v4  }
0x74: {  	[tilespmem:s20], [sflag:$0x2] =	stream.indirect_vreg.gather [hbm4b:s11+s5], $0x80, v3, vm0, $0xb8;
	[tilespmem:$0x19400] =	vst v63  }
0x75: {  	s21 =	simm.s32 $0xE400;
	v0 =	vadd.s32 v2, v0  }
0x76: {  	[tilespmem:s21], [sflag:$0x2] =	stream.indirect_vreg.gather [hbm4b:s12+s5], $0x80, v3, vm0, $0xb8;
	[tilespmem:$0x19400] =	vst v63  }
0x77: {  	s22 =	simm.s32 $0xEC00  }
0x78: {  	[tilespmem:s22], [sflag:$0x2] =	stream.indirect_vreg.gather [hbm4b:s13+s5], $0x80, v3, vm0, $0xb8;
	[tilespmem:$0x19400] =	vst v63  }
0x79: {  	s23 =	simm.s32 $0xF400  }
0x7a: {  	[tilespmem:s23], [sflag:$0x2] =	stream.indirect_vreg.gather [hbm4b:s30+s5], $0x80, v0, vm0, $0xb8;
	[tilespmem:$0x19400] =	vst v63  }
0x7b: {  	s24 =	simm.s32 $0xFC00  }
0x7c: {  	[tilespmem:s24], [sflag:$0x2] =	stream.indirect_vreg.gather [hbm4b:s11+s5], $0x80, v0, vm0, $0xb8;
	[tilespmem:$0x19400] =	vst v63  }
0x7d: {  	s25 =	simm.s32 $0x10400  }
0x7e: {  	[tilespmem:s25], [sflag:$0x2] =	stream.indirect_vreg.gather [hbm4b:s12+s5], $0x80, v0, vm0, $0xb8;
	[tilespmem:$0x19400] =	vst v63  }
0x7f: {  	s26 =	simm.s32 $0x10C00  }
0x80: {  	[tilespmem:s26], [sflag:$0x2] =	stream.indirect_vreg.gather [hbm4b:s13+s5], $0x80, v0, vm0, $0xb8;
	[tilespmem:$0x19400] =	vst v63  }
0x81: {  	s28 =	rddreg [dreg:$0x1b];
	s29 =	simm.s32 $0x2800  }
0x82: {  	[tilespmem:s29], [sflag:$0x6] =	stream.linear.gather [hbm4b:s28+s5], $0x800, $0x38;
	[tilespmem:$0x19400] =	vst v63  }
.LBB2_7:
0x83: {  	s0 =	simm.s32 $0x1  }
0x84: {  	_ =	swait.ge [sflag:s0], $0x4000  }
0x85: {  	[sflag:s0] =	ssyncset.done $0x0  }
0x86: {  	s29 =	simm.s32 $0x5;
	[sflag:s0] =	ssyncadd.s32 $0xFFFFC000  }
0x87: {  	_ =	swait.ge [sflag:s29], $0x800  }
0x88: {  	p1 =	seq.s32 s5, $0x0;
	[sflag:s29] =	ssyncset.done $0x0  }
0x89: {  	s0 =	simm.s32 @!p1 $0x3;
	[sflag:s29] =	ssyncadd.s32 $0xFFFFF800  }
0x8a: {  	_ =	swait.ge @!p1 [sflag:s0], $0x4000  }
0x8b: {  	s1 =	sshll.u32 s5, $0x1;
	[sflag:s0] =	ssyncset.done @!p1 $0x0;
	[smem:$0x7FC] =	sst s5  }
0x8c: {  	s8 =	simm.s32 $0x0;
	[smem:$0x7FD] =	sst s1;
	[sflag:s0] =	ssyncadd.s32 @!p1 $0xFFFFC000  }
.LBB2_8:
0x8d: {  	s0 =	sshll.u32 s8, $0xC  }
0x8e: {  	s1 =	sshll.u32 s8, $0x9;
	s2 =	simm.s32 $0x0;
	s0 =	sand.u32 $0x2000, s0  }
0x8f: {  	s3 =	sand.u32 $0x3FFFFE00, s1;
	s13 =	sand.u32 $0x1C00, s2;
	s4 =	sand.u32 $0x200, s1  }
0x90: {  	s11 =	sand.u32 $0x60, s2;
	[dreg:$0x7] =	wrdreg s0;
	s5 =	sadd.s32 $0x7000, s13  }
0x91: {  	v0 =	vld [tilespmem:s3+$0x2000];
	[dreg:$0x8] =	wrdreg s4;
	s14 =	sor.u32 s11, s5  }
0x92: {  	v34 =	vld [tilespmem:s14+$0x200]  }
0x93: {  	v35 =	vld [tilespmem:s14+$0x0]  }
0x94: {  	s2 =	sand.u32 $0x3, s2;
	v31 =	vld [tilespmem:s14+$0x80]  }
0x95: {  	s2 =	sshll.u32 s2, $0x5;
	s15 =	rddreg [dreg:$0x7];
	v33 =	vld [tilespmem:s14+$0x100]  }
0x96: {  	s6 =	rddreg [dreg:$0x8];
	s2 =	sadd.s32 $0x0, s2;
	s12 =	sor.u32 s15, s13;
	v30 =	vld [tilespmem:s14+$0x180]  }
0x97: {  	v37 =	vld [tilespmem:s14+$0x280];
	s17 =	sor.u32 $0x300, s2;
	s0 =	sor.u32 s6, s12;
	v12 =	vbroadcast v0, $0x0;
	v17 =	vbroadcast v0, $0x1  }
0x98: {  	v32 =	vld [tilespmem:s17+$0x7000];
	s16 =	sor.u32 s11, s0;
	v19 =	vbroadcast v0, $0x2;
	v20 =	vbroadcast v0, $0x3  }
0x99: {  	v3 =	vld [tilespmem:s16+$0x9400];
	v25 =	vbroadcast v0, $0x4;
	v18 =	vbroadcast v0, $0x5  }
0x9a: {  	v4 =	vld [tilespmem:s16+$0x3000];
	v5 =	vmul.f32 v35, v12;
	v6 =	vmul.f32 v31, v17  }
0x9b: {  	v7 =	vmul.f32 v33, v19;
	v8 =	vmul.f32 v30, v20  }
0x9c: {  	v9 =	vmul.f32 v34, v25;
	v10 =	vmul.f32 v37, v18  }
0x9d: {  	s18 =	sor.u32 $0x80, s1;
	v26 =	vbroadcast v0, $0x6;
	v0 =	vadd.f32 v6, v5;
	v45 =	vadd.f32 v8, v7  }
0x9e: {  	s19 =	sand.u32 $0x3FFFFE80, s18;
	v46 =	vadd.f32 v10, v9  }
0x9f: {  	v47 =	vld [tilespmem:s19+$0x2000];
	v48 =	vmul.f32 v32, v26;
	v3 =	vadd.f32 v4, v3;
	v0 =	vadd.f32 v45, v0;
	_ =	sdelay $0x1  }
0xa0: {  	v4 =	vadd.f32 v48, v46;
	v0 =	vadd.f32 v3, v0  }
0xa1: {  	s20 =	sor.u32 $0x100, s1  }
0xa2: {  	s7 =	sand.u32 $0x3FFFFF00, s20;
	s3 =	sand.u32 $0x280, s18;
	s13 =	sor.u32 $0x180, s1;
	v0 =	vadd.f32 v0, v4  }
0xa3: {  	s1 =	sand.u32 $0x3FFFFF80, s13;
	v21 =	vbroadcast v47, $0x0;
	v22 =	vbroadcast v47, $0x1;
	v3 =	vld [tilespmem:s7+$0x2000];
	s7 =	sor.u32 s3, s12  }
0xa4: {  	v38 =	vld [tilespmem:s1+$0x2000];
	v23 =	vbroadcast v47, $0x2;
	v24 =	vbroadcast v47, $0x3;
	s21 =	sor.u32 s11, s7;
	[tilespmem:s16+$0x11400] =	vst v0  }
0xa5: {  	v27 =	vbroadcast v47, $0x4;
	v28 =	vbroadcast v47, $0x5;
	v0 =	vld [tilespmem:s21+$0x9400]  }
0xa6: {  	v49 =	vmul.f32 v35, v21;
	v51 =	vmul.f32 v31, v22;
	v50 =	vld [tilespmem:s21+$0x3000]  }
0xa7: {  	v8 =	vmul.f32 v33, v23;
	v9 =	vmul.f32 v30, v24  }
0xa8: {  	v11 =	vmul.f32 v37, v28;
	v10 =	vmul.f32 v34, v27  }
0xa9: {  	v29 =	vbroadcast v47, $0x6;
	v52 =	vadd.f32 v9, v8;
	v4 =	vadd.f32 v51, v49  }
0xaa: {  	v53 =	vadd.f32 v11, v10  }
0xab: {  	v54 =	vmul.f32 v32, v29;
	v4 =	vadd.f32 v52, v4;
	v0 =	vadd.f32 v50, v0;
	_ =	sdelay $0x1  }
0xac: {  	v55 =	vadd.f32 v54, v53;
	v0 =	vadd.f32 v0, v4;
	_ =	sdelay $0x1  }
0xad: {  	s15 =	sand.u32 $0x300, s20;
	v0 =	vadd.f32 v0, v55  }
0xae: {  	s22 =	simm.s32 $0x100;
	s6 =	sor.u32 s15, s12;
	v13 =	vbroadcast v3, $0x0;
	v11 =	vbroadcast v3, $0x1  }
0xaf: {  	s23 =	simm.s32 $0x20;
	s9 =	sand.u32 $0x1C00, s22;
	s16 =	sor.u32 s11, s6;
	v63 =	vbroadcast v3, $0x2;
	v2 =	vbroadcast v3, $0x3;
	[tilespmem:s21+$0x11400] =	vst v0  }
0xb0: {  	s4 =	sand.u32 $0x60, s23;
	s1 =	sadd.s32 $0x7000, s9;
	v10 =	vbroadcast v3, $0x4;
	v16 =	vbroadcast v3, $0x5;
	v0 =	vld [tilespmem:s16+$0x9400]  }
0xb1: {  	s10 =	sor.u32 s4, s1;
	v57 =	vmul.f32 v35, v13;
	v58 =	vmul.f32 v31, v11;
	v8 =	vld [tilespmem:s16+$0x3000]  }
0xb2: {  	s14 =	rddreg [dreg:$0x7];
	v41 =	vld [tilespmem:s10+$0x200];
	v9 =	vmul.f32 v33, v63;
	v36 =	vmul.f32 v30, v2  }
0xb3: {  	s17 =	rddreg [dreg:$0x8];
	s14 =	sor.u32 s14, s9;
	v43 =	vld [tilespmem:s10+$0x0];
	v39 =	vmul.f32 v34, v10;
	v40 =	vmul.f32 v37, v16  }
0xb4: {  	s9 =	sor.u32 s17, s14;
	v44 =	vld [tilespmem:s10+$0x100];
	v56 =	vbroadcast v3, $0x6;
	v42 =	vadd.f32 v58, v57;
	v9 =	vadd.f32 v36, v9  }
0xb5: {  	s25 =	sor.u32 s4, s9;
	v1 =	vbroadcast v38, $0x0;
	v7 =	vbroadcast v38, $0x3;
	v46 =	vld [tilespmem:s10+$0x180];
	v39 =	vadd.f32 v40, v39  }
0xb6: {  	s18 =	simm.s32 $0x1;
	v45 =	vld [tilespmem:s25+$0x9400];
	v60 =	vmul.f32 v32, v56;
	v59 =	vadd.f32 v9, v42;
	v0 =	vadd.f32 v8, v0  }
0xb7: {  	s18 =	sand.u32 $0x3, s18;
	v5 =	vbroadcast v38, $0x2;
	v6 =	vbroadcast v38, $0x5;
	v48 =	vld [tilespmem:s25+$0x3000]  }
0xb8: {  	s24 =	sshll.u32 s18, $0x5;
	v62 =	vmul.f32 v30, v7;
	v36 =	vld [tilespmem:s10+$0x80];
	v39 =	vadd.f32 v60, v39;
	v0 =	vadd.f32 v0, v59  }
0xb9: {  	v47 =	vmul.f32 v41, v25;
	v3 =	vbroadcast v38, $0x1;
	v40 =	vld [tilespmem:s10+$0x280];
	s10 =	sadd.s32 $0x100, s24  }
0xba: {  	s20 =	sand.u32 $0x380, s13;
	v49 =	vmul.f32 v43, v12;
	v51 =	vmul.f32 v46, v20;
	s26 =	sor.u32 $0x300, s10;
	v0 =	vadd.f32 v0, v39  }
0xbb: {  	s12 =	sor.u32 s20, s12;
	v35 =	vmul.f32 v35, v1;
	v61 =	vmul.f32 v31, v3;
	v31 =	vld [tilespmem:s26+$0x7000]  }
0xbc: {  	s28 =	sor.u32 s11, s12;
	v45 =	vadd.f32 v48, v45;
	v37 =	vmul.f32 v37, v6;
	v33 =	vmul.f32 v33, v5;
	[tilespmem:s16+$0x11400] =	vst v0  }
0xbd: {  	v35 =	vadd.f32 v61, v35;
	v50 =	vmul.f32 v36, v17;
	v0 =	vmul.f32 v44, v19;
	v52 =	vld [tilespmem:s28+$0x9400]  }
0xbe: {  	v33 =	vadd.f32 v62, v33;
	v4 =	vbroadcast v38, $0x4;
	v53 =	vmul.f32 v40, v18;
	v8 =	vmovc v56;
	v56 =	vld [tilespmem:s28+$0x3000]  }
0xbf: {  	v30 =	vbroadcast v38, $0x6;
	v57 =	vadd.f32 v50, v49;
	v0 =	vadd.f32 v51, v0  }
0xc0: {  	v34 =	vmul.f32 v34, v4;
	v58 =	vadd.f32 v53, v47;
	v59 =	vmul.f32 v31, v26  }
0xc1: {  	v33 =	vadd.f32 v33, v35;
	v0 =	vadd.f32 v0, v57  }
0xc2: {  	v32 =	vmul.f32 v32, v30;
	v34 =	vadd.f32 v37, v34;
	v60 =	vadd.f32 v59, v58  }
0xc3: {  	v0 =	vadd.f32 v45, v0;
	v37 =	vadd.f32 v56, v52  }
0xc4: {  	v32 =	vadd.f32 v32, v34  }
0xc5: {  	v0 =	vadd.f32 v0, v60;
	v33 =	vadd.f32 v37, v33  }
0xc6: {  	s17 =	sor.u32 s3, s14  }
0xc7: {  	s29 =	sor.u32 s4, s17;
	[tilespmem:s25+$0x11400] =	vst v0;
	v0 =	vadd.f32 v33, v32  }
0xc8: {  	s13 =	sor.u32 $0x10, s11;
	v32 =	vld [tilespmem:s29+$0x9400]  }
0xc9: {  	s5 =	sor.u32 s13, s5;
	v62 =	vmul.f32 v36, v22;
	v61 =	vld [tilespmem:s29+$0x3000];
	[tilespmem:s28+$0x11400] =	vst v0  }
0xca: {  	v42 =	vmul.f32 v41, v4;
	v47 =	vmul.f32 v46, v24;
	v50 =	vld [tilespmem:s5+$0x200]  }
0xcb: {  	v45 =	vmul.f32 v44, v23;
	v0 =	vmul.f32 v43, v21;
	v48 =	vld [tilespmem:s5+$0x0]  }
0xcc: {  	v57 =	vmul.f32 v40, v28;
	v56 =	vmul.f32 v41, v27;
	v52 =	vld [tilespmem:s5+$0x80]  }
0xcd: {  	v55 =	vmul.f32 v46, v7;
	v58 =	vadd.f32 v47, v45;
	v49 =	vld [tilespmem:s5+$0x100];
	v0 =	vadd.f32 v62, v0  }
0xce: {  	v46 =	vmul.f32 v46, v2;
	v39 =	vmul.f32 v44, v5;
	v59 =	vadd.f32 v57, v56;
	v53 =	vld [tilespmem:s5+$0x180]  }
0xcf: {  	s21 =	sor.u32 s13, s0;
	v60 =	vmul.f32 v31, v29;
	s25 =	simm.s32 $0x200;
	v54 =	vld [tilespmem:s5+$0x280];
	v0 =	vadd.f32 v58, v0;
	v32 =	vadd.f32 v61, v32  }
0xd0: {  	s11 =	simm.s32 $0x40;
	s24 =	sadd.s32 $0x10, s2;
	v51 =	vmul.f32 v43, v1;
	v41 =	vmul.f32 v41, v10;
	s2 =	sand.u32 $0x1C00, s25;
	v37 =	vld [tilespmem:s21+$0x9400]  }
0xd1: {  	s0 =	sor.u32 $0x300, s24;
	v44 =	vmul.f32 v44, v63;
	v35 =	vadd.f32 v60, v59;
	s22 =	sadd.s32 $0x7000, s2;
	s5 =	sand.u32 $0x60, s11;
	v61 =	vld [tilespmem:s21+$0x3000];
	v0 =	vadd.f32 v32, v0  }
0xd2: {  	v34 =	vld [tilespmem:s0+$0x7000];
	s23 =	sor.u32 s5, s22;
	v62 =	vmul.f32 v48, v12;
	v56 =	vmul.f32 v52, v17  }
0xd3: {  	v45 =	vld [tilespmem:s23+$0x200];
	v60 =	vmul.f32 v49, v19;
	v57 =	vmul.f32 v53, v20;
	v0 =	vadd.f32 v0, v35  }
0xd4: {  	s19 =	sor.u32 s15, s14;
	v47 =	vmul.f32 v40, v6;
	v38 =	vld [tilespmem:s23+$0x0];
	v58 =	vmul.f32 v50, v25  }
0xd5: {  	s24 =	sor.u32 s4, s19;
	v59 =	vmul.f32 v54, v18;
	v32 =	vadd.f32 v56, v62;
	v56 =	vadd.f32 v57, v60;
	v35 =	vld [tilespmem:s23+$0x280];
	[tilespmem:s29+$0x11400] =	vst v0  }
0xd6: {  	s26 =	rddreg [dreg:$0x7];
	v44 =	vadd.f32 v46, v44;
	v33 =	vmul.f32 v36, v3;
	v0 =	vadd.f32 v61, v37;
	v57 =	vld [tilespmem:s24+$0x9400]  }
0xd7: {  	s28 =	rddreg [dreg:$0x8];
	s0 =	sor.u32 s26, s2;
	v37 =	vadd.f32 v59, v58;
	v58 =	vmul.f32 v34, v26;
	v32 =	vadd.f32 v56, v32;
	v59 =	vld [tilespmem:s24+$0x3000]  }
0xd8: {  	v47 =	vadd.f32 v47, v42;
	v43 =	vmul.f32 v43, v13;
	s16 =	sor.u32 s28, s0;
	v60 =	vmul.f32 v36, v11;
	v36 =	vld [tilespmem:s23+$0x80]  }
0xd9: {  	v62 =	vmul.f32 v40, v16;
	v40 =	vld [tilespmem:s23+$0x180];
	s29 =	sor.u32 s5, s16;
	v61 =	vadd.f32 v58, v37;
	v0 =	vadd.f32 v0, v32  }
0xda: {  	v33 =	vadd.f32 v33, v51;
	v43 =	vadd.f32 v60, v43;
	v56 =	vld [tilespmem:s29+$0x9400]  }
0xdb: {  	v42 =	vmul.f32 v49, v23;
	v41 =	vadd.f32 v62, v41;
	v37 =	vld [tilespmem:s23+$0x100];
	v0 =	vadd.f32 v0, v61  }
0xdc: {  	s2 =	simm.s32 $0x2;
	v43 =	vadd.f32 v44, v43;
	v58 =	vld [tilespmem:s29+$0x3000];
	[tilespmem:$0x1FF50] =	vst v12;
	v61 =	vmul.f32 v31, v8;
	v57 =	vadd.f32 v59, v57  }
0xdd: {  	s7 =	sor.u32 s13, s7;
	s25 =	sand.u32 $0x3, s2;
	v32 =	vmul.f32 v45, v25;
	v44 =	vadd.f32 v55, v39;
	v46 =	vmul.f32 v35, v18;
	[tilespmem:s21+$0x11400] =	vst v0  }
0xde: {  	s26 =	sshll.u32 s25, $0x5;
	v60 =	vmul.f32 v53, v24;
	v41 =	vadd.f32 v61, v41;
	v51 =	vld [tilespmem:s7+$0x3000];
	v62 =	vadd.f32 v57, v43  }
0xdf: {  	s23 =	sadd.s32 $0x200, s26;
	v55 =	vmul.f32 v48, v21;
	v32 =	vadd.f32 v46, v32;
	v46 =	vmul.f32 v50, v27;
	v43 =	vld [tilespmem:s7+$0x9400]  }
0xe0: {  	s21 =	sor.u32 $0x300, s23;
	v61 =	vmul.f32 v54, v28;
	v57 =	vmul.f32 v52, v22;
	v41 =	vadd.f32 v62, v41  }
0xe1: {  	v42 =	vadd.f32 v60, v42;
	v59 =	vmul.f32 v38, v12;
	v39 =	vld [tilespmem:s21+$0x7000];
	s21 =	sor.u32 s20, s14  }
0xe2: {  	v0 =	vmul.f32 v36, v17;
	s28 =	sor.u32 s4, s21;
	v46 =	vadd.f32 v61, v46;
	[tilespmem:s24+$0x11400] =	vst v41;
	v41 =	vadd.f32 v57, v55  }
0xe3: {  	v62 =	vmul.f32 v37, v19;
	v55 =	vadd.f32 v58, v56;
	v56 =	vmul.f32 v40, v20;
	v57 =	vld [tilespmem:s28+$0x9400]  }
0xe4: {  	v60 =	vmul.f32 v34, v29;
	v58 =	vld [tilespmem:s28+$0x3000];
	v43 =	vadd.f32 v51, v43;
	v42 =	vadd.f32 v42, v41  }
0xe5: {  	v0 =	vadd.f32 v0, v59;
	v56 =	vadd.f32 v56, v62  }
0xe6: {  	v46 =	vadd.f32 v60, v46;
	v61 =	vmul.f32 v39, v26;
	v43 =	vadd.f32 v43, v42  }
0xe7: {  	v33 =	vadd.f32 v44, v33;
	v0 =	vadd.f32 v56, v0  }
0xe8: {  	v31 =	vmul.f32 v31, v30;
	v32 =	vadd.f32 v61, v32;
	v46 =	vadd.f32 v43, v46  }
0xe9: {  	v0 =	vadd.f32 v55, v0;
	v62 =	vadd.f32 v58, v57  }
0xea: {  	s6 =	sor.u32 s13, s6;
	v31 =	vadd.f32 v31, v47;
	[tilespmem:s7+$0x11400] =	vst v46  }
0xeb: {  	v59 =	vmul.f32 v54, v16;
	v0 =	vadd.f32 v0, v32;
	v33 =	vadd.f32 v62, v33;
	v46 =	vld [tilespmem:s6+$0x9400]  }
0xec: {  	v51 =	vmul.f32 v48, v13;
	v56 =	vmul.f32 v52, v11;
	v47 =	vld [tilespmem:s6+$0x3000]  }
0xed: {  	s7 =	sor.u32 s3, s0;
	[tilespmem:s29+$0x11400] =	vst v0;
	v0 =	vadd.f32 v33, v31;
	v31 =	vmul.f32 v49, v63;
	v33 =	vmul.f32 v53, v2  }
0xee: {  	v14 =	vmov v63;
	v58 =	vmul.f32 v50, v10;
	v32 =	vmul.f32 v38, v21;
	s14 =	sor.u32 s5, s7  }
0xef: {  	s4 =	sor.u32 $0x10, s4;
	v63 =	vmul.f32 v36, v22;
	v57 =	vld [tilespmem:s14+$0x9400];
	[tilespmem:s28+$0x11400] =	vst v0;
	v0 =	vadd.f32 v56, v51;
	v31 =	vadd.f32 v33, v31  }
0xf0: {  	s9 =	sor.u32 s4, s9;
	v61 =	vld [tilespmem:s14+$0x3000];
	v33 =	vmul.f32 v37, v23;
	v51 =	vmul.f32 v40, v24;
	v56 =	vadd.f32 v59, v58  }
0xf1: {  	v60 =	vld [tilespmem:s9+$0x9400];
	v46 =	vadd.f32 v47, v46;
	v0 =	vadd.f32 v31, v0;
	v47 =	vmul.f32 v34, v8  }
0xf2: {  	s1 =	sor.u32 s4, s1;
	v58 =	vadd.f32 v63, v32;
	v62 =	vld [tilespmem:s9+$0x3000];
	v33 =	vadd.f32 v51, v33  }
0xf3: {  	v32 =	vld [tilespmem:s1+$0x200];
	v0 =	vadd.f32 v46, v0;
	v47 =	vadd.f32 v47, v56  }
0xf4: {  	v55 =	vmul.f32 v45, v27;
	v63 =	vmul.f32 v35, v28;
	v31 =	vld [tilespmem:s1+$0x0]  }
0xf5: {  	v58 =	vadd.f32 v33, v58;
	v33 =	vld [tilespmem:s1+$0x80];
	v0 =	vadd.f32 v0, v47  }
0xf6: {  	v56 =	vadd.f32 v63, v55;
	v63 =	vmul.f32 v39, v29;
	v46 =	vld [tilespmem:s1+$0x100];
	[tilespmem:$0x1FF60] =	vst v10  }
0xf7: {  	v44 =	vmul.f32 v36, v3;
	v41 =	vmul.f32 v45, v4;
	v57 =	vadd.f32 v61, v57;
	v47 =	vld [tilespmem:s1+$0x180];
	[tilespmem:s6+$0x11400] =	vst v0  }
0xf8: {  	v61 =	vadd.f32 v63, v56;
	v63 =	vmul.f32 v45, v10;
	v45 =	vmul.f32 v34, v30;
	v34 =	vld [tilespmem:s1+$0x280];
	[tilespmem:$0x1FF70] =	vst v4  }
0xf9: {  	v15 =	vmov v2;
	v42 =	vmul.f32 v35, v6;
	v43 =	vmul.f32 v38, v1;
	s1 =	sor.u32 s13, s12;
	[tilespmem:$0x1FF80] =	vst v6  }
0xfa: {  	v53 =	vmul.f32 v53, v7;
	v2 =	vadd.f32 v57, v58;
	v57 =	vmul.f32 v54, v6;
	v54 =	vld [tilespmem:s1+$0x9400];
	[tilespmem:$0x1FF90] =	vst v1  }
0xfb: {  	v9 =	vmov v8;
	v59 =	vmul.f32 v52, v3;
	v51 =	vmul.f32 v37, v5;
	[tilespmem:$0x1FFA0] =	vst v3  }
0xfc: {  	v12 =	vmovc v13;
	v13 =	vmov v11;
	s29 =	sadd.s32 $0x10, s10;
	v55 =	vmul.f32 v40, v7;
	v56 =	vmul.f32 v50, v4;
	v52 =	vld [tilespmem:s1+$0x3000];
	[tilespmem:$0x1FFB0] =	vst v5  }
0xfd: {  	s10 =	simm.s32 $0x4;
	v58 =	vmul.f32 v48, v1;
	s12 =	simm.s32 $0x300;
	v0 =	vadd.f32 v2, v61;
	s6 =	sor.u32 $0x300, s29;
	v61 =	vmul.f32 v49, v5;
	[tilespmem:$0x1FFC0] =	vst v7  }
.LBB2_9:
0xfe: {  	v5 =	vld [tilespmem:$0x1FF50];
	_ =	sdelay $0x1  }
0xff: {  	s18 =	sand.u32 $0x1C00, s12;
	s11 =	sadd.s32 $0x20, s11;
	v6 =	vmul.f32 v33, v17;
	v40 =	vmul.f32 v40, v15;
	v56 =	vadd.f32 v57, v56  }
0x100: {  	v50 =	vld [tilespmem:s6+$0x7000];
	s13 =	sand.u32 $0x60, s11;
	s6 =	sadd.s32 $0x7000, s18;
	v57 =	vmul.f32 v32, v25;
	v58 =	vadd.f32 v59, v58;
	v53 =	vadd.f32 v53, v61  }
0x101: {  	v61 =	vmul.f32 v36, v13;
	v43 =	vadd.f32 v44, v43;
	s26 =	sor.u32 s13, s6;
	v48 =	vmovc v46;
	v1 =	vmul.f32 v47, v20  }
0x102: {  	v44 =	vadd.f32 v55, v51;
	v49 =	vmovc v47;
	v47 =	vld [tilespmem:s26+$0x200];
	v46 =	vmul.f32 v48, v19;
	v4 =	vmul.f32 v31, v5  }
0x103: {  	v2 =	vadd.f32 v62, v60;
	v60 =	vld [tilespmem:s26+$0x280];
	[tilespmem:s14+$0x11400] =	vst v0;
	v0 =	vmul.f32 v38, v12;
	v45 =	vadd.f32 v45, v56  }
0x104: {  	s24 =	sor.u32 s15, s0;
	v7 =	vmul.f32 v34, v18;
	v1 =	vadd.f32 v1, v46;
	v59 =	vadd.f32 v6, v4  }
0x105: {  	s28 =	sor.u32 s5, s24;
	v62 =	vmul.f32 v37, v14;
	v4 =	vadd.f32 v52, v54;
	v6 =	vadd.f32 v53, v58  }
0x106: {  	v56 =	vld [tilespmem:s28+$0x3000];
	v0 =	vadd.f32 v61, v0;
	v46 =	vadd.f32 v7, v57;
	v7 =	vmul.f32 v50, v26  }
0x107: {  	v53 =	vld [tilespmem:s28+$0x9400];
	v1 =	vadd.f32 v1, v59;
	v52 =	vadd.f32 v4, v6  }
0x108: {  	s29 =	rddreg [dreg:$0x7];
	v37 =	vld [tilespmem:s26+$0x100];
	v46 =	vadd.f32 v7, v46;
	v7 =	vadd.f32 v40, v62  }
0x109: {  	s25 =	rddreg [dreg:$0x8];
	s29 =	sor.u32 s29, s18;
	v51 =	vmul.f32 v31, v21;
	v38 =	vld [tilespmem:s26+$0x0];
	v1 =	vadd.f32 v2, v1;
	v2 =	vadd.f32 v52, v45  }
0x10a: {  	s25 =	sor.u32 s25, s29;
	v36 =	vld [tilespmem:s26+$0x80];
	v58 =	vadd.f32 v42, v41;
	v41 =	vmul.f32 v48, v23;
	v4 =	vmul.f32 v35, v16  }
0x10b: {  	s14 =	sor.u32 s13, s25;
	v40 =	vld [tilespmem:s26+$0x180];
	v62 =	vmul.f32 v39, v9;
	v0 =	vadd.f32 v7, v0;
	v1 =	vadd.f32 v1, v46;
	[tilespmem:s1+$0x11400] =	vst v2  }
0x10c: {  	v6 =	vmul.f32 v47, v25;
	v35 =	vmovc v60;
	v54 =	vadd.f32 v4, v63;
	v61 =	vadd.f32 v56, v53;
	v2 =	vld [tilespmem:s14+$0x9400]  }
0x10d: {  	s2 =	sadd.s32 $0x1, s2;
	v60 =	vmul.f32 v35, v18;
	v7 =	vmul.f32 v37, v19;
	v53 =	vld [tilespmem:s14+$0x3000];
	[tilespmem:s9+$0x11400] =	vst v1;
	s9 =	sor.u32 s4, s17  }
0x10e: {  	v52 =	vmul.f32 v33, v22;
	s1 =	sand.u32 $0x3, s2;
	v63 =	vadd.f32 v62, v54;
	v0 =	vadd.f32 v61, v0;
	v42 =	vld [tilespmem:s9+$0x9400]  }
0x10f: {  	v4 =	vmul.f32 v49, v24;
	v56 =	vmul.f32 v38, v5;
	v45 =	vadd.f32 v60, v6;
	s26 =	sshll.u32 s1, $0x5;
	v46 =	vld [tilespmem:s9+$0x3000]  }
0x110: {  	v5 =	vmul.f32 v32, v27;
	v6 =	vmul.f32 v34, v28;
	s18 =	sadd.s32 s26, s12;
	v0 =	vadd.f32 v0, v63  }
0x111: {  	v41 =	vadd.f32 v4, v41;
	v61 =	vmul.f32 v40, v20;
	s17 =	smov.u32 s7;
	v1 =	vmul.f32 v36, v17;
	s26 =	sor.u32 s20, s0;
	s7 =	sor.u32 $0x300, s18  }
0x112: {  	v62 =	vadd.f32 v6, v5;
	v55 =	vld [tilespmem:s7+$0x7000];
	[tilespmem:s28+$0x11400] =	vst v0;
	s28 =	sor.u32 s5, s26;
	v0 =	vadd.f32 v52, v51  }
0x113: {  	v1 =	vadd.f32 v1, v56;
	v51 =	vadd.f32 v61, v7;
	v52 =	vld [tilespmem:s28+$0x9400]  }
0x114: {  	v63 =	vmul.f32 v50, v29;
	v54 =	vld [tilespmem:s28+$0x3000];
	v0 =	vadd.f32 v41, v0;
	v42 =	vadd.f32 v46, v42  }
0x115: {  	v2 =	vadd.f32 v53, v2;
	v1 =	vadd.f32 v51, v1  }
0x116: {  	v46 =	vadd.f32 v63, v62;
	v0 =	vadd.f32 v42, v0  }
0x117: {  	v10 =	vld [tilespmem:$0x1FF80];
	v61 =	vadd.f32 v44, v43;
	v60 =	vmul.f32 v55, v26  }
0x118: {  	v5 =	vld [tilespmem:$0x1FF90];
	v62 =	vmul.f32 v39, v30;
	v1 =	vadd.f32 v2, v1;
	v0 =	vadd.f32 v0, v46  }
0x119: {  	v6 =	vld [tilespmem:$0x1FFA0];
	v45 =	vadd.f32 v60, v45;
	v2 =	vadd.f32 v54, v52  }
0x11a: {  	s1 =	sor.u32 s4, s19;
	v7 =	vld [tilespmem:$0x1FF70];
	v63 =	vadd.f32 v62, v58;
	[tilespmem:s9+$0x11400] =	vst v0  }
0x11b: {  	v2 =	vadd.f32 v2, v61;
	v0 =	vadd.f32 v1, v45;
	v45 =	vld [tilespmem:s1+$0x9400]  }
0x11c: {  	v57 =	vmul.f32 v34, v16;
	v51 =	vld [tilespmem:s1+$0x3000]  }
0x11d: {  	v59 =	vmul.f32 v36, v22;
	v4 =	vmul.f32 v49, v15;
	[tilespmem:s14+$0x11400] =	vst v0;
	v0 =	vadd.f32 v2, v63;
	v63 =	vld [tilespmem:$0x1FF60]  }
0x11e: {  	s0 =	smov.u32 s29;
	v43 =	vmul.f32 v38, v5;
	v44 =	vmul.f32 v36, v6  }
0x11f: {  	v8 =	vld [tilespmem:$0x1FFB0];
	s7 =	sor.u32 s3, s0;
	v53 =	vmul.f32 v31, v12;
	v41 =	vmul.f32 v47, v7  }
0x120: {  	v11 =	vld [tilespmem:$0x1FFC0];
	v54 =	vmul.f32 v33, v13;
	s14 =	sor.u32 s13, s7;
	v2 =	vmul.f32 v48, v14  }
0x121: {  	v39 =	vmov v55;
	v42 =	vmul.f32 v35, v10;
	v52 =	vmul.f32 v37, v23;
	v55 =	vld [tilespmem:s14+$0x9400]  }
0x122: {  	s29 =	sor.u32 $0x10, s5;
	v58 =	vld [tilespmem:s14+$0x3000];
	[tilespmem:s28+$0x11400] =	vst v0;
	v0 =	vadd.f32 v54, v53;
	v2 =	vadd.f32 v4, v2;
	v56 =	vmul.f32 v32, v63  }
0x123: {  	v1 =	vmul.f32 v38, v21;
	s9 =	sor.u32 s29, s16;
	v4 =	vmul.f32 v40, v24;
	v45 =	vadd.f32 v51, v45  }
0x124: {  	v60 =	vld [tilespmem:s9+$0x9400];
	v0 =	vadd.f32 v2, v0;
	v2 =	vmul.f32 v50, v9;
	v57 =	vadd.f32 v57, v56  }
0x125: {  	v46 =	vmul.f32 v47, v27;
	v1 =	vadd.f32 v59, v1;
	s28 =	sor.u32 s29, s22;
	v62 =	vld [tilespmem:s9+$0x3000];
	v52 =	vadd.f32 v4, v52  }
0x126: {  	v53 =	vmul.f32 v49, v11;
	v61 =	vld [tilespmem:s28+$0x200];
	v0 =	vadd.f32 v45, v0;
	v2 =	vadd.f32 v2, v57  }
0x127: {  	s10 =	sadd.s32 $0x2, s10;
	v3 =	vld [tilespmem:s28+$0x0];
	v51 =	vmul.f32 v37, v8;
	v56 =	vmul.f32 v35, v28  }
0x128: {  	p0 =	slt.u32 s10, $0x3E;
	v4 =	vld [tilespmem:s28+$0x80];
	v63 =	vmul.f32 v47, v63;
	v1 =	vadd.f32 v52, v1;
	v0 =	vadd.f32 v0, v2  }
.Ltmp5:
0x129: {  	v47 =	vld [tilespmem:s28+$0x180];
	v59 =	vadd.f32 v58, v55;
	v45 =	vadd.f32 v56, v46;
	v57 =	vmul.f32 v39, v29;
	(pc) =	sbr.rel @p0 .LBB2_9-.Ltmp5, $4  }
0x12a: {  	s19 =	smov.u32 s24;
	s12 =	sadd.s32 $0x100, s12;
	v55 =	vmul.f32 v40, v11;
	v58 =	vmul.f32 v31, v5;
	v46 =	vld [tilespmem:s28+$0x100];
	[tilespmem:s1+$0x11400] =	vst v0  }
0x12b: {  	s5 =	smov.u32 s13;
	s16 =	smov.u32 s25;
	v1 =	vadd.f32 v59, v1;
	v2 =	vadd.f32 v57, v45;
	v57 =	vmul.f32 v34, v10;
	s1 =	sor.u32 s4, s21;
	v34 =	vld [tilespmem:s28+$0x280]  }
0x12c: {  	s22 =	smov.u32 s6;
	v59 =	vmul.f32 v33, v6;
	v31 =	vmovc v3;
	v56 =	vmul.f32 v32, v7;
	v32 =	vmov v61;
	s4 =	smov.u32 s29;
	s29 =	sadd.s32 $0x10, s23;
	v54 =	vld [tilespmem:s1+$0x9400]  }
0x12d: {  	v61 =	vmul.f32 v48, v8;
	v33 =	vmovc v4;
	v45 =	vmul.f32 v50, v30;
	s21 =	smov.u32 s26;
	s23 =	smov.u32 s18;
	v0 =	vadd.f32 v1, v2;
	s6 =	sor.u32 $0x300, s29;
	v52 =	vld [tilespmem:s1+$0x3000]  }
0x12e: {  	s3 =	sor.u32 s15, s0  }
0x12f: {  	[tilespmem:s14+$0x11400] =	vst v0;
	s2 =	sor.u32 s5, s3  }
0x130: {  	v0 =	vld [tilespmem:s2+$0x9400]  }
0x131: {  	v1 =	vmul.f32 v38, v12;
	v3 =	vmul.f32 v36, v13;
	v2 =	vld [tilespmem:s2+$0x3000]  }
0x132: {  	v4 =	vmul.f32 v37, v14;
	v10 =	vmul.f32 v40, v15  }
0x133: {  	v35 =	vmul.f32 v35, v16  }
0x134: {  	v1 =	vadd.f32 v3, v1;
	v11 =	vadd.f32 v10, v4  }
0x135: {  	v6 =	vmov v16;
	v16 =	vadd.f32 v35, v63  }
0x136: {  	v35 =	vmul.f32 v39, v9;
	v1 =	vadd.f32 v11, v1;
	v0 =	vadd.f32 v2, v0;
	_ =	sdelay $0x1  }
0x137: {  	v36 =	vadd.f32 v35, v16;
	v0 =	vadd.f32 v0, v1;
	_ =	sdelay $0x1  }
0x138: {  	v0 =	vadd.f32 v0, v36  }
0x139: {  	s18 =	sor.u32 s20, s0  }
0x13a: {  	s10 =	sor.u32 s5, s18;
	[tilespmem:s2+$0x11400] =	vst v0  }
0x13b: {  	v0 =	vld [tilespmem:s10+$0x9400]  }
0x13c: {  	v37 =	vld [tilespmem:s10+$0x3000];
	_ =	sdelay $0x2  }
0x13d: {  	v38 =	vadd.f32 v44, v43;
	v40 =	vadd.f32 v55, v51  }
0x13e: {  	v41 =	vadd.f32 v42, v41  }
0x13f: {  	v42 =	vmul.f32 v39, v30;
	v2 =	vadd.f32 v40, v38;
	v0 =	vadd.f32 v37, v0;
	_ =	sdelay $0x1  }
0x140: {  	v43 =	vadd.f32 v42, v41;
	v0 =	vadd.f32 v0, v2;
	_ =	sdelay $0x1  }
0x141: {  	v0 =	vadd.f32 v0, v43;
	_ =	sdelay $0x1  }
0x142: {  	[tilespmem:s10+$0x11400] =	vst v0  }
0x143: {  	v5 =	vld [tilespmem:$0x1FF50]  }
0x144: {  	s20 =	sor.u32 $0x10, s5  }
0x145: {  	s22 =	sor.u32 s20, s22;
	v35 =	vld [tilespmem:s6+$0x7000]  }
0x146: {  	v36 =	vld [tilespmem:s22+$0x0]  }
0x147: {  	v48 =	vmul.f32 v33, v17;
	v50 =	vmul.f32 v47, v20;
	v37 =	vld [tilespmem:s22+$0x80]  }
0x148: {  	v49 =	vmul.f32 v46, v19;
	v38 =	vld [tilespmem:s22+$0x100];
	v44 =	vmul.f32 v31, v5  }
0x149: {  	v51 =	vmul.f32 v32, v25;
	v63 =	vmul.f32 v34, v18;
	v39 =	vld [tilespmem:s22+$0x180]  }
0x14a: {  	v55 =	vadd.f32 v50, v49;
	v41 =	vld [tilespmem:s22+$0x200];
	v0 =	vadd.f32 v48, v44  }
0x14b: {  	s24 =	sadd.s32 $0x10, s23;
	s5 =	sor.u32 s20, s16;
	v3 =	vadd.f32 v63, v51;
	v10 =	vmul.f32 v35, v26;
	v42 =	vld [tilespmem:s22+$0x280]  }
0x14c: {  	v8 =	vadd.f32 v62, v60;
	s6 =	sor.u32 $0x300, s24;
	v2 =	vld [tilespmem:s5+$0x9400];
	v0 =	vadd.f32 v55, v0  }
0x14d: {  	v11 =	vadd.f32 v10, v3;
	v40 =	vld [tilespmem:s6+$0x7000]  }
0x14e: {  	v49 =	vmul.f32 v37, v17;
	v50 =	vmul.f32 v38, v19;
	v44 =	vld [tilespmem:s5+$0x3000];
	v0 =	vadd.f32 v8, v0  }
0x14f: {  	v51 =	vmul.f32 v39, v20;
	v48 =	vmul.f32 v36, v5  }
0x150: {  	v62 =	vmul.f32 v42, v18;
	v55 =	vmul.f32 v41, v25;
	v0 =	vadd.f32 v0, v11  }
0x151: {  	v1 =	vadd.f32 v51, v50;
	v60 =	vadd.f32 v49, v48  }
0x152: {  	s25 =	sor.u32 s4, s17;
	v10 =	vmul.f32 v33, v22;
	v4 =	vadd.f32 v62, v55;
	[tilespmem:s9+$0x11400] =	vst v0  }
0x153: {  	v25 =	vmul.f32 v40, v26;
	v2 =	vadd.f32 v44, v2;
	v0 =	vadd.f32 v1, v60;
	v63 =	vld [tilespmem:s25+$0x9400]  }
0x154: {  	v43 =	vmul.f32 v47, v24;
	v8 =	vmul.f32 v31, v21;
	v11 =	vld [tilespmem:s25+$0x3000]  }
0x155: {  	v26 =	vmul.f32 v46, v23;
	v4 =	vadd.f32 v25, v4;
	v0 =	vadd.f32 v2, v0  }
0x156: {  	v48 =	vmul.f32 v32, v27;
	v49 =	vmul.f32 v34, v28;
	v44 =	vadd.f32 v10, v8  }
0x157: {  	v1 =	vadd.f32 v43, v26;
	v0 =	vadd.f32 v0, v4  }
0x158: {  	v50 =	vadd.f32 v49, v48  }
0x159: {  	s26 =	sor.u32 s20, s7;
	v51 =	vmul.f32 v35, v29;
	v1 =	vadd.f32 v1, v44;
	v3 =	vadd.f32 v11, v63;
	[tilespmem:s5+$0x11400] =	vst v0  }
0x15a: {  	v8 =	vmul.f32 v37, v22;
	v60 =	vld [tilespmem:s26+$0x9400]  }
0x15b: {  	v10 =	vmul.f32 v38, v23;
	v2 =	vadd.f32 v51, v50;
	v62 =	vld [tilespmem:s26+$0x3000];
	v55 =	vadd.f32 v3, v1  }
0x15c: {  	v63 =	vmul.f32 v36, v21;
	v11 =	vmul.f32 v39, v24  }
0x15d: {  	v22 =	vmul.f32 v42, v28;
	v21 =	vmul.f32 v41, v27;
	v0 =	vadd.f32 v55, v2  }
0x15e: {  	v4 =	vadd.f32 v8, v63;
	v23 =	vadd.f32 v11, v10  }
0x15f: {  	v48 =	vmul.f32 v31, v12;
	v2 =	vadd.f32 v22, v21;
	[tilespmem:s25+$0x11400] =	vst v0  }
0x160: {  	s28 =	sor.u32 s4, s19;
	v26 =	vmul.f32 v40, v29;
	v25 =	vadd.f32 v23, v4;
	v24 =	vadd.f32 v62, v60;
	v55 =	vld [tilespmem:$0x1FF60]  }
0x161: {  	v50 =	vmul.f32 v46, v14;
	v51 =	vmul.f32 v47, v15;
	v28 =	vld [tilespmem:s28+$0x9400]  }
0x162: {  	v49 =	vmul.f32 v33, v13;
	v43 =	vadd.f32 v26, v2;
	v29 =	vld [tilespmem:s28+$0x3000];
	v0 =	vadd.f32 v24, v25  }
0x163: {  	v27 =	vadd.f32 v57, v56;
	v57 =	vadd.f32 v51, v50  }
0x164: {  	v3 =	vadd.f32 v49, v48;
	v0 =	vadd.f32 v0, v43  }
0x165: {  	v44 =	vadd.f32 v59, v58;
	v58 =	vmul.f32 v34, v6;
	v56 =	vmul.f32 v32, v55  }
0x166: {  	s3 =	sor.u32 s20, s3;
	v59 =	vmul.f32 v35, v9;
	v3 =	vadd.f32 v57, v3;
	[tilespmem:s26+$0x11400] =	vst v0  }
0x167: {  	v10 =	vmul.f32 v36, v12;
	v16 =	vadd.f32 v29, v28;
	v60 =	vld [tilespmem:s3+$0x9400];
	v0 =	vadd.f32 v58, v56  }
0x168: {  	v53 =	vadd.f32 v53, v61;
	v11 =	vmul.f32 v37, v13;
	v63 =	vmul.f32 v39, v15;
	v61 =	vld [tilespmem:s3+$0x3000]  }
0x169: {  	v62 =	vmul.f32 v38, v14;
	v3 =	vadd.f32 v16, v3;
	v0 =	vadd.f32 v59, v0  }
0x16a: {  	v7 =	vmul.f32 v42, v6;
	v10 =	vadd.f32 v11, v10;
	v5 =	vmul.f32 v41, v55  }
0x16b: {  	v16 =	vadd.f32 v63, v62;
	v0 =	vadd.f32 v3, v0  }
0x16c: {  	v17 =	vadd.f32 v7, v5  }
0x16d: {  	v7 =	vmul.f32 v40, v9;
	v10 =	vadd.f32 v16, v10;
	v20 =	vadd.f32 v61, v60;
	[tilespmem:s28+$0x11400] =	vst v0  }
0x16e: {  	v28 =	vld [tilespmem:$0x1FF80]  }
0x16f: {  	v23 =	vadd.f32 v7, v17;
	v22 =	vadd.f32 v20, v10;
	_ =	sdelay $0x1  }
0x170: {  	v26 =	vld [tilespmem:$0x1FF70];
	v2 =	vadd.f32 v22, v23  }
0x171: {  	v1 =	vadd.f32 v53, v44;
	v44 =	vld [tilespmem:$0x1FFA0]  }
0x172: {  	v29 =	vmul.f32 v34, v28;
	v34 =	vld [tilespmem:$0x1FF90];
	[tilespmem:s3+$0x11400] =	vst v2  }
0x173: {  	v8 =	vld [tilespmem:$0x1FFB0]  }
0x174: {  	v54 =	vadd.f32 v52, v54;
	v48 =	vld [tilespmem:$0x1FFC0]  }
0x175: {  	s29 =	sor.u32 s4, s21;
	v4 =	vadd.f32 v45, v27;
	v27 =	vmul.f32 v32, v26  }
0x176: {  	v24 =	vadd.f32 v54, v1;
	v25 =	vld [tilespmem:s29+$0x9400];
	v45 =	vmul.f32 v33, v44;
	v52 =	vmul.f32 v37, v44  }
0x177: {  	s0 =	sor.u32 s20, s18;
	v32 =	vld [tilespmem:s29+$0x3000];
	v55 =	vmul.f32 v41, v26;
	v56 =	vmul.f32 v42, v28  }
0x178: {  	v0 =	vadd.f32 v24, v4;
	v50 =	vld [tilespmem:s0+$0x9400];
	v43 =	vmul.f32 v31, v34;
	v51 =	vmul.f32 v36, v34  }
0x179: {  	v53 =	vld [tilespmem:s0+$0x3000];
	v3 =	vadd.f32 v29, v27;
	v46 =	vmul.f32 v46, v8;
	v49 =	vmul.f32 v47, v48  }
0x17a: {  	v59 =	vadd.f32 v56, v55;
	v54 =	vmul.f32 v38, v8;
	v9 =	vmul.f32 v39, v48  }
0x17b: {  	v4 =	vadd.f32 v45, v43;
	v2 =	vadd.f32 v49, v46  }
0x17c: {  	v57 =	vadd.f32 v52, v51;
	v6 =	vadd.f32 v9, v54  }
0x17d: {  	v58 =	vmul.f32 v35, v30;
	v1 =	vadd.f32 v32, v25;
	v2 =	vadd.f32 v2, v4  }
0x17e: {  	s8 =	sadd.s32 $0x1, s8;
	v60 =	vmul.f32 v40, v30;
	v7 =	vadd.f32 v53, v50;
	v6 =	vadd.f32 v6, v57  }
0x17f: {  	p0 =	sne.s32 s8, $0x4;
	v3 =	vadd.f32 v58, v3;
	v1 =	vadd.f32 v1, v2  }
.Ltmp6:
0x180: {  	v61 =	vadd.f32 v60, v59;
	v62 =	vadd.f32 v7, v6;
	(pc) =	sbr.rel @p0 .LBB2_8-.Ltmp6, $4  }
0x181: {  	v1 =	vadd.f32 v1, v3  }
0x182: {  	[tilespmem:s1+$0x11400] =	vst v0;
	v63 =	vadd.f32 v62, v61  }
0x183: {  	[tilespmem:s29+$0x11400] =	vst v1  }
0x184: {  	[tilespmem:s0+$0x11400] =	vst v63  }
0x185: {  	s3 =	sld [smem:$0x7FC];
	_ =	sdelay $0x2  }
0x186: {  	s1 =	smul.u32 $0xE0000, s3  }
0x187: {  	s0 =	rddreg [dreg:$0x17]  }
0x188: {  	s0 =	sadd.s32 s0, s1  }
0x189: {  	s0 =	sshrl.u32 s0, $0x3  }
0x18a: {  	s29 =	simm.s32 $0x0;
	s2 =	simm.s32 $0x11400;
	s0 =	sadd.s32 s31, s0  }
0x18b: {  	[hbm4b:s0+s29] =	stream.linear.scatter [tilespmem:s2], [sflag:$0x3], $0x4000, $0x38;
	[tilespmem:$0x19400] =	vst v63  }
0x18c: {  	s0 =	sld [smem:$0x7FD];
	_ =	sdelay $0x1  }
0x18d: {  	p0 =	seq.s32 s3, $0x1F  }
0x18e: {  	s0 =	sadd.s32 @!p0 $0x2, s0  }
0x18f: {  	[smem:$0x7FB] =	sst s1;
	s1 =	sshll.u32 @!p0 s0, $0x7  }
0x190: {  	s1 =	sand.u32 @!p0 $0x3FFFFF80, s1  }
0x191: {  	v0 =	vld @!p0 [tilespmem:s1+$0x0];
	_ =	sdelay $0x4  }
0x192: {  	v1 =	vshll.u32 @!p0 v0, $0x3  }
0x193: {  	v2 =	vlaneseq.u32 @!p0;
	v0 =	vand.u32 @!p0 $0x7, v0;
	v1 =	vand.u32 @!p0 $0xFFFFFFC0, v1  }
0x194: {  	v3 =	vshrl.u32 @!p0 v2, $0x3;
	v0 =	vor.u32 @!p0 v0, v1;
	v1 =	vand.u32 @!p0 $0x7, v2  }
0x195: {  	v3 =	vmul.u32 @!p0 $0x8, v3;
	v1 =	vperm.xlane @!p0 v0, v1;
	_ =	sdelay $0x1  }
0x196: {  	v1 =	vadd.s32 @!p0 v3, v1;
	_ =	sdelay $0x3  }
0x197: {  	vm1 =	vmmov @!p0 $0xffff;
	s2 =	simm.s32 @!p0 $0x9400;
	s1 =	simm.s32 @!p0 $0x0  }
0x198: {  	v2 =	vor.u32 @!p0 $0x8, v2;
	[tilespmem:s2], [sflag:$0x1] =	stream.indirect_vreg.gather @!p0 [hbm4b:s30+s1], $0x80, v1, vm1, $0xb8;
	[tilespmem:$0x19400] =	vst v63  }
0x199: {  	s3 =	rddreg [dreg:$0x15];
	v0 =	vperm.xlane @!p0 v0, v2;
	s2 =	simm.s32 @!p0 $0x9C00  }
0x19a: {  	[tilespmem:s2], [sflag:$0x1] =	stream.indirect_vreg.gather @!p0 [hbm4b:s3+s1], $0x80, v1, vm1, $0xb8;
	[tilespmem:$0x19400] =	vst v63  }
0x19b: {  	s4 =	rddreg [dreg:$0x16];
	v0 =	vadd.s32 @!p0 v3, v0;
	s2 =	simm.s32 @!p0 $0xA400  }
0x19c: {  	[tilespmem:s2], [sflag:$0x1] =	stream.indirect_vreg.gather @!p0 [hbm4b:s4+s1], $0x80, v1, vm1, $0xb8;
	[tilespmem:$0x19400] =	vst v63  }
0x19d: {  	s5 =	rddreg [dreg:$0x18];
	s2 =	simm.s32 @!p0 $0xAC00  }
0x19e: {  	[tilespmem:s2], [sflag:$0x1] =	stream.indirect_vreg.gather @!p0 [hbm4b:s5+s1], $0x80, v1, vm1, $0xb8;
	[tilespmem:$0x19400] =	vst v63  }
0x19f: {  	s2 =	simm.s32 @!p0 $0xB400  }
0x1a0: {  	[tilespmem:s2], [sflag:$0x1] =	stream.indirect_vreg.gather @!p0 [hbm4b:s30+s1], $0x80, v0, vm1, $0xb8;
	[tilespmem:$0x19400] =	vst v63  }
0x1a1: {  	s2 =	simm.s32 @!p0 $0xBC00  }
0x1a2: {  	[tilespmem:s2], [sflag:$0x1] =	stream.indirect_vreg.gather @!p0 [hbm4b:s3+s1], $0x80, v0, vm1, $0xb8;
	[tilespmem:$0x19400] =	vst v63  }
0x1a3: {  	s2 =	simm.s32 @!p0 $0xC400  }
0x1a4: {  	[tilespmem:s2], [sflag:$0x1] =	stream.indirect_vreg.gather @!p0 [hbm4b:s4+s1], $0x80, v0, vm1, $0xb8;
	[tilespmem:$0x19400] =	vst v63  }
0x1a5: {  	s2 =	simm.s32 @!p0 $0xCC00  }
0x1a6: {  	[tilespmem:s2], [sflag:$0x1] =	stream.indirect_vreg.gather @!p0 [hbm4b:s5+s1], $0x80, v0, vm1, $0xb8;
	[tilespmem:$0x19400] =	vst v63  }
0x1a7: {  	s0 =	sshll.u32 @!p0 s0, $0xB;
	s2 =	rddreg [dreg:$0x1a]  }
0x1a8: {  	s0 =	sadd.s32 @!p0 s2, s0  }
0x1a9: {  	s2 =	rddreg [dreg:$0x13];
	s0 =	sshrl.u32 @!p0 s0, $0x3  }
0x1aa: {  	s30 =	simm.s32 $0x2;
	s0 =	sadd.s32 @!p0 s2, s0;
	s2 =	simm.s32 @!p0 $0x2000  }
0x1ab: {  	[tilespmem:s2], [sflag:$0x5] =	stream.linear.gather @!p0 [hbm4b:s0+s1], $0x800, $0x38;
	[tilespmem:$0x19400] =	vst v63  }
0x1ac: {  	_ =	swait.ge [sflag:s30], $0x4000  }
0x1ad: {  	[sflag:s30] =	ssyncset.done $0x0  }
0x1ae: {  	s31 =	simm.s32 $0x6;
	[sflag:s30] =	ssyncadd.s32 $0xFFFFC000  }
0x1af: {  	_ =	swait.ge [sflag:s31], $0x800  }
0x1b0: {  	[sflag:s31] =	ssyncset.done $0x0  }
0x1b1: {  	s0 =	simm.s32 @!p1 $0x4;
	[sflag:s31] =	ssyncadd.s32 $0xFFFFF800  }
0x1b2: {  	_ =	swait.ge @!p1 [sflag:s0], $0x4000  }
0x1b3: {  	[sflag:s0] =	ssyncset.done @!p1 $0x0  }
0x1b4: {  	s2 =	simm.s32 $0x0;
	[sflag:s0] =	ssyncadd.s32 @!p1 $0xFFFFC000  }
.LBB2_12:
0x1b5: {  	s0 =	sshll.u32 s2, $0xC;
	[smem:$0x7FA] =	sst s2;
	s1 =	sshll.u32 s2, $0x9  }
0x1b6: {  	s7 =	simm.s32 $0x0;
	s0 =	sand.u32 $0x2000, s0;
	s3 =	sand.u32 $0x3FFFFE00, s1  }
0x1b7: {  	s4 =	sand.u32 $0x1C00, s7;
	s18 =	sand.u32 $0x60, s7;
	s13 =	sadd.s32 $0x3000, s0  }
0x1b8: {  	s0 =	sor.u32 $0x4000, s0;
	s5 =	sadd.s32 $0x7000, s4;
	[dreg:$0xa] =	wrdreg s13  }
0x1b9: {  	v0 =	vld [tilespmem:s3+$0x2800];
	[dreg:$0x9] =	wrdreg s0;
	s14 =	sor.u32 s18, s5  }
0x1ba: {  	v38 =	vld [tilespmem:s14+$0x200]  }
0x1bb: {  	v34 =	vld [tilespmem:s14+$0x0]  }
0x1bc: {  	s17 =	sand.u32 $0x3, s7;
	s15 =	rddreg [dreg:$0x9];
	v30 =	vld [tilespmem:s14+$0x80]  }
0x1bd: {  	s21 =	sand.u32 $0x200, s1;
	s20 =	sshll.u32 s17, $0x5;
	s16 =	rddreg [dreg:$0xa];
	v33 =	vld [tilespmem:s14+$0x100]  }
0x1be: {  	v31 =	vld [tilespmem:s14+$0x180];
	s12 =	sor.u32 s15, s4;
	s6 =	sadd.s32 s4, s16;
	s16 =	sadd.s32 $0x0, s20  }
0x1bf: {  	v1 =	vld [tilespmem:s14+$0x280];
	s2 =	sor.u32 s21, s12;
	s0 =	sor.u32 $0x300, s16;
	v12 =	vbroadcast v0, $0x0;
	v17 =	vbroadcast v0, $0x1  }
0x1c0: {  	s4 =	sadd.s32 s21, s6;
	s19 =	sor.u32 s18, s2;
	v21 =	vbroadcast v0, $0x2;
	v22 =	vbroadcast v0, $0x3;
	v32 =	vld [tilespmem:s0+$0x7000]  }
0x1c1: {  	s22 =	sadd.s32 s18, s4;
	v28 =	vbroadcast v0, $0x4;
	v18 =	vbroadcast v0, $0x5;
	v2 =	vld [tilespmem:s19+$0x9400]  }
0x1c2: {  	v3 =	vld [tilespmem:s22+$0x0];
	v4 =	vmul.f32 v34, v12;
	v5 =	vmul.f32 v30, v17  }
0x1c3: {  	v6 =	vmul.f32 v33, v21;
	v7 =	vmul.f32 v31, v22  }
0x1c4: {  	v8 =	vmul.f32 v38, v28;
	v9 =	vmul.f32 v1, v18  }
0x1c5: {  	s23 =	sor.u32 $0x80, s1;
	v25 =	vbroadcast v0, $0x6;
	v0 =	vadd.f32 v5, v4;
	v35 =	vadd.f32 v7, v6  }
0x1c6: {  	s24 =	sand.u32 $0x3FFFFE80, s23;
	v36 =	vadd.f32 v9, v8  }
0x1c7: {  	v37 =	vld [tilespmem:s24+$0x2800];
	v2 =	vadd.f32 v3, v2;
	v3 =	vmul.f32 v32, v25;
	v0 =	vadd.f32 v35, v0;
	_ =	sdelay $0x1  }
0x1c8: {  	v3 =	vadd.f32 v3, v36;
	v0 =	vadd.f32 v2, v0  }
0x1c9: {  	s25 =	sor.u32 $0x180, s1  }
0x1ca: {  	s8 =	sor.u32 $0x100, s1;
	s1 =	sand.u32 $0x3FFFFF80, s25;
	s22 =	sand.u32 $0x280, s23;
	v0 =	vadd.f32 v0, v3  }
0x1cb: {  	s9 =	sand.u32 $0x3FFFFF00, s8;
	v40 =	vld [tilespmem:s1+$0x2800];
	v19 =	vbroadcast v37, $0x0;
	v20 =	vbroadcast v37, $0x1;
	s0 =	sor.u32 s22, s12  }
0x1cc: {  	v23 =	vbroadcast v37, $0x2;
	v24 =	vbroadcast v37, $0x3;
	s11 =	sadd.s32 s22, s6;
	s14 =	sor.u32 s18, s0;
	v2 =	vld [tilespmem:s9+$0x2800];
	[tilespmem:s19+$0x11400] =	vst v0  }
0x1cd: {  	v26 =	vbroadcast v37, $0x4;
	v27 =	vbroadcast v37, $0x5;
	s15 =	sadd.s32 s18, s11;
	v0 =	vld [tilespmem:s14+$0x9400]  }
0x1ce: {  	v44 =	vmul.f32 v30, v20;
	v45 =	vmul.f32 v33, v23;
	v43 =	vld [tilespmem:s15+$0x0]  }
0x1cf: {  	v8 =	vmul.f32 v31, v24;
	v3 =	vmul.f32 v34, v19  }
0x1d0: {  	v10 =	vmul.f32 v1, v27;
	v9 =	vmul.f32 v38, v26  }
0x1d1: {  	v29 =	vbroadcast v37, $0x6;
	v46 =	vadd.f32 v8, v45;
	v3 =	vadd.f32 v44, v3  }
0x1d2: {  	v47 =	vadd.f32 v10, v9  }
0x1d3: {  	v48 =	vmul.f32 v32, v29;
	v3 =	vadd.f32 v46, v3;
	v0 =	vadd.f32 v43, v0;
	_ =	sdelay $0x1  }
0x1d4: {  	v49 =	vadd.f32 v48, v47;
	v0 =	vadd.f32 v0, v3;
	_ =	sdelay $0x1  }
0x1d5: {  	s20 =	sand.u32 $0x300, s8;
	v10 =	vbroadcast v2, $0x0;
	v0 =	vadd.f32 v0, v49  }
0x1d6: {  	s1 =	sor.u32 s20, s12;
	v11 =	vbroadcast v2, $0x1;
	v60 =	vbroadcast v2, $0x2  }
0x1d7: {  	s17 =	simm.s32 $0x100;
	s7 =	sadd.s32 s20, s6;
	v61 =	vbroadcast v2, $0x3;
	v62 =	vbroadcast v2, $0x4;
	s15 =	sor.u32 s18, s1;
	[tilespmem:s14+$0x11400] =	vst v0  }
0x1d8: {  	s10 =	simm.s32 $0x20;
	s8 =	sand.u32 $0x1C00, s17;
	s19 =	sadd.s32 s18, s7;
	v63 =	vbroadcast v2, $0x5;
	v8 =	vbroadcast v2, $0x6;
	v0 =	vld [tilespmem:s15+$0x9400]  }
0x1d9: {  	s9 =	sadd.s32 $0x7000, s8;
	v2 =	vmul.f32 v34, v10;
	v51 =	vmul.f32 v30, v11;
	s14 =	sand.u32 $0x60, s10;
	v50 =	vld [tilespmem:s19+$0x0]  }
0x1da: {  	v52 =	vmul.f32 v33, v60;
	v9 =	vmul.f32 v31, v61;
	s10 =	sor.u32 s14, s9  }
0x1db: {  	v35 =	vmul.f32 v38, v62;
	v39 =	vmul.f32 v1, v63;
	v37 =	vld [tilespmem:s10+$0x200]  }
0x1dc: {  	s13 =	rddreg [dreg:$0x9];
	v4 =	vbroadcast v40, $0x1;
	v2 =	vadd.f32 v51, v2;
	v9 =	vadd.f32 v9, v52;
	v36 =	vld [tilespmem:s10+$0x0]  }
0x1dd: {  	s26 =	sor.u32 s13, s8;
	v5 =	vbroadcast v40, $0x4;
	v7 =	vbroadcast v40, $0x5;
	v41 =	vadd.f32 v39, v35;
	v35 =	vld [tilespmem:s10+$0x80]  }
0x1de: {  	s17 =	rddreg [dreg:$0xa];
	s13 =	sor.u32 s21, s26;
	v42 =	vmul.f32 v32, v8;
	v2 =	vadd.f32 v9, v2;
	s19 =	simm.s32 $0x1;
	v39 =	vld [tilespmem:s10+$0x100];
	v0 =	vadd.f32 v50, v0  }
0x1df: {  	s28 =	sadd.s32 s8, s17;
	v6 =	vbroadcast v40, $0x2;
	v43 =	vmul.f32 v38, v5;
	s17 =	sor.u32 s14, s13;
	s19 =	sand.u32 $0x3, s19;
	v38 =	vld [tilespmem:s10+$0x180]  }
0x1e0: {  	s8 =	sadd.s32 s21, s28;
	v1 =	vmul.f32 v1, v7;
	v53 =	vld [tilespmem:s17+$0x9400];
	s19 =	sshll.u32 s19, $0x5;
	v0 =	vadd.f32 v0, v2;
	v2 =	vadd.f32 v42, v41  }
0x1e1: {  	s24 =	sand.u32 $0x380, s25;
	v30 =	vmul.f32 v30, v4;
	v9 =	vbroadcast v40, $0x3;
	s25 =	sadd.s32 s14, s8;
	v41 =	vld [tilespmem:s10+$0x280];
	s10 =	sadd.s32 $0x100, s19  }
0x1e2: {  	v33 =	vmul.f32 v33, v6;
	v45 =	vld [tilespmem:s25+$0x0];
	v46 =	vmul.f32 v36, v12;
	s23 =	sor.u32 $0x300, s10;
	v0 =	vadd.f32 v0, v2  }
0x1e3: {  	s12 =	sor.u32 s24, s12;
	v47 =	vmul.f32 v35, v17;
	v2 =	vmul.f32 v31, v9;
	v31 =	vld [tilespmem:s23+$0x7000]  }
0x1e4: {  	s6 =	sadd.s32 s24, s6;
	s3 =	sor.u32 s18, s12;
	v48 =	vmul.f32 v38, v22;
	[tilespmem:s15+$0x11400] =	vst v0;
	v0 =	vmul.f32 v39, v21  }
0x1e5: {  	v3 =	vbroadcast v40, $0x0;
	v44 =	vmul.f32 v37, v28;
	s19 =	sadd.s32 s18, s6;
	v49 =	vld [tilespmem:s3+$0x9400]  }
0x1e6: {  	v55 =	vadd.f32 v47, v46;
	v50 =	vmul.f32 v41, v18;
	v54 =	vld [tilespmem:s19+$0x0];
	v0 =	vadd.f32 v48, v0  }
0x1e7: {  	v1 =	vadd.f32 v1, v43;
	v34 =	vmul.f32 v34, v3;
	v42 =	vadd.f32 v45, v53  }
0x1e8: {  	v56 =	vadd.f32 v50, v44;
	v57 =	vmul.f32 v31, v25;
	v0 =	vadd.f32 v0, v55  }
0x1e9: {  	v34 =	vadd.f32 v30, v34;
	v30 =	vbroadcast v40, $0x6;
	v2 =	vadd.f32 v2, v33  }
0x1ea: {  	v33 =	vadd.f32 v57, v56;
	v0 =	vadd.f32 v42, v0  }
0x1eb: {  	v32 =	vmul.f32 v32, v30;
	v2 =	vadd.f32 v2, v34;
	v58 =	vadd.f32 v54, v49  }
0x1ec: {  	v0 =	vadd.f32 v0, v33  }
0x1ed: {  	s25 =	sadd.s32 s22, s28;
	v1 =	vadd.f32 v32, v1;
	v2 =	vadd.f32 v58, v2  }
0x1ee: {  	s23 =	sadd.s32 s14, s25;
	s19 =	sor.u32 s22, s26;
	[tilespmem:s17+$0x11400] =	vst v0  }
0x1ef: {  	v0 =	vadd.f32 v2, v1;
	s17 =	sor.u32 s14, s19;
	v1 =	vld [tilespmem:s23+$0x0];
	[dreg:$0xe] =	wrdreg s19  }
0x1f0: {  	s18 =	sor.u32 $0x10, s18;
	v45 =	vmul.f32 v35, v20;
	v46 =	vmul.f32 v38, v24;
	v59 =	vld [tilespmem:s17+$0x9400]  }
0x1f1: {  	s5 =	sor.u32 s18, s5;
	v2 =	vmul.f32 v36, v19;
	[tilespmem:s3+$0x11400] =	vst v0;
	v0 =	vmul.f32 v39, v23  }
0x1f2: {  	v47 =	vmul.f32 v37, v26;
	v56 =	vmul.f32 v41, v27;
	v50 =	vld [tilespmem:s5+$0x200]  }
0x1f3: {  	v2 =	vadd.f32 v45, v2;
	v48 =	vld [tilespmem:s5+$0x0];
	v0 =	vadd.f32 v46, v0  }
0x1f4: {  	v57 =	vadd.f32 v56, v47;
	v52 =	vld [tilespmem:s5+$0x80]  }
0x1f5: {  	v49 =	vld [tilespmem:s5+$0x100];
	v0 =	vadd.f32 v0, v2;
	v2 =	vmul.f32 v31, v29;
	v1 =	vadd.f32 v1, v59  }
0x1f6: {  	v53 =	vld [tilespmem:s5+$0x180]  }
0x1f7: {  	s3 =	sor.u32 s18, s2;
	v54 =	vld [tilespmem:s5+$0x280];
	v2 =	vadd.f32 v2, v57;
	v0 =	vadd.f32 v1, v0  }
0x1f8: {  	v32 =	vmul.f32 v37, v5;
	v43 =	vmul.f32 v39, v6;
	s19 =	sadd.s32 s18, s4;
	s23 =	sadd.s32 $0x10, s16;
	v40 =	vld [tilespmem:s3+$0x9400]  }
0x1f9: {  	v34 =	vmul.f32 v41, v7;
	v42 =	vmul.f32 v36, v3;
	s16 =	simm.s32 $0x200;
	v33 =	vld [tilespmem:s19+$0x0];
	s5 =	sor.u32 $0x300, s23;
	v0 =	vadd.f32 v0, v2  }
0x1fa: {  	s16 =	sand.u32 $0x1C00, s16;
	s23 =	sadd.s32 s20, s28;
	v45 =	vld [tilespmem:s5+$0x7000];
	v44 =	vmul.f32 v52, v17;
	v46 =	vmul.f32 v49, v21  }
0x1fb: {  	s5 =	simm.s32 $0x40;
	s19 =	sadd.s32 s14, s23;
	v47 =	vmul.f32 v53, v22;
	v2 =	vmul.f32 v48, v12;
	[tilespmem:s17+$0x11400] =	vst v0;
	s17 =	sadd.s32 $0x7000, s16  }
0x1fc: {  	s4 =	sand.u32 $0x60, s5;
	v51 =	vmul.f32 v54, v18;
	v57 =	vmul.f32 v37, v62;
	v56 =	vld [tilespmem:s19+$0x0];
	[dreg:$0x11] =	wrdreg s17  }
0x1fd: {  	v37 =	vadd.f32 v47, v46;
	v0 =	vmul.f32 v50, v28;
	v2 =	vadd.f32 v44, v2;
	s15 =	sor.u32 s4, s17;
	[dreg:$0xd] =	wrdreg s20;
	s20 =	sor.u32 s20, s26  }
0x1fe: {  	v36 =	vmul.f32 v36, v10;
	v39 =	vmul.f32 v39, v60;
	v33 =	vadd.f32 v33, v40;
	v55 =	vld [tilespmem:s15+$0x200];
	[dreg:$0x10] =	wrdreg s20;
	s17 =	sor.u32 s14, s20  }
0x1ff: {  	v58 =	vmul.f32 v45, v25;
	v0 =	vadd.f32 v51, v0;
	v2 =	vadd.f32 v37, v2;
	v40 =	vld [tilespmem:s17+$0x9400]  }
0x200: {  	v59 =	vmul.f32 v35, v11;
	v51 =	vmul.f32 v38, v61  }
0x201: {  	v41 =	vmul.f32 v41, v63;
	v0 =	vadd.f32 v58, v0;
	v2 =	vadd.f32 v33, v2  }
0x202: {  	v1 =	vmul.f32 v35, v4;
	v35 =	vld [tilespmem:s15+$0x280];
	v58 =	vadd.f32 v59, v36;
	v39 =	vadd.f32 v51, v39  }
0x203: {  	v41 =	vadd.f32 v41, v57;
	v37 =	vld [tilespmem:s15+$0x0];
	v0 =	vadd.f32 v2, v0  }
0x204: {  	v36 =	vld [tilespmem:s15+$0x80];
	v59 =	vmul.f32 v31, v8;
	v39 =	vadd.f32 v39, v58;
	v2 =	vadd.f32 v56, v40  }
0x205: {  	s11 =	sadd.s32 s18, s11;
	v32 =	vadd.f32 v34, v32;
	s2 =	simm.s32 $0x2;
	s19 =	rddreg [dreg:$0xa];
	v33 =	vmul.f32 v38, v9;
	v38 =	vld [tilespmem:s15+$0x100]  }
0x206: {  	v57 =	vmul.f32 v54, v27;
	s20 =	rddreg [dreg:$0x9];
	s29 =	sadd.s32 s16, s19;
	v51 =	vadd.f32 v59, v41;
	v40 =	vld [tilespmem:s15+$0x180];
	[tilespmem:s3+$0x11400] =	vst v0;
	s15 =	sand.u32 $0x3, s2;
	v2 =	vadd.f32 v2, v39  }
0x207: {  	v44 =	vmul.f32 v52, v20;
	v33 =	vadd.f32 v33, v43;
	v43 =	vmul.f32 v48, v19;
	s3 =	sor.u32 s18, s0;
	v34 =	vld [tilespmem:s11+$0x0];
	[tilespmem:$0x1FED0] =	vst v12;
	s19 =	sshll.u32 s15, $0x5;
	s11 =	sadd.s32 s21, s29  }
0x208: {  	v46 =	vmul.f32 v55, v28;
	v0 =	vmul.f32 v35, v18;
	s0 =	sor.u32 s20, s16;
	v41 =	vld [tilespmem:s3+$0x9400];
	s16 =	sadd.s32 $0x200, s19;
	s19 =	sadd.s32 s4, s11;
	v2 =	vadd.f32 v2, v51  }
0x209: {  	v1 =	vadd.f32 v1, v42;
	v56 =	vmul.f32 v53, v24;
	s30 =	sor.u32 s21, s0;
	v47 =	vld [tilespmem:s19+$0x0];
	[dreg:$0xb] =	wrdreg s21;
	s20 =	sor.u32 $0x300, s16;
	v51 =	vmul.f32 v49, v23  }
0x20a: {  	v42 =	vmul.f32 v37, v12;
	v0 =	vadd.f32 v0, v46;
	v46 =	vmul.f32 v50, v26;
	s19 =	sadd.s32 s24, s28;
	s21 =	sor.u32 s4, s30;
	v39 =	vld [tilespmem:s20+$0x7000];
	[tilespmem:s17+$0x11400] =	vst v2  }
0x20b: {  	s31 =	sor.u32 s24, s26;
	v43 =	vadd.f32 v44, v43;
	v58 =	vmul.f32 v36, v17;
	s26 =	sadd.s32 s14, s19;
	v2 =	vld [tilespmem:s21+$0x9400];
	v44 =	vadd.f32 v56, v51;
	[dreg:$0xf] =	wrdreg s24  }
0x20c: {  	s28 =	sor.u32 s14, s31;
	v46 =	vadd.f32 v57, v46;
	v59 =	vmul.f32 v40, v22;
	v56 =	vmul.f32 v38, v21;
	v51 =	vld [tilespmem:s26+$0x0]  }
0x20d: {  	v34 =	vadd.f32 v34, v41;
	v57 =	vld [tilespmem:s28+$0x9400];
	v41 =	vadd.f32 v44, v43;
	v43 =	vmul.f32 v45, v29  }
0x20e: {  	v42 =	vadd.f32 v58, v42;
	v56 =	vadd.f32 v59, v56  }
0x20f: {  	v34 =	vadd.f32 v34, v41;
	v43 =	vadd.f32 v43, v46  }
0x210: {  	v44 =	vadd.f32 v56, v42  }
0x211: {  	v58 =	vmul.f32 v39, v25;
	v2 =	vadd.f32 v47, v2;
	v34 =	vadd.f32 v34, v43  }
0x212: {  	v31 =	vmul.f32 v31, v30;
	v1 =	vadd.f32 v33, v1;
	v59 =	vadd.f32 v51, v57  }
0x213: {  	s7 =	sadd.s32 s18, s7;
	v0 =	vadd.f32 v58, v0;
	v2 =	vadd.f32 v2, v44;
	[tilespmem:s3+$0x11400] =	vst v34  }
0x214: {  	v31 =	vadd.f32 v31, v32;
	s20 =	sor.u32 s18, s1;
	v34 =	vld [tilespmem:s7+$0x0];
	v1 =	vadd.f32 v59, v1  }
0x215: {  	v32 =	vmul.f32 v48, v10;
	v33 =	vmul.f32 v52, v11;
	v0 =	vadd.f32 v2, v0;
	v2 =	vld [tilespmem:s20+$0x9400]  }
0x216: {  	v14 =	vmovc v60;
	v1 =	vadd.f32 v1, v31;
	v31 =	vmul.f32 v49, v60;
	v60 =	vmul.f32 v53, v61  }
0x217: {  	v51 =	vmul.f32 v54, v63;
	s7 =	sadd.s32 s22, s29;
	[tilespmem:s21+$0x11400] =	vst v0;
	v0 =	vmul.f32 v50, v62  }
0x218: {  	s1 =	sor.u32 $0x10, s14;
	s21 =	sadd.s32 s4, s7;
	[tilespmem:s28+$0x11400] =	vst v1;
	v1 =	vadd.f32 v33, v32;
	v31 =	vadd.f32 v60, v31  }
0x219: {  	s14 =	sor.u32 s22, s0;
	s8 =	sadd.s32 s1, s8;
	v46 =	vmul.f32 v55, v26;
	v56 =	vld [tilespmem:s21+$0x0];
	v0 =	vadd.f32 v51, v0;
	[dreg:$0xc] =	wrdreg s22  }
0x21a: {  	s15 =	sor.u32 s4, s14;
	v2 =	vadd.f32 v34, v2;
	v34 =	vmul.f32 v45, v8;
	v60 =	vld [tilespmem:s8+$0x0];
	v1 =	vadd.f32 v31, v1  }
0x21b: {  	v15 =	vmov v61;
	s24 =	sor.u32 s1, s9;
	v61 =	vmul.f32 v40, v24;
	v51 =	vmul.f32 v38, v23;
	v57 =	vld [tilespmem:s15+$0x9400]  }
0x21c: {  	v16 =	vmovc v63;
	v63 =	vmul.f32 v35, v27;
	v32 =	vld [tilespmem:s24+$0x200];
	v0 =	vadd.f32 v34, v0;
	v1 =	vadd.f32 v2, v1  }
0x21d: {  	v47 =	vmul.f32 v36, v20;
	v33 =	vmul.f32 v37, v19;
	v31 =	vld [tilespmem:s24+$0x0];
	v34 =	vadd.f32 v61, v51  }
0x21e: {  	v61 =	vadd.f32 v63, v46;
	v46 =	vld [tilespmem:s24+$0x100];
	v0 =	vadd.f32 v1, v0  }
0x21f: {  	v2 =	vadd.f32 v47, v33;
	v33 =	vld [tilespmem:s24+$0x80]  }
0x220: {  	v41 =	vmul.f32 v55, v5;
	v47 =	vld [tilespmem:s24+$0x180];
	[tilespmem:s20+$0x11400] =	vst v0  }
0x221: {  	s26 =	sadd.s32 s18, s6;
	v42 =	vmul.f32 v35, v7;
	v58 =	vmul.f32 v48, v3;
	v1 =	vadd.f32 v34, v2;
	v34 =	vld [tilespmem:s24+$0x280];
	[tilespmem:$0x1FEE0] =	vst v62  }
0x222: {  	v13 =	vmov v11;
	v63 =	vmul.f32 v39, v29;
	v62 =	vmul.f32 v55, v62;
	v55 =	vld [tilespmem:s26+$0x0];
	[tilespmem:$0x1FEF0] =	vst v5  }
0x223: {  	s6 =	sor.u32 s1, s13;
	v43 =	vmul.f32 v37, v3;
	v44 =	vmul.f32 v36, v4;
	v2 =	vadd.f32 v56, v57;
	[tilespmem:$0x1FF00] =	vst v7  }
0x224: {  	v54 =	vmul.f32 v54, v7;
	v59 =	vmul.f32 v52, v4;
	v0 =	vadd.f32 v63, v61;
	v63 =	vld [tilespmem:s6+$0x9400];
	[tilespmem:$0x1FF10] =	vst v3  }
0x225: {  	s13 =	sor.u32 s18, s12;
	v53 =	vmul.f32 v53, v9;
	v45 =	vmul.f32 v45, v30;
	v1 =	vadd.f32 v2, v1;
	[tilespmem:$0x1FF20] =	vst v4  }
0x226: {  	v12 =	vmovc v10;
	v10 =	vmov v8;
	s28 =	sadd.s32 $0x10, s10;
	v51 =	vmul.f32 v38, v6;
	v56 =	vmul.f32 v40, v9;
	v52 =	vld [tilespmem:s13+$0x9400];
	[tilespmem:$0x1FF30] =	vst v6  }
0x227: {  	s9 =	simm.s32 $0x4;
	s10 =	simm.s32 $0x300;
	s12 =	sor.u32 $0x300, s28;
	v57 =	vmul.f32 v50, v5;
	v61 =	vmul.f32 v49, v6;
	v0 =	vadd.f32 v1, v0;
	[tilespmem:$0x1FF40] =	vst v9  }
.LBB2_13:
0x228: {  	v5 =	vld [tilespmem:$0x1FED0];
	_ =	sdelay $0x1  }
0x229: {  	[dreg:$0x12] =	wrdreg s19;
	s19 =	sand.u32 $0x1C00, s10;
	s5 =	sadd.s32 $0x20, s5;
	v4 =	vmul.f32 v33, v17;
	v54 =	vadd.f32 v54, v57  }
0x22a: {  	v50 =	vld [tilespmem:s12+$0x7000];
	s18 =	sand.u32 $0x60, s5;
	s8 =	sadd.s32 $0x7000, s19;
	v57 =	vmul.f32 v32, v28;
	v58 =	vadd.f32 v59, v58;
	v53 =	vadd.f32 v53, v61;
	v48 =	vmovc v46  }
0x22b: {  	v43 =	vadd.f32 v44, v43;
	s20 =	sor.u32 s18, s8;
	v6 =	vmul.f32 v47, v22;
	v46 =	vmul.f32 v48, v21  }
0x22c: {  	s3 =	rddreg [dreg:$0xd];
	v44 =	vadd.f32 v56, v51;
	v1 =	vadd.f32 v60, v63;
	v49 =	vmovc v47;
	v47 =	vld [tilespmem:s20+$0x200];
	v2 =	vmul.f32 v31, v5  }
0x22d: {  	v60 =	vld [tilespmem:s20+$0x280];
	[tilespmem:s15+$0x11400] =	vst v0;
	s15 =	sadd.s32 s3, s29;
	v7 =	vmul.f32 v34, v18;
	v46 =	vadd.f32 v6, v46;
	v6 =	vadd.f32 v53, v58  }
0x22e: {  	s12 =	smov.u32 s1;
	v40 =	vmul.f32 v40, v15;
	s1 =	sor.u32 s3, s0;
	s21 =	sadd.s32 s4, s15;
	v2 =	vadd.f32 v4, v2;
	v4 =	vadd.f32 v55, v52  }
0x22f: {  	s17 =	sor.u32 s4, s1;
	v45 =	vadd.f32 v45, v54;
	v61 =	vmul.f32 v50, v25;
	v54 =	vld [tilespmem:s21+$0x0];
	v7 =	vadd.f32 v7, v57  }
0x230: {  	s22 =	rddreg [dreg:$0x9];
	v0 =	vmul.f32 v37, v12;
	v53 =	vld [tilespmem:s17+$0x9400];
	v2 =	vadd.f32 v46, v2;
	v4 =	vadd.f32 v4, v6  }
0x231: {  	s24 =	rddreg [dreg:$0xa];
	v63 =	vmul.f32 v36, v13;
	v37 =	vld [tilespmem:s20+$0x0];
	v55 =	vadd.f32 v61, v7;
	v6 =	vmul.f32 v38, v14  }
0x232: {  	s26 =	smov.u32 s25;
	s25 =	rddreg [dreg:$0xb];
	s22 =	sor.u32 s22, s19;
	v36 =	vld [tilespmem:s20+$0x80];
	v7 =	vmul.f32 v35, v16;
	v1 =	vadd.f32 v1, v2;
	v2 =	vadd.f32 v4, v45  }
0x233: {  	s28 =	smov.u32 s23;
	s23 =	sadd.s32 s19, s24;
	s3 =	sor.u32 s25, s22;
	v0 =	vadd.f32 v63, v0;
	v38 =	vld [tilespmem:s20+$0x100];
	v61 =	vadd.f32 v40, v6  }
0x234: {  	s21 =	sor.u32 s18, s3;
	v57 =	vadd.f32 v7, v62;
	v40 =	vld [tilespmem:s20+$0x180];
	s20 =	sadd.s32 s25, s23;
	v1 =	vadd.f32 v1, v55;
	[tilespmem:s13+$0x11400] =	vst v2  }
0x235: {  	s24 =	rddreg [dreg:$0xe];
	v53 =	vadd.f32 v54, v53;
	v4 =	vmul.f32 v39, v10;
	s25 =	sadd.s32 s18, s20;
	v0 =	vadd.f32 v61, v0;
	v2 =	vld [tilespmem:s21+$0x9400]  }
0x236: {  	s2 =	sadd.s32 $0x1, s2;
	v51 =	vmul.f32 v31, v19;
	v58 =	vadd.f32 v42, v41;
	v41 =	vmul.f32 v48, v23;
	s13 =	sor.u32 s12, s24;
	v54 =	vld [tilespmem:s25+$0x0];
	[tilespmem:s6+$0x11400] =	vst v1  }
0x237: {  	s19 =	sand.u32 $0x3, s2;
	s26 =	sadd.s32 s12, s26;
	v7 =	vmul.f32 v49, v24;
	v6 =	vadd.f32 v4, v57;
	v0 =	vadd.f32 v53, v0;
	v42 =	vld [tilespmem:s13+$0x9400]  }
0x238: {  	v55 =	vmul.f32 v37, v5;
	s24 =	sshll.u32 s19, $0x5;
	v4 =	vmul.f32 v32, v26;
	v46 =	vld [tilespmem:s26+$0x0]  }
0x239: {  	v5 =	vmul.f32 v34, v27;
	s19 =	sadd.s32 s24, s10;
	v53 =	vmul.f32 v33, v20;
	v0 =	vadd.f32 v0, v6  }
0x23a: {  	v41 =	vadd.f32 v7, v41;
	s25 =	smov.u32 s14;
	s14 =	rddreg [dreg:$0xf];
	v1 =	vmul.f32 v36, v17;
	s6 =	sor.u32 $0x300, s19  }
0x23b: {  	v59 =	vmul.f32 v50, v29;
	s24 =	sor.u32 s14, s0;
	v52 =	vadd.f32 v5, v4;
	v57 =	vld [tilespmem:s6+$0x7000];
	[tilespmem:s17+$0x11400] =	vst v0;
	v0 =	vadd.f32 v53, v51  }
0x23c: {  	v35 =	vmovc v60;
	s6 =	sor.u32 s4, s24;
	v7 =	vmul.f32 v40, v22;
	v6 =	vmul.f32 v38, v21;
	v1 =	vadd.f32 v1, v55;
	s17 =	sadd.s32 s14, s29  }
0x23d: {  	v63 =	vmul.f32 v35, v18;
	[dreg:$0xe] =	wrdreg s25;
	s25 =	smov.u32 s7;
	v53 =	vld [tilespmem:s6+$0x9400];
	s7 =	sadd.s32 s4, s17;
	v42 =	vadd.f32 v46, v42;
	v0 =	vadd.f32 v41, v0  }
0x23e: {  	v45 =	vmul.f32 v47, v28;
	v2 =	vadd.f32 v54, v2;
	v51 =	vadd.f32 v7, v6;
	v54 =	vld [tilespmem:s7+$0x0]  }
0x23f: {  	v46 =	vadd.f32 v59, v52;
	v0 =	vadd.f32 v42, v0  }
0x240: {  	v45 =	vadd.f32 v63, v45;
	v5 =	vld [tilespmem:$0x1FF10];
	v61 =	vmul.f32 v57, v25;
	v1 =	vadd.f32 v51, v1  }
0x241: {  	v9 =	vld [tilespmem:$0x1FF00];
	v0 =	vadd.f32 v0, v46  }
0x242: {  	s29 =	smov.u32 s23;
	v7 =	vld [tilespmem:$0x1FEF0];
	s23 =	rddreg [dreg:$0x10];
	v45 =	vadd.f32 v61, v45;
	v1 =	vadd.f32 v2, v1  }
0x243: {  	v62 =	vadd.f32 v44, v43;
	v6 =	vld [tilespmem:$0x1FF20];
	v2 =	vadd.f32 v54, v53;
	[tilespmem:s13+$0x11400] =	vst v0;
	s13 =	sor.u32 s12, s23  }
0x244: {  	v63 =	vmul.f32 v39, v30;
	v0 =	vadd.f32 v1, v45;
	v45 =	vld [tilespmem:s13+$0x9400]  }
0x245: {  	v4 =	vmul.f32 v49, v15;
	v43 =	vmul.f32 v37, v5;
	s7 =	sadd.s32 s12, s28;
	v2 =	vadd.f32 v2, v62;
	v62 =	vld [tilespmem:$0x1FEE0]  }
0x246: {  	s0 =	smov.u32 s22;
	s22 =	rddreg [dreg:$0xc];
	v39 =	vmovc v57;
	v52 =	vadd.f32 v63, v58;
	v57 =	vmul.f32 v34, v16;
	v59 =	vmul.f32 v36, v20;
	v51 =	vld [tilespmem:s7+$0x0]  }
0x247: {  	s26 =	smov.u32 s1;
	s14 =	sor.u32 s22, s0;
	v42 =	vmul.f32 v35, v9;
	v53 =	vmul.f32 v31, v12  }
0x248: {  	v8 =	vld [tilespmem:$0x1FF30];
	v54 =	vmul.f32 v33, v13;
	s23 =	smov.u32 s15;
	s15 =	sor.u32 s18, s14;
	s7 =	sadd.s32 s22, s29;
	[tilespmem:s21+$0x11400] =	vst v0;
	v0 =	vadd.f32 v2, v52;
	v2 =	vmul.f32 v48, v14  }
0x249: {  	[dreg:$0x10] =	wrdreg s26;
	v41 =	vmul.f32 v47, v7;
	v44 =	vmul.f32 v36, v6;
	s26 =	sadd.s32 s18, s7;
	v55 =	vld [tilespmem:s15+$0x9400]  }
0x24a: {  	s1 =	sor.u32 $0x10, s4;
	v58 =	vld [tilespmem:s26+$0x0];
	[tilespmem:s6+$0x11400] =	vst v0;
	v0 =	vadd.f32 v54, v53;
	v2 =	vadd.f32 v4, v2;
	v56 =	vmul.f32 v32, v62  }
0x24b: {  	v11 =	vld [tilespmem:$0x1FF40];
	v46 =	vmul.f32 v47, v26;
	v1 =	vmul.f32 v37, v19;
	s6 =	sor.u32 s1, s30;
	v45 =	vadd.f32 v51, v45  }
0x24c: {  	s28 =	sadd.s32 s1, s11;
	s21 =	rddreg [dreg:$0x11];
	v63 =	vld [tilespmem:s6+$0x9400];
	v0 =	vadd.f32 v2, v0;
	v2 =	vmul.f32 v50, v10;
	v57 =	vadd.f32 v57, v56  }
0x24d: {  	s4 =	smov.u32 s18;
	v1 =	vadd.f32 v59, v1;
	v52 =	vmul.f32 v38, v23;
	s18 =	sor.u32 s1, s21;
	v4 =	vmul.f32 v40, v24;
	v60 =	vld [tilespmem:s28+$0x0]  }
0x24e: {  	v59 =	vmul.f32 v35, v27;
	v61 =	vld [tilespmem:s18+$0x200];
	v0 =	vadd.f32 v45, v0;
	v2 =	vadd.f32 v2, v57  }
0x24f: {  	s9 =	sadd.s32 $0x2, s9;
	v54 =	vmul.f32 v34, v9;
	v51 =	vmul.f32 v38, v8;
	v3 =	vld [tilespmem:s18+$0x0];
	v52 =	vadd.f32 v4, v52  }
0x250: {  	p1 =	slt.u32 s9, $0x3E;
	v62 =	vmul.f32 v47, v62;
	v4 =	vld [tilespmem:s18+$0x80];
	v53 =	vadd.f32 v58, v55;
	v0 =	vadd.f32 v0, v2  }
.Ltmp7:
0x251: {  	s22 =	smov.u32 s8;
	v47 =	vld [tilespmem:s18+$0x180];
	v45 =	vadd.f32 v59, v46;
	v1 =	vadd.f32 v52, v1;
	v52 =	vmul.f32 v39, v29;
	(pc) =	sbr.rel @p1 .LBB2_13-.Ltmp7, $4  }
0x252: {  	s10 =	sadd.s32 $0x100, s10;
	s11 =	smov.u32 s20;
	[dreg:$0x11] =	wrdreg s22;
	v56 =	vmul.f32 v40, v11;
	v58 =	vmul.f32 v31, v5;
	v46 =	vld [tilespmem:s18+$0x100];
	[tilespmem:s13+$0x11400] =	vst v0  }
0x253: {  	s26 =	sadd.s32 $0x10, s16;
	s28 =	rddreg [dreg:$0x12];
	v59 =	vmul.f32 v33, v6;
	v1 =	vadd.f32 v53, v1;
	v2 =	vadd.f32 v52, v45;
	s13 =	sor.u32 s12, s31;
	v34 =	vld [tilespmem:s18+$0x280]  }
0x254: {  	s16 =	smov.u32 s19;
	s19 =	smov.u32 s17;
	s8 =	sadd.s32 s12, s28;
	v57 =	vmul.f32 v32, v7;
	v32 =	vmovc v61;
	v31 =	vmov v3;
	v61 =	vmul.f32 v48, v8;
	v52 =	vld [tilespmem:s13+$0x9400]  }
0x255: {  	s30 =	smov.u32 s3;
	v53 =	vmul.f32 v49, v11;
	v45 =	vmul.f32 v50, v30;
	v33 =	vmovc v4;
	s31 =	smov.u32 s24;
	v0 =	vadd.f32 v1, v2;
	s12 =	sor.u32 $0x300, s26;
	v55 =	vld [tilespmem:s8+$0x0]  }
0x256: {  	s2 =	rddreg [dreg:$0xd]  }
0x257: {  	s5 =	sadd.s32 s2, s29  }
0x258: {  	s8 =	sor.u32 s2, s0;
	[tilespmem:s15+$0x11400] =	vst v0;
	s28 =	sadd.s32 s4, s5  }
0x259: {  	s3 =	sor.u32 s4, s8;
	v0 =	vld [tilespmem:s28+$0x0]  }
0x25a: {  	v1 =	vmul.f32 v37, v12;
	v3 =	vmul.f32 v36, v13;
	v2 =	vld [tilespmem:s3+$0x9400]  }
0x25b: {  	v4 =	vmul.f32 v38, v14;
	v9 =	vmul.f32 v40, v15  }
0x25c: {  	v35 =	vmul.f32 v35, v16  }
0x25d: {  	v1 =	vadd.f32 v3, v1;
	v11 =	vadd.f32 v9, v4  }
0x25e: {  	v7 =	vmov v16;
	v16 =	vadd.f32 v35, v62  }
0x25f: {  	v35 =	vmul.f32 v39, v10;
	v1 =	vadd.f32 v11, v1;
	v0 =	vadd.f32 v0, v2;
	_ =	sdelay $0x1  }
0x260: {  	v36 =	vadd.f32 v35, v16;
	v0 =	vadd.f32 v0, v1;
	_ =	sdelay $0x1  }
0x261: {  	s10 =	rddreg [dreg:$0xf];
	v0 =	vadd.f32 v0, v36  }
0x262: {  	s0 =	sor.u32 s10, s0  }
0x263: {  	s15 =	sadd.s32 s10, s29;
	s9 =	sor.u32 s4, s0;
	[tilespmem:s3+$0x11400] =	vst v0  }
0x264: {  	s17 =	sadd.s32 s4, s15;
	v0 =	vld [tilespmem:s9+$0x9400]  }
0x265: {  	v37 =	vld [tilespmem:s17+$0x0];
	_ =	sdelay $0x2  }
0x266: {  	v38 =	vadd.f32 v44, v43;
	v40 =	vadd.f32 v56, v51  }
0x267: {  	v41 =	vadd.f32 v42, v41  }
0x268: {  	v42 =	vmul.f32 v39, v30;
	v2 =	vadd.f32 v40, v38;
	v0 =	vadd.f32 v37, v0;
	_ =	sdelay $0x1  }
0x269: {  	v43 =	vadd.f32 v42, v41;
	v0 =	vadd.f32 v0, v2;
	_ =	sdelay $0x1  }
0x26a: {  	v0 =	vadd.f32 v0, v43;
	_ =	sdelay $0x1  }
0x26b: {  	[tilespmem:s9+$0x11400] =	vst v0  }
0x26c: {  	v6 =	vld [tilespmem:$0x1FED0];
	_ =	sdelay $0x1  }
0x26d: {  	s18 =	sor.u32 $0x10, s4;
	s9 =	rddreg [dreg:$0x11]  }
0x26e: {  	v35 =	vld [tilespmem:s12+$0x7000];
	s9 =	sor.u32 s18, s9  }
0x26f: {  	v48 =	vmul.f32 v33, v17;
	v50 =	vmul.f32 v47, v22;
	v36 =	vld [tilespmem:s9+$0x0]  }
0x270: {  	v49 =	vmul.f32 v46, v21;
	v37 =	vld [tilespmem:s9+$0x80];
	v44 =	vmul.f32 v31, v6  }
0x271: {  	v51 =	vmul.f32 v32, v28;
	v38 =	vld [tilespmem:s9+$0x100]  }
0x272: {  	v62 =	vmul.f32 v34, v18;
	v56 =	vadd.f32 v50, v49;
	v39 =	vld [tilespmem:s9+$0x180];
	v0 =	vadd.f32 v48, v44  }
0x273: {  	v8 =	vadd.f32 v60, v63;
	v40 =	vld [tilespmem:s9+$0x200]  }
0x274: {  	s21 =	sadd.s32 $0x10, s16;
	s4 =	sor.u32 s18, s30;
	v3 =	vadd.f32 v62, v51;
	v9 =	vmul.f32 v35, v25;
	v42 =	vld [tilespmem:s9+$0x280];
	v0 =	vadd.f32 v56, v0  }
0x275: {  	v2 =	vld [tilespmem:s4+$0x9400];
	s9 =	sor.u32 $0x300, s21  }
0x276: {  	s20 =	sadd.s32 s18, s11;
	v11 =	vadd.f32 v9, v3;
	v41 =	vld [tilespmem:s9+$0x7000];
	v0 =	vadd.f32 v8, v0  }
0x277: {  	v44 =	vld [tilespmem:s20+$0x0];
	v48 =	vmul.f32 v36, v6;
	v49 =	vmul.f32 v37, v17  }
0x278: {  	v50 =	vmul.f32 v38, v21;
	v51 =	vmul.f32 v39, v22;
	v0 =	vadd.f32 v0, v11  }
0x279: {  	v62 =	vmul.f32 v42, v18;
	v56 =	vmul.f32 v40, v28  }
0x27a: {  	v60 =	vadd.f32 v49, v48;
	v1 =	vadd.f32 v51, v50;
	[tilespmem:s6+$0x11400] =	vst v0  }
0x27b: {  	s22 =	sadd.s32 s1, s25;
	v9 =	vmul.f32 v33, v20;
	v4 =	vadd.f32 v62, v56;
	s6 =	rddreg [dreg:$0xe]  }
0x27c: {  	v25 =	vmul.f32 v41, v25;
	v2 =	vadd.f32 v44, v2;
	v0 =	vadd.f32 v1, v60;
	v11 =	vld [tilespmem:s22+$0x0];
	s6 =	sor.u32 s1, s6  }
0x27d: {  	v43 =	vmul.f32 v47, v24;
	v8 =	vmul.f32 v31, v19;
	v63 =	vld [tilespmem:s6+$0x9400]  }
0x27e: {  	v28 =	vmul.f32 v46, v23;
	v4 =	vadd.f32 v25, v4;
	v0 =	vadd.f32 v2, v0  }
0x27f: {  	v48 =	vmul.f32 v32, v26;
	v49 =	vmul.f32 v34, v27;
	v44 =	vadd.f32 v9, v8  }
0x280: {  	v1 =	vadd.f32 v43, v28;
	v0 =	vadd.f32 v0, v4  }
0x281: {  	v50 =	vadd.f32 v49, v48  }
0x282: {  	s24 =	sor.u32 s18, s14;
	v51 =	vmul.f32 v35, v29;
	v1 =	vadd.f32 v1, v44;
	[tilespmem:s4+$0x11400] =	vst v0;
	v3 =	vadd.f32 v11, v63  }
0x283: {  	s7 =	sadd.s32 s18, s7;
	v6 =	vmul.f32 v37, v20;
	v60 =	vld [tilespmem:s24+$0x9400]  }
0x284: {  	v8 =	vmul.f32 v38, v23;
	v2 =	vadd.f32 v51, v50;
	v62 =	vld [tilespmem:s7+$0x0];
	v56 =	vadd.f32 v3, v1  }
0x285: {  	v9 =	vmul.f32 v39, v24;
	v63 =	vmul.f32 v36, v19  }
0x286: {  	v21 =	vmul.f32 v42, v27;
	v11 =	vmul.f32 v40, v26;
	v0 =	vadd.f32 v56, v2  }
0x287: {  	v22 =	vadd.f32 v9, v8;
	v4 =	vadd.f32 v6, v63  }
0x288: {  	v48 =	vmul.f32 v33, v13;
	v26 =	vadd.f32 v54, v57;
	v2 =	vadd.f32 v21, v11;
	[tilespmem:s6+$0x11400] =	vst v0  }
0x289: {  	s25 =	sadd.s32 s1, s23;
	v25 =	vmul.f32 v41, v29;
	v23 =	vadd.f32 v62, v60;
	v24 =	vadd.f32 v22, v4;
	s6 =	rddreg [dreg:$0x10];
	v54 =	vld [tilespmem:$0x1FEE0]  }
0x28a: {  	v49 =	vmul.f32 v46, v14;
	v44 =	vmul.f32 v31, v12;
	v28 =	vld [tilespmem:s25+$0x0];
	s6 =	sor.u32 s1, s6  }
0x28b: {  	v50 =	vmul.f32 v47, v15;
	v0 =	vadd.f32 v23, v24;
	v29 =	vadd.f32 v25, v2;
	v27 =	vld [tilespmem:s6+$0x9400]  }
0x28c: {  	v51 =	vadd.f32 v53, v61;
	v3 =	vadd.f32 v48, v44  }
0x28d: {  	v56 =	vadd.f32 v50, v49;
	v0 =	vadd.f32 v0, v29  }
0x28e: {  	v53 =	vadd.f32 v55, v52;
	v57 =	vmul.f32 v34, v7;
	v55 =	vmul.f32 v32, v54  }
0x28f: {  	s26 =	sor.u32 s18, s8;
	v43 =	vadd.f32 v59, v58;
	v58 =	vmul.f32 v35, v10;
	v3 =	vadd.f32 v56, v3;
	[tilespmem:s24+$0x11400] =	vst v0  }
0x290: {  	s5 =	sadd.s32 s18, s5;
	v61 =	vmul.f32 v36, v12;
	v59 =	vld [tilespmem:s26+$0x9400];
	v16 =	vadd.f32 v28, v27;
	v0 =	vadd.f32 v57, v55  }
0x291: {  	v63 =	vmul.f32 v39, v15;
	v11 =	vmul.f32 v37, v13;
	v60 =	vld [tilespmem:s5+$0x0]  }
0x292: {  	v62 =	vmul.f32 v38, v14;
	v3 =	vadd.f32 v16, v3;
	v0 =	vadd.f32 v58, v0  }
0x293: {  	v5 =	vmovc v10;
	v7 =	vmul.f32 v42, v7;
	v10 =	vadd.f32 v11, v61;
	v6 =	vmul.f32 v40, v54  }
0x294: {  	v16 =	vadd.f32 v63, v62;
	v0 =	vadd.f32 v3, v0  }
0x295: {  	v17 =	vadd.f32 v7, v6  }
0x296: {  	v8 =	vmul.f32 v41, v5;
	v19 =	vadd.f32 v60, v59;
	v10 =	vadd.f32 v16, v10;
	[tilespmem:s6+$0x11400] =	vst v0  }
0x297: {  	s28 =	sor.u32 s1, s31;
	v25 =	vld [tilespmem:$0x1FEF0]  }
0x298: {  	v22 =	vadd.f32 v8, v17;
	v20 =	vadd.f32 v19, v10;
	v24 =	vld [tilespmem:s28+$0x9400]  }
0x299: {  	s29 =	sadd.s32 s1, s19;
	v27 =	vld [tilespmem:$0x1FF00]  }
0x29a: {  	v29 =	vld [tilespmem:s29+$0x0];
	v2 =	vadd.f32 v20, v22  }
0x29b: {  	v1 =	vadd.f32 v51, v43;
	v43 =	vld [tilespmem:$0x1FF20]  }
0x29c: {  	v4 =	vadd.f32 v45, v26;
	v26 =	vmul.f32 v32, v25;
	v32 =	vld [tilespmem:$0x1FF10];
	[tilespmem:s26+$0x11400] =	vst v2  }
0x29d: {  	v45 =	vld [tilespmem:$0x1FF30]  }
0x29e: {  	v9 =	vld [tilespmem:$0x1FF40];
	_ =	sdelay $0x1  }
0x29f: {  	v23 =	vadd.f32 v53, v1;
	v28 =	vmul.f32 v34, v27;
	v44 =	vmul.f32 v33, v43  }
0x2a0: {  	s30 =	sor.u32 s18, s0;
	v51 =	vmul.f32 v37, v43;
	v54 =	vmul.f32 v40, v25  }
0x2a1: {  	s0 =	sadd.s32 s18, s15;
	v0 =	vadd.f32 v23, v4;
	v49 =	vld [tilespmem:s30+$0x9400];
	v34 =	vmul.f32 v31, v32;
	v50 =	vmul.f32 v36, v32  }
0x2a2: {  	v1 =	vadd.f32 v29, v24;
	v52 =	vld [tilespmem:s0+$0x0];
	v46 =	vmul.f32 v46, v45;
	v48 =	vmul.f32 v47, v9  }
0x2a3: {  	[tilespmem:s13+$0x11400] =	vst v0;
	v3 =	vadd.f32 v28, v26;
	v53 =	vmul.f32 v38, v45;
	v9 =	vmul.f32 v39, v9  }
0x2a4: {  	v55 =	vmul.f32 v42, v27;
	s31 =	sld [smem:$0x7FA];
	v4 =	vadd.f32 v44, v34;
	v2 =	vadd.f32 v48, v46  }
0x2a5: {  	v56 =	vadd.f32 v51, v50;
	v6 =	vadd.f32 v9, v53  }
0x2a6: {  	v57 =	vmul.f32 v35, v30;
	v58 =	vadd.f32 v55, v54;
	v2 =	vadd.f32 v2, v4  }
0x2a7: {  	v59 =	vmul.f32 v41, v30;
	s2 =	sadd.s32 $0x1, s31;
	v60 =	vadd.f32 v52, v49;
	v6 =	vadd.f32 v6, v56  }
0x2a8: {  	v3 =	vadd.f32 v57, v3;
	p1 =	sne.s32 s2, $0x4;
	v1 =	vadd.f32 v1, v2  }
.Ltmp8:
0x2a9: {  	v61 =	vadd.f32 v59, v58;
	v62 =	vadd.f32 v60, v6;
	(pc) =	sbr.rel @p1 .LBB2_12-.Ltmp8, $4  }
0x2aa: {  	v1 =	vadd.f32 v1, v3  }
0x2ab: {  	v63 =	vadd.f32 v62, v61  }
0x2ac: {  	[tilespmem:s28+$0x11400] =	vst v1  }
0x2ad: {  	[tilespmem:s30+$0x11400] =	vst v63  }
0x2ae: {  	s1 =	sld [smem:$0x7FB];
	_ =	sdelay $0x1  }
.Ltmp9:
0x2af: {  	s0 =	rddreg [dreg:$0x1c];
	(pc) =	sbr.rel @p0 .LBB2_17-.Ltmp9, $4  }
0x2b0: {  	s0 =	sadd.s32 s1, s0  }
0x2b1: {  	s31 =	rddreg [dreg:$0x5];
	s0 =	sshrl.u32 s0, $0x3  }
0x2b2: {  	s2 =	simm.s32 $0x0;
	s30 =	simm.s32 $0x15400;
	s0 =	sadd.s32 s31, s0  }
0x2b3: {  	[hbm4b:s0+s2] =	stream.linear.scatter [tilespmem:s30], [sflag:$0x4], $0x4000, $0x38;
	[tilespmem:$0x19400] =	vst v63  }
0x2b4: {  	s0 =	sld [smem:$0x7FD];
	_ =	sdelay $0x2  }
0x2b5: {  	s0 =	sadd.s32 $0x3, s0  }
0x2b6: {  	s1 =	sshll.u32 s0, $0x7  }
0x2b7: {  	s1 =	sand.u32 $0x3FFFFF80, s1  }
0x2b8: {  	v0 =	vld [tilespmem:s1+$0x0];
	_ =	sdelay $0x2  }
0x2b9: {  	v63 =	vld [tilespmem:$0x1FFD0];
	_ =	sdelay $0x1  }
0x2ba: {  	v2 =	vld [tilespmem:$0x1FFE0];
	v1 =	vshll.u32 v0, $0x3  }
0x2bb: {  	v0 =	vand.u32 $0x7, v0;
	v1 =	vand.u32 $0xFFFFFFC0, v1  }
0x2bc: {  	v0 =	vor.u32 v0, v1  }
0x2bd: {  	v1 =	vperm.xlane v0, v63;
	_ =	sdelay $0x1  }
0x2be: {  	v1 =	vadd.s32 v2, v1  }
0x2bf: {  	v3 =	vld [tilespmem:$0x1FFF0];
	_ =	sdelay $0x2  }
0x2c0: {  	s30 =	rddreg [dreg:$0x1];
	s17 =	simm.s32 $0xD400  }
0x2c1: {  	[tilespmem:s17], [sflag:$0x2] =	stream.indirect_vreg.gather [hbm4b:s30+s2], $0x80, v1, vm0, $0xb8;
	[tilespmem:$0x19400] =	vst v63  }
0x2c2: {  	s18 =	rddreg [dreg:$0x15];
	s3 =	simm.s32 $0xDC00;
	v0 =	vperm.xlane v0, v3  }
0x2c3: {  	[tilespmem:s3], [sflag:$0x2] =	stream.indirect_vreg.gather [hbm4b:s18+s2], $0x80, v1, vm0, $0xb8;
	[tilespmem:$0x19400] =	vst v63  }
0x2c4: {  	s19 =	rddreg [dreg:$0x16];
	s4 =	simm.s32 $0xE400;
	v0 =	vadd.s32 v2, v0  }
0x2c5: {  	[tilespmem:s4], [sflag:$0x2] =	stream.indirect_vreg.gather [hbm4b:s19+s2], $0x80, v1, vm0, $0xb8;
	[tilespmem:$0x19400] =	vst v63  }
0x2c6: {  	s20 =	rddreg [dreg:$0x18];
	s5 =	simm.s32 $0xEC00  }
0x2c7: {  	[tilespmem:s5], [sflag:$0x2] =	stream.indirect_vreg.gather [hbm4b:s20+s2], $0x80, v1, vm0, $0xb8;
	[tilespmem:$0x19400] =	vst v63  }
0x2c8: {  	s21 =	simm.s32 $0xF400  }
0x2c9: {  	[tilespmem:s21], [sflag:$0x2] =	stream.indirect_vreg.gather [hbm4b:s30+s2], $0x80, v0, vm0, $0xb8;
	[tilespmem:$0x19400] =	vst v63  }
0x2ca: {  	s22 =	simm.s32 $0xFC00  }
0x2cb: {  	[tilespmem:s22], [sflag:$0x2] =	stream.indirect_vreg.gather [hbm4b:s18+s2], $0x80, v0, vm0, $0xb8;
	[tilespmem:$0x19400] =	vst v63  }
0x2cc: {  	s23 =	simm.s32 $0x10400;
	s25 =	rddreg [dreg:$0x1a];
	s0 =	sshll.u32 s0, $0xB  }
0x2cd: {  	[tilespmem:s23], [sflag:$0x2] =	stream.indirect_vreg.gather [hbm4b:s19+s2], $0x80, v0, vm0, $0xb8;
	[tilespmem:$0x19400] =	vst v63  }
.Ltmp10:
0x2ce: {  	s29 =	sld [smem:$0x7FC];
	s0 =	sadd.s32 s25, s0;
	(pc) =	sbr.rel .LBB2_7-.Ltmp10, $4  }
0x2cf: {  	s24 =	simm.s32 $0x10C00;
	s26 =	rddreg [dreg:$0x13];
	s0 =	sshrl.u32 s0, $0x3  }
0x2d0: {  	[tilespmem:s24], [sflag:$0x2] =	stream.indirect_vreg.gather [hbm4b:s20+s2], $0x80, v0, vm0, $0xb8;
	[tilespmem:$0x19400] =	vst v63  }
0x2d1: {  	s28 =	simm.s32 $0x2800;
	s0 =	sadd.s32 s26, s0;
	s5 =	sadd.s32 $0x1, s29  }
0x2d2: {  	[tilespmem:s28], [sflag:$0x6] =	stream.linear.gather [hbm4b:s0+s2], $0x800, $0x38;
	[tilespmem:$0x19400] =	vst v63  }
.LBB2_18:
0x2d3: {  	_ =	sfence.sel $0x180000  }
0x2d4: {  	[bflag:$0x0] =	sbarrier.arrive $0xFFFF  }
0x2d5: {  	_ =	strace $0x90000047  }
0x2d6: {  	s0 =	stileid.u32;
	[bflag:$0x2] =	sbarrier.arrive $0xFFFF  }
0x2d7: {  	p0 =	sne.s32 s0, $0x0;
	s0 =	rddreg [dreg:$0x6]  }
0x2d8: {  	s0 =	sadd.s32 @!p0 $0x100000, s0  }
0x2d9: {  	[sflag:s0] =	ssyncadd.tile.s32 @!p0 $0x1;
	_ =	shalt  }
.Lfunc_end2:
_tile_overlayer_lowered:
.L_overlay_start_2:
0x2da: {  	(tag) =	ssettag $0x2  }
0x2db: {  	s0 =	rddreg [dreg:$0x0];
	s2 =	stileid.u32  }
0x2dc: {  	s1 =	rddreg [dreg:$0x1];
	p0 =	sne.s32 s2, $0x0  }
0x2dd: {  	s3 =	rddreg [dreg:$0x2];
	[bflag:$0x3] =	sbarrier.arrive $0xFFFF;
	s2 =	simm.s32 @!p0 $0x1C07  }
0x2de: {  	[timem:s3], [sflag:s2] =	dma.local @!p0 [hbm:s0], s1  }
0x2df: {  	s0 =	simm.s32 @!p0 $0x7  }
0x2e0: {  	_ =	swait.ge @!p0 [sflag:s0], s1  }
0x2e1: {  	s1 =	ssub.s32 @!p0 $0x0, s1;
	[sflag:s0] =	ssyncset.done @!p0 $0x0  }
0x2e2: {  	[sflag:s0] =	ssyncadd.s32 @!p0 s1  }
0x2e3: {  	[bflag:$0x3] =	sbarrier.arrive $0xFFFF  }
0x2e4: {  	_ =	shalt  }

</sc_bundles>
